<compile_context>
chip_gen: v7x
topology: tpu7x:2x2x1
jax: 0.10.2.dev20260603
libtpu: 0.0.44.dev20260713+nightly
codegen_flags: <defaults>
</compile_context>

<pallas_src>
import functools

import jax
import jax.numpy as jnp
from jax import lax
from jax.experimental import pallas as pl
from jax.experimental.pallas import tpu as pltpu
from jax.experimental.pallas import tpu_sc as plsc

N = 10000
E = 320000
D = 128
M = 16
H = 256
L = 128

NP = 10240
NTILE = 16
NCORE = 2
NW = NTILE * NCORE
EP = 327680
SEGE = 5120
GPS = SEGE // 16
NSEG = EP // SEGE
F1 = 160
RPT = NP // NTILE

_MESH = dict(core_axis_name="c", subcore_axis_name="s")


@functools.partial(
    pl.kernel,
    out_type=jax.ShapeDtypeStruct((NW * NP,), jnp.float32),
    mesh=plsc.VectorSubcoreMesh(**_MESH),
    compiler_params=pltpu.CompilerParams(needs_layout_passes=False),
    scratch_types=[
        pltpu.VMEM((NP,), jnp.float32),
        pltpu.VMEM((SEGE,), jnp.int32),
    ],
)
def _sc_deg_split(zeros_hbm, dst_hbm, out_hbm, acc, idx_d):
    c = lax.axis_index("c")
    s = lax.axis_index("s")
    w = c * NTILE + s
    epw = EP // NW
    pltpu.sync_copy(zeros_hbm, acc)
    ones = acc[pl.ds(0, 16)] + 1.0

    def seg(g, carry):
        pltpu.sync_copy(dst_hbm.at[pl.ds(w * epw + g * SEGE, SEGE)], idx_d)

        @plsc.parallel_loop(0, GPS, step=1, unroll=8)
        def stepfn(j):
            didx = idx_d[pl.ds(j * 16, 16)]
            plsc.addupdate_scatter(acc, [didx], ones)

        return carry

    lax.fori_loop(0, epw // SEGE, seg, 0)
    pltpu.sync_copy(acc, out_hbm.at[pl.ds(w * NP, NP)])


def _make_reg_agg(cols, qoff):
    cn = cols * NP

    @functools.partial(
        pl.kernel,
        out_type=jax.ShapeDtypeStruct((NW * cn,), jnp.float32),
        mesh=plsc.VectorSubcoreMesh(**_MESH),
        compiler_params=pltpu.CompilerParams(needs_layout_passes=False),
        scratch_types=[
            pltpu.VMEM((cn,), jnp.float32),
            pltpu.VMEM((cn,), jnp.float32),
            pltpu.VMEM((SEGE,), jnp.int32),
            pltpu.VMEM((SEGE,), jnp.int32),
            pltpu.VMEM((SEGE,), jnp.int32),
            pltpu.VMEM((SEGE,), jnp.int32),
            pltpu.SemaphoreType.DMA,
            pltpu.SemaphoreType.DMA,
        ],
    )
    def agg_kernel(y_hbm, src_hbm, dst_hbm, out_hbm, ycols, acc,
                   is0, id0, is1, id1, sem_a, sem_b):
        c = lax.axis_index("c")
        s = lax.axis_index("s")
        w = c * NTILE + s
        gbase = (qoff + w * cols) * NP
        pltpu.sync_copy(y_hbm.at[pl.ds(gbase, cn)], ycols)
        pltpu.sync_copy(y_hbm.at[pl.ds(gbase, cn)], acc)

        def fire_seg(g, ds_ref, dd_ref, sem):
            pltpu.async_copy(src_hbm.at[pl.ds(g * SEGE, SEGE)], ds_ref, sem)
            pltpu.async_copy(dst_hbm.at[pl.ds(g * SEGE, SEGE)], dd_ref, sem)

        def wait_seg(ds_ref, dd_ref, sem):
            pltpu.make_async_copy(src_hbm.at[pl.ds(0, SEGE)], ds_ref, sem).wait()
            pltpu.make_async_copy(src_hbm.at[pl.ds(0, SEGE)], dd_ref, sem).wait()

        def process(ds_ref, dd_ref):
            @plsc.parallel_loop(0, GPS, step=1, unroll=8)
            def step(j):
                sidx = ds_ref[pl.ds(j * 16, 16)]
                didx = dd_ref[pl.ds(j * 16, 16)]
                for k in range(cols):
                    o = k * NP
                    v = plsc.load_gather(ycols, [sidx + o])
                    plsc.addupdate_scatter(acc, [didx + o], v)

        fire_seg(0, is0, id0, sem_a)

        def pair(i, carry):
            g = 2 * i
            wait_seg(is0, id0, sem_a)
            fire_seg(g + 1, is1, id1, sem_b)
            process(is0, id0)
            wait_seg(is1, id1, sem_b)
            fire_seg(lax.rem(g + 2, NSEG), is0, id0, sem_a)
            process(is1, id1)
            return carry

        lax.fori_loop(0, NSEG // 2, pair, 0)
        wait_seg(is0, id0, sem_a)
        pltpu.sync_copy(acc, out_hbm.at[pl.ds(w * cn, cn)])

    return agg_kernel


_sc_agg1 = _make_reg_agg(F1 // NW, 0)
_sc_agg2a = _make_reg_agg(L // NW, 0)
_sc_agg2b = _make_reg_agg(L // NW, L)


def _dinv_row(d_ref):
    deg = 1.0 + jnp.sum(d_ref[...], axis=0, keepdims=True)
    return lax.rsqrt(deg)


def _tc_prep_y(mesh_pad, mat_pad, deg2):
    BR = 256
    NB = NP // BR

    def body(mesh_ref, mat_ref, d_ref, y_ref):
        dinv = _dinv_row(d_ref)
        x = jnp.concatenate(
            [mesh_ref[...], mat_ref[...], jnp.zeros((BR, H - D - M), jnp.float32)],
            axis=1)
        y_ref[...] = jnp.transpose(x)[:F1, :] * dinv

    return pl.pallas_call(
        body,
        grid=(NB,),
        in_specs=[
            pl.BlockSpec((BR, D), lambda b: (b, 0)),
            pl.BlockSpec((BR, M), lambda b: (b, 0)),
            pl.BlockSpec((NW, BR), lambda b: (0, b)),
        ],
        out_specs=pl.BlockSpec((F1, BR), lambda b: (0, b)),
        out_shape=jax.ShapeDtypeStruct((F1, NP), jnp.float32),
    )(mesh_pad, mat_pad, deg2)


def _tc_layer1(agg1T, deg2, W1pT, b1bc):
    BR = 256
    NB = NP // BR

    def body(a_ref, d_ref, w_ref, b_ref, o_ref):
        dinv = _dinv_row(d_ref)
        t = jnp.concatenate(
            [a_ref[...] * dinv, jnp.zeros((H - F1, BR), jnp.float32)], axis=0)
        h = jnp.dot(w_ref[...], t, preferred_element_type=jnp.float32)
        h = jnp.maximum(h + b_ref[:, 0:1], 0.0)
        o_ref[...] = h * dinv

    return pl.pallas_call(
        body,
        grid=(NB,),
        in_specs=[
            pl.BlockSpec((F1, BR), lambda b: (0, b)),
            pl.BlockSpec((NW, BR), lambda b: (0, b)),
            pl.BlockSpec((H, H), lambda b: (0, 0)),
            pl.BlockSpec((H, L), lambda b: (0, 0)),
        ],
        out_specs=pl.BlockSpec((H, BR), lambda b: (0, b)),
        out_shape=jax.ShapeDtypeStruct((H, NP), jnp.float32),
    )(agg1T, deg2, W1pT, b1bc)


def _tc_outputs(a2a, a2b, deg2, WmuT, WlvT, bmubc, blvbc):
    BR = 256
    NB = NP // BR

    def body(aa_ref, ab_ref, d_ref, wm_ref, wl_ref, bm_ref, bl_ref,
             mu_ref, lv_ref):
        dinv = _dinv_row(d_ref)
        z = jnp.concatenate([aa_ref[...], ab_ref[...]], axis=0) * dinv
        muT = jnp.dot(wm_ref[...], z,
                      preferred_element_type=jnp.float32) + bm_ref[:, 0:1]
        lvT = jnp.dot(wl_ref[...], z,
                      preferred_element_type=jnp.float32) + bl_ref[:, 0:1]
        mu_ref[...] = jnp.transpose(muT)
        lv_ref[...] = jnp.transpose(lvT)

    return pl.pallas_call(
        body,
        grid=(NB,),
        in_specs=[
            pl.BlockSpec((L, BR), lambda b: (0, b)),
            pl.BlockSpec((L, BR), lambda b: (0, b)),
            pl.BlockSpec((NW, BR), lambda b: (0, b)),
            pl.BlockSpec((L, H), lambda b: (0, 0)),
            pl.BlockSpec((L, H), lambda b: (0, 0)),
            pl.BlockSpec((L, L), lambda b: (0, 0)),
            pl.BlockSpec((L, L), lambda b: (0, 0)),
        ],
        out_specs=[
            pl.BlockSpec((BR, L), lambda b: (b, 0)),
            pl.BlockSpec((BR, L), lambda b: (b, 0)),
        ],
        out_shape=[
            jax.ShapeDtypeStruct((NP, L), jnp.float32),
            jax.ShapeDtypeStruct((NP, L), jnp.float32),
        ],
    )(a2a, a2b, deg2, WmuT, WlvT, bmubc, blvbc)


def kernel(mesh_node, edge_index, material_params, W1, b1, Wmu, bmu, Wlv, blv):
    padv = jnp.full((EP - E,), N, jnp.int32)
    src_p = jnp.concatenate([edge_index[0], padv])
    dst_p = jnp.concatenate([edge_index[1], padv])

    mesh_pad = jnp.zeros((NP, D), jnp.float32).at[:N].set(mesh_node)
    mat_pad = jnp.zeros((NP, M), jnp.float32).at[:N].set(material_params)
    W1pT = jnp.zeros((H, H), jnp.float32).at[:, :D + M].set(W1.T)
    b1bc = jnp.broadcast_to(b1[:, None], (H, L))
    bmubc = jnp.broadcast_to(bmu[:, None], (L, L))
    blvbc = jnp.broadcast_to(blv[:, None], (L, L))

    zf = jnp.zeros((NP,), jnp.float32)
    deg2 = _sc_deg_split(zf, dst_p).reshape(NW, NP)
    yT = _tc_prep_y(mesh_pad, mat_pad, deg2)
    agg1T = _sc_agg1(yT.reshape(-1), src_p, dst_p).reshape(F1, NP)
    y1T = _tc_layer1(agg1T, deg2, W1pT, b1bc)
    y1flat = y1T.reshape(-1)
    a2a = _sc_agg2a(y1flat, src_p, dst_p).reshape(L, NP)
    a2b = _sc_agg2b(y1flat, src_p, dst_p).reshape(L, NP)
    mu, lv = _tc_outputs(a2a, a2b, deg2, Wmu.T, Wlv.T, bmubc, blvbc)
    return (mu[:N], lv[:N])

# --- scband reference (transcript-rebuilt; emitter-appended) ---
"""Pipeline reference for scband-encoder-61306363183553 (READ-ONLY COPY).

The authoritative reference and input builder live on the scoring server;
editing this copy changes nothing except your own understanding.
"""

import jax, jax.numpy as jnp
import numpy as np

N = 10000
E = 320000
D = 128
M = 16
H = 256
L = 128


def _glorot(key, shape):
    lim = np.sqrt(6.0 / (shape[0] + shape[1]))
    return jax.random.uniform(key, shape, dtype=jnp.float32, minval=-lim, maxval=lim)


def setup_inputs(seed: int = 0) -> dict:
    key = jax.random.key(seed)
    ks = jax.random.split(key, 10)
    mesh_node = jax.random.normal(ks[0], (N, D), dtype=jnp.float32)
    material_params = jax.random.uniform(ks[1], (N, M), dtype=jnp.float32)
    edge_index = jax.random.randint(ks[2], (2, E), 0, N, dtype=jnp.int32)
    W1 = _glorot(ks[3], (D + M, H))
    b1 = jnp.zeros((H,), dtype=jnp.float32)
    Wmu = _glorot(ks[4], (H, L))
    bmu = jnp.zeros((L,), dtype=jnp.float32)
    Wlv = _glorot(ks[5], (H, L))
    blv = jnp.zeros((L,), dtype=jnp.float32)
    return {"mesh_node": mesh_node, "edge_index": edge_index, "material_params": material_params,
            "W1": W1, "b1": b1, "Wmu": Wmu, "bmu": bmu, "Wlv": Wlv, "blv": blv}


def _gcn_conv(x, src, dst, W, b, num_nodes):
    # GCNConv: h = x @ W; symmetric normalization with self-loops; scatter-add aggregate; + bias
    h = x @ W
    ones = jnp.ones((src.shape[0],), dtype=h.dtype)
    deg = jnp.zeros((num_nodes,), dtype=h.dtype).at[dst].add(ones)
    dinv = jax.lax.rsqrt(jnp.maximum(deg, 1e-12))
    norm = dinv[src] * dinv[dst]
    msg = h[src] * norm[:, None]
    out = jnp.zeros((num_nodes, h.shape[1]), dtype=h.dtype).at[dst].add(msg)
    return out + b


def reference(mesh_node, edge_index, material_params, W1, b1, Wmu, bmu, Wlv, blv):
    num_nodes = mesh_node.shape[0]
    loop = jnp.arange(num_nodes, dtype=edge_index.dtype)
    src = jnp.concatenate([edge_index[0], loop])
    dst = jnp.concatenate([edge_index[1], loop])
    x = jnp.concatenate([mesh_node, material_params], axis=1)
    x = jax.nn.relu(_gcn_conv(x, src, dst, W1, b1, num_nodes))
    mu = _gcn_conv(x, src, dst, Wmu, bmu, num_nodes)
    logvar = _gcn_conv(x, src, dst, Wlv, blv, num_nodes)
    return (mu, logvar)

if __name__ == "__main__":
    import jax
    _d = setup_inputs()
    print(jax.jit(kernel)(*tuple(_d.values())))

</pallas_src>

<mosaic_0001>
#map = affine_map<(d0, d1) -> (0)>
module attributes {stable_mosaic.version = 14 : i64} {
  func.func @_sc_deg_split(%arg0: i32, %arg1: i32, %arg2: memref<10240xf32, #tpu.memory_space<hbm>>, %arg3: memref<327680xi32, #tpu.memory_space<hbm>>, %arg4: memref<327680xf32, #tpu.memory_space<hbm>>, %arg5: memref<10240xf32, #tpu.memory_space<vmem>>, %arg6: memref<5120xi32, #tpu.memory_space<vmem>>) attributes {dimension_semantics = [#tpu.dimension_semantics<core_parallel>, #tpu.dimension_semantics<subcore_parallel>], iteration_bounds = array<i64: 2, 16>, scalar_prefetch = 0 : i64, scratch_operands = 2 : i64, tpu.core_type = #tpu.core_type<sc_vector_subcore>, window_params = [{transform_indices = #map}, {transform_indices = #map}, {transform_indices = #map}]} {
    %mul3A = arith.constant 16 : i32
    %mul3A_0 = arith.muli %arg0, %mul3A : i32
    %add3A = arith.addi %mul3A_0, %arg1 : i32
    "tpu.region"() ({
      %run_scoped3A = tpu.sem_alloc : memref<!tpu.dma_semaphore, #tpu.memory_space<semaphore_mem>>
      tpu.enqueue_dma source(%arg2 : memref<10240xf32, #tpu.memory_space<hbm>>) target(%arg5 : memref<10240xf32, #tpu.memory_space<vmem>>) target_semaphore(%run_scoped3A : memref<!tpu.dma_semaphore, #tpu.memory_space<semaphore_mem>>)
      tpu.wait_dma2 semaphore(%run_scoped3A : memref<!tpu.dma_semaphore, #tpu.memory_space<semaphore_mem>>) src(%arg2 : memref<10240xf32, #tpu.memory_space<hbm>>) dst(%arg5 : memref<10240xf32, #tpu.memory_space<vmem>>)
      tpu.yield
    }) : () -> ()
    %get3A = arith.constant 0 : index
    %get3A_1 = tpu.vector_load %arg5[%get3A] {strides = array<i32>} : memref<10240xf32, #tpu.memory_space<vmem>>, vector<16xf32>,
    %add3A_2 = arith.constant 1.000000e+00 : f32
    %add3A_3 = vector.broadcast %add3A_2 : f32 to vector<16xf32>
    %add3A_4 = arith.addf %get3A_1, %add3A_3 : vector<16xf32>
    %scan3A = arith.constant 0 : i32
    %scan3A_5 = arith.constant 0 : i32
    %scan3A_6 = arith.constant 2 : i32
    %scan3A_7 = arith.addi %scan3A_5, %scan3A_6 : i32
    %scan3A_8 = arith.constant 1 : i32
    scf.for %scan3A_12 = %scan3A_5 to %scan3A_7 step %scan3A_8  : i32 {
      %mul3A_13 = arith.constant 10240 : i32
      %mul3A_14 = arith.muli %add3A, %mul3A_13 : i32
      %mul3A_15 = arith.constant 5120 : i32
      %mul3A_16 = arith.muli %scan3A_12, %mul3A_15 : i32
      %add3A_17 = arith.addi %mul3A_14, %mul3A_16 : i32
      "tpu.region"() ({
        %run_scoped3A = tpu.sem_alloc : memref<!tpu.dma_semaphore, #tpu.memory_space<semaphore_mem>>
        %dma_start3A = tpu.memref_slice %arg3[%add3A_17] : memref<327680xi32, #tpu.memory_space<hbm>> -> memref<5120xi32, #tpu.memory_space<hbm>>
        %dma_start3A_20 = tpu.memref_slice %arg3[%add3A_17] : memref<327680xi32, #tpu.memory_space<hbm>> -> memref<5120xi32, #tpu.memory_space<hbm>>
        tpu.enqueue_dma source(%dma_start3A_20 : memref<5120xi32, #tpu.memory_space<hbm>>) target(%arg6 : memref<5120xi32, #tpu.memory_space<vmem>>) target_semaphore(%run_scoped3A : memref<!tpu.dma_semaphore, #tpu.memory_space<semaphore_mem>>)
        %dma_wait3A = tpu.memref_slice %arg3[%add3A_17] : memref<327680xi32, #tpu.memory_space<hbm>> -> memref<5120xi32, #tpu.memory_space<hbm>>
        %dma_wait3A_21 = tpu.memref_slice %arg3[%add3A_17] : memref<327680xi32, #tpu.memory_space<hbm>> -> memref<5120xi32, #tpu.memory_space<hbm>>
        tpu.wait_dma2 semaphore(%run_scoped3A : memref<!tpu.dma_semaphore, #tpu.memory_space<semaphore_mem>>) src(%dma_wait3A_21 : memref<5120xi32, #tpu.memory_space<hbm>>) dst(%arg6 : memref<5120xi32, #tpu.memory_space<vmem>>)
        tpu.yield
      }) : () -> ()
      %parallel_loop3A = arith.constant 0 : i32
      %parallel_loop3A_18 = arith.constant 320 : i32
      %parallel_loop3A_19 = arith.constant 1 : i32
      scf.for %parallel_loop3A_20 = %parallel_loop3A to %parallel_loop3A_18 step %parallel_loop3A_19  : i32 {
        %parallel_loop3A_21 = arith.constant 16 : i32
        %parallel_loop3A_22 = arith.muli %parallel_loop3A_20, %parallel_loop3A_21 : i32
        %parallel_loop3A_23 = arith.index_cast %parallel_loop3A_22 : i32 to index
        %parallel_loop3A_24 = tpu.vector_load %arg6[%parallel_loop3A_23] {strides = array<i32>} : memref<5120xi32, #tpu.memory_space<vmem>>, vector<16xi32>,
        tpu.vector_store_idx %arg5[%parallel_loop3A_24], %add3A_4 {add = true} : memref<10240xf32, #tpu.memory_space<vmem>>[vector<16xi32>], vector<16xf32>,
      } {sc.loop_unroll_factor = 8 : i64, sc.parallel_access}
    }
    %scan3A_9 = arith.constant 2 : i32
    %mul3A_10 = arith.constant 10240 : i32
    %mul3A_11 = arith.muli %add3A, %mul3A_10 : i32
    "tpu.region"() ({
      %run_scoped3A = tpu.sem_alloc : memref<!tpu.dma_semaphore, #tpu.memory_space<semaphore_mem>>
      %dma_start3A = tpu.memref_slice %arg4[%mul3A_11] : memref<327680xf32, #tpu.memory_space<hbm>> -> memref<10240xf32, #tpu.memory_space<hbm>>
      %dma_start3A_12 = tpu.memref_slice %arg4[%mul3A_11] : memref<327680xf32, #tpu.memory_space<hbm>> -> memref<10240xf32, #tpu.memory_space<hbm>>
      tpu.enqueue_dma source(%arg5 : memref<10240xf32, #tpu.memory_space<vmem>>) target(%dma_start3A_12 : memref<10240xf32, #tpu.memory_space<hbm>>) target_semaphore(%run_scoped3A : memref<!tpu.dma_semaphore, #tpu.memory_space<semaphore_mem>>)
      %dma_wait3A = tpu.memref_slice %arg4[%mul3A_11] : memref<327680xf32, #tpu.memory_space<hbm>> -> memref<10240xf32, #tpu.memory_space<hbm>>
      %dma_wait3A_13 = tpu.memref_slice %arg4[%mul3A_11] : memref<327680xf32, #tpu.memory_space<hbm>> -> memref<10240xf32, #tpu.memory_space<hbm>>
      tpu.wait_dma2 semaphore(%run_scoped3A : memref<!tpu.dma_semaphore, #tpu.memory_space<semaphore_mem>>) src(%arg5 : memref<10240xf32, #tpu.memory_space<vmem>>) dst(%dma_wait3A_13 : memref<10240xf32, #tpu.memory_space<hbm>>)
      tpu.yield
    }) : () -> ()
    return
  }
}

#map = affine_map<(d0, d1) -> (0)>
module attributes {stable_mosaic.version = 14 : i64} {
  func.func @agg_kernel(%arg0: i32, %arg1: i32, %arg2: memref<1638400xf32, #tpu.memory_space<hbm>>, %arg3: memref<327680xi32, #tpu.memory_space<hbm>>, %arg4: memref<327680xi32, #tpu.memory_space<hbm>>, %arg5: memref<1638400xf32, #tpu.memory_space<hbm>>, %arg6: memref<51200xf32, #tpu.memory_space<vmem>>, %arg7: memref<51200xf32, #tpu.memory_space<vmem>>, %arg8: memref<5120xi32, #tpu.memory_space<vmem>>, %arg9: memref<5120xi32, #tpu.memory_space<vmem>>, %arg10: memref<5120xi32, #tpu.memory_space<vmem>>, %arg11: memref<5120xi32, #tpu.memory_space<vmem>>, %arg12: memref<!tpu.dma_semaphore, #tpu.memory_space<semaphore_mem>>, %arg13: memref<!tpu.dma_semaphore, #tpu.memory_space<semaphore_mem>>) attributes {dimension_semantics = [#tpu.dimension_semantics<core_parallel>, #tpu.dimension_semantics<subcore_parallel>], iteration_bounds = array<i64: 2, 16>, scalar_prefetch = 0 : i64, scratch_operands = 8 : i64, tpu.core_type = #tpu.core_type<sc_vector_subcore>, window_params = [{transform_indices = #map}, {transform_indices = #map}, {transform_indices = #map}, {transform_indices = #map}]} {
    %mul3A = arith.constant 16 : i32
    %mul3A_0 = arith.muli %arg0, %mul3A : i32
    %add3A = arith.addi %mul3A_0, %arg1 : i32
    %mul3A_1 = arith.constant 5 : i32
    %mul3A_2 = arith.muli %add3A, %mul3A_1 : i32
    %add3A_3 = arith.constant 0 : i32
    %add3A_4 = arith.addi %add3A_3, %mul3A_2 : i32
    %mul3A_5 = arith.constant 10240 : i32
    %mul3A_6 = arith.muli %add3A_4, %mul3A_5 : i32
    "tpu.region"() ({
      %run_scoped3A = tpu.sem_alloc : memref<!tpu.dma_semaphore, #tpu.memory_space<semaphore_mem>>
      %dma_start3A_28 = tpu.memref_slice %arg2[%mul3A_6] : memref<1638400xf32, #tpu.memory_space<hbm>> -> memref<51200xf32, #tpu.memory_space<hbm>>
      %dma_start3A_29 = tpu.memref_slice %arg2[%mul3A_6] : memref<1638400xf32, #tpu.memory_space<hbm>> -> memref<51200xf32, #tpu.memory_space<hbm>>
      tpu.enqueue_dma source(%dma_start3A_29 : memref<51200xf32, #tpu.memory_space<hbm>>) target(%arg6 : memref<51200xf32, #tpu.memory_space<vmem>>) target_semaphore(%run_scoped3A : memref<!tpu.dma_semaphore, #tpu.memory_space<semaphore_mem>>)
      %dma_wait3A_30 = tpu.memref_slice %arg2[%mul3A_6] : memref<1638400xf32, #tpu.memory_space<hbm>> -> memref<51200xf32, #tpu.memory_space<hbm>>
      %dma_wait3A_31 = tpu.memref_slice %arg2[%mul3A_6] : memref<1638400xf32, #tpu.memory_space<hbm>> -> memref<51200xf32, #tpu.memory_space<hbm>>
      tpu.wait_dma2 semaphore(%run_scoped3A : memref<!tpu.dma_semaphore, #tpu.memory_space<semaphore_mem>>) src(%dma_wait3A_31 : memref<51200xf32, #tpu.memory_space<hbm>>) dst(%arg6 : memref<51200xf32, #tpu.memory_space<vmem>>)
      tpu.yield
    }) : () -> ()
    "tpu.region"() ({
      %run_scoped3A = tpu.sem_alloc : memref<!tpu.dma_semaphore, #tpu.memory_space<semaphore_mem>>
      %dma_start3A_28 = tpu.memref_slice %arg2[%mul3A_6] : memref<1638400xf32, #tpu.memory_space<hbm>> -> memref<51200xf32, #tpu.memory_space<hbm>>
      %dma_start3A_29 = tpu.memref_slice %arg2[%mul3A_6] : memref<1638400xf32, #tpu.memory_space<hbm>> -> memref<51200xf32, #tpu.memory_space<hbm>>
      tpu.enqueue_dma source(%dma_start3A_29 : memref<51200xf32, #tpu.memory_space<hbm>>) target(%arg7 : memref<51200xf32, #tpu.memory_space<vmem>>) target_semaphore(%run_scoped3A : memref<!tpu.dma_semaphore, #tpu.memory_space<semaphore_mem>>)
      %dma_wait3A_30 = tpu.memref_slice %arg2[%mul3A_6] : memref<1638400xf32, #tpu.memory_space<hbm>> -> memref<51200xf32, #tpu.memory_space<hbm>>
      %dma_wait3A_31 = tpu.memref_slice %arg2[%mul3A_6] : memref<1638400xf32, #tpu.memory_space<hbm>> -> memref<51200xf32, #tpu.memory_space<hbm>>
      tpu.wait_dma2 semaphore(%run_scoped3A : memref<!tpu.dma_semaphore, #tpu.memory_space<semaphore_mem>>) src(%dma_wait3A_31 : memref<51200xf32, #tpu.memory_space<hbm>>) dst(%arg7 : memref<51200xf32, #tpu.memory_space<vmem>>)
      tpu.yield
    }) : () -> ()
    %dma_start3A = arith.constant 0 : i32
    %dma_start3A_7 = tpu.memref_slice %arg3[%dma_start3A] : memref<327680xi32, #tpu.memory_space<hbm>> -> memref<5120xi32, #tpu.memory_space<hbm>>
    %dma_start3A_8 = arith.constant 0 : i32
    %dma_start3A_9 = tpu.memref_slice %arg3[%dma_start3A_8] : memref<327680xi32, #tpu.memory_space<hbm>> -> memref<5120xi32, #tpu.memory_space<hbm>>
    tpu.enqueue_dma source(%dma_start3A_9 : memref<5120xi32, #tpu.memory_space<hbm>>) target(%arg8 : memref<5120xi32, #tpu.memory_space<vmem>>) target_semaphore(%arg12 : memref<!tpu.dma_semaphore, #tpu.memory_space<semaphore_mem>>)
    %dma_start3A_10 = arith.constant 0 : i32
    %dma_start3A_11 = tpu.memref_slice %arg4[%dma_start3A_10] : memref<327680xi32, #tpu.memory_space<hbm>> -> memref<5120xi32, #tpu.memory_space<hbm>>
    %dma_start3A_12 = arith.constant 0 : i32
    %dma_start3A_13 = tpu.memref_slice %arg4[%dma_start3A_12] : memref<327680xi32, #tpu.memory_space<hbm>> -> memref<5120xi32, #tpu.memory_space<hbm>>
    tpu.enqueue_dma source(%dma_start3A_13 : memref<5120xi32, #tpu.memory_space<hbm>>) target(%arg9 : memref<5120xi32, #tpu.memory_space<vmem>>) target_semaphore(%arg12 : memref<!tpu.dma_semaphore, #tpu.memory_space<semaphore_mem>>)
    %scan3A = arith.constant 0 : i32
    %scan3A_14 = arith.constant 0 : i32
    %scan3A_15 = arith.constant 32 : i32
    %scan3A_16 = arith.addi %scan3A_14, %scan3A_15 : i32
    %scan3A_17 = arith.constant 1 : i32
    scf.for %scan3A_28 = %scan3A_14 to %scan3A_16 step %scan3A_17  : i32 {
      %mul3A_29 = arith.constant 2 : i32
      %mul3A_30 = arith.muli %mul3A_29, %scan3A_28 : i32
      %dma_wait3A_31 = arith.constant 0 : i32
      %dma_wait3A_32 = tpu.memref_slice %arg3[%dma_wait3A_31] : memref<327680xi32, #tpu.memory_space<hbm>> -> memref<5120xi32, #tpu.memory_space<hbm>>
      %dma_wait3A_33 = arith.constant 0 : i32
      %dma_wait3A_34 = tpu.memref_slice %arg3[%dma_wait3A_33] : memref<327680xi32, #tpu.memory_space<hbm>> -> memref<5120xi32, #tpu.memory_space<hbm>>
      tpu.wait_dma2 semaphore(%arg12 : memref<!tpu.dma_semaphore, #tpu.memory_space<semaphore_mem>>) src(%dma_wait3A_34 : memref<5120xi32, #tpu.memory_space<hbm>>) dst(%arg8 : memref<5120xi32, #tpu.memory_space<vmem>>)
      %dma_wait3A_35 = arith.constant 0 : i32
      %dma_wait3A_36 = tpu.memref_slice %arg3[%dma_wait3A_35] : memref<327680xi32, #tpu.memory_space<hbm>> -> memref<5120xi32, #tpu.memory_space<hbm>>
      %dma_wait3A_37 = arith.constant 0 : i32
      %dma_wait3A_38 = tpu.memref_slice %arg3[%dma_wait3A_37] : memref<327680xi32, #tpu.memory_space<hbm>> -> memref<5120xi32, #tpu.memory_space<hbm>>
      tpu.wait_dma2 semaphore(%arg12 : memref<!tpu.dma_semaphore, #tpu.memory_space<semaphore_mem>>) src(%dma_wait3A_38 : memref<5120xi32, #tpu.memory_space<hbm>>) dst(%arg9 : memref<5120xi32, #tpu.memory_space<vmem>>)
      %add3A_39 = arith.constant 1 : i32
      %add3A_40 = arith.addi %mul3A_30, %add3A_39 : i32
      %mul3A_41 = arith.constant 5120 : i32
      %mul3A_42 = arith.muli %add3A_40, %mul3A_41 : i32
      %dma_start3A_43 = tpu.memref_slice %arg3[%mul3A_42] : memref<327680xi32, #tpu.memory_space<hbm>> -> memref<5120xi32, #tpu.memory_space<hbm>>
      %dma_start3A_44 = tpu.memref_slice %arg3[%mul3A_42] : memref<327680xi32, #tpu.memory_space<hbm>> -> memref<5120xi32, #tpu.memory_space<hbm>>
      tpu.enqueue_dma source(%dma_start3A_44 : memref<5120xi32, #tpu.memory_space<hbm>>) target(%arg10 : memref<5120xi32, #tpu.memory_space<vmem>>) target_semaphore(%arg13 : memref<!tpu.dma_semaphore, #tpu.memory_space<semaphore_mem>>)
      %mul3A_45 = arith.constant 5120 : i32
      %mul3A_46 = arith.muli %add3A_40, %mul3A_45 : i32
      %dma_start3A_47 = tpu.memref_slice %arg4[%mul3A_46] : memref<327680xi32, #tpu.memory_space<hbm>> -> memref<5120xi32, #tpu.memory_space<hbm>>
      %dma_start3A_48 = tpu.memref_slice %arg4[%mul3A_46] : memref<327680xi32, #tpu.memory_space<hbm>> -> memref<5120xi32, #tpu.memory_space<hbm>>
      tpu.enqueue_dma source(%dma_start3A_48 : memref<5120xi32, #tpu.memory_space<hbm>>) target(%arg11 : memref<5120xi32, #tpu.memory_space<vmem>>) target_semaphore(%arg13 : memref<!tpu.dma_semaphore, #tpu.memory_space<semaphore_mem>>)
      %parallel_loop3A = arith.constant 0 : i32
      %parallel_loop3A_49 = arith.constant 320 : i32
      %parallel_loop3A_50 = arith.constant 1 : i32
      scf.for %parallel_loop3A_73 = %parallel_loop3A to %parallel_loop3A_49 step %parallel_loop3A_50  : i32 {
        %parallel_loop3A_74 = arith.constant 16 : i32
        %parallel_loop3A_75 = arith.muli %parallel_loop3A_73, %parallel_loop3A_74 : i32
        %parallel_loop3A_76 = arith.index_cast %parallel_loop3A_75 : i32 to index
        %parallel_loop3A_77 = tpu.vector_load %arg8[%parallel_loop3A_76] {strides = array<i32>} : memref<5120xi32, #tpu.memory_space<vmem>>, vector<16xi32>,
        %parallel_loop3A_78 = arith.constant 16 : i32
        %parallel_loop3A_79 = arith.muli %parallel_loop3A_73, %parallel_loop3A_78 : i32
        %parallel_loop3A_80 = arith.index_cast %parallel_loop3A_79 : i32 to index
        %parallel_loop3A_81 = tpu.vector_load %arg9[%parallel_loop3A_80] {strides = array<i32>} : memref<5120xi32, #tpu.memory_space<vmem>>, vector<16xi32>,
        %parallel_loop3A_82 = arith.constant 0 : i32
        %parallel_loop3A_83 = vector.broadcast %parallel_loop3A_82 : i32 to vector<16xi32>
        %parallel_loop3A_84 = arith.addi %parallel_loop3A_77, %parallel_loop3A_83 : vector<16xi32>
        %parallel_loop3A_85 = tpu.vector_load_idx %arg6[%parallel_loop3A_84] : memref<51200xf32, #tpu.memory_space<vmem>>[vector<16xi32>], vector<16xf32>,
        %parallel_loop3A_86 = arith.constant 0 : i32
        %parallel_loop3A_87 = vector.broadcast %parallel_loop3A_86 : i32 to vector<16xi32>
        %parallel_loop3A_88 = arith.addi %parallel_loop3A_81, %parallel_loop3A_87 : vector<16xi32>
        tpu.vector_store_idx %arg7[%parallel_loop3A_88], %parallel_loop3A_85 {add = true} : memref<51200xf32, #tpu.memory_space<vmem>>[vector<16xi32>], vector<16xf32>,
        %parallel_loop3A_89 = arith.constant 10240 : i32
        %parallel_loop3A_90 = vector.broadcast %parallel_loop3A_89 : i32 to vector<16xi32>
        %parallel_loop3A_91 = arith.addi %parallel_loop3A_77, %parallel_loop3A_90 : vector<16xi32>
        %parallel_loop3A_92 = tpu.vector_load_idx %arg6[%parallel_loop3A_91] : memref<51200xf32, #tpu.memory_space<vmem>>[vector<16xi32>], vector<16xf32>,
        %parallel_loop3A_93 = arith.constant 10240 : i32
        %parallel_loop3A_94 = vector.broadcast %parallel_loop3A_93 : i32 to vector<16xi32>
        %parallel_loop3A_95 = arith.addi %parallel_loop3A_81, %parallel_loop3A_94 : vector<16xi32>
        tpu.vector_store_idx %arg7[%parallel_loop3A_95], %parallel_loop3A_92 {add = true} : memref<51200xf32, #tpu.memory_space<vmem>>[vector<16xi32>], vector<16xf32>,
        %parallel_loop3A_96 = arith.constant 20480 : i32
        %parallel_loop3A_97 = vector.broadcast %parallel_loop3A_96 : i32 to vector<16xi32>
        %parallel_loop3A_98 = arith.addi %parallel_loop3A_77, %parallel_loop3A_97 : vector<16xi32>
        %parallel_loop3A_99 = tpu.vector_load_idx %arg6[%parallel_loop3A_98] : memref<51200xf32, #tpu.memory_space<vmem>>[vector<16xi32>], vector<16xf32>,
        %parallel_loop3A_100 = arith.constant 20480 : i32
        %parallel_loop3A_101 = vector.broadcast %parallel_loop3A_100 : i32 to vector<16xi32>
        %parallel_loop3A_102 = arith.addi %parallel_loop3A_81, %parallel_loop3A_101 : vector<16xi32>
        tpu.vector_store_idx %arg7[%parallel_loop3A_102], %parallel_loop3A_99 {add = true} : memref<51200xf32, #tpu.memory_space<vmem>>[vector<16xi32>], vector<16xf32>,
        %parallel_loop3A_103 = arith.constant 30720 : i32
        %parallel_loop3A_104 = vector.broadcast %parallel_loop3A_103 : i32 to vector<16xi32>
        %parallel_loop3A_105 = arith.addi %parallel_loop3A_77, %parallel_loop3A_104 : vector<16xi32>
        %parallel_loop3A_106 = tpu.vector_load_idx %arg6[%parallel_loop3A_105] : memref<51200xf32, #tpu.memory_space<vmem>>[vector<16xi32>], vector<16xf32>,
        %parallel_loop3A_107 = arith.constant 30720 : i32
        %parallel_loop3A_108 = vector.broadcast %parallel_loop3A_107 : i32 to vector<16xi32>
        %parallel_loop3A_109 = arith.addi %parallel_loop3A_81, %parallel_loop3A_108 : vector<16xi32>
        tpu.vector_store_idx %arg7[%parallel_loop3A_109], %parallel_loop3A_106 {add = true} : memref<51200xf32, #tpu.memory_space<vmem>>[vector<16xi32>], vector<16xf32>,
        %parallel_loop3A_110 = arith.constant 40960 : i32
        %parallel_loop3A_111 = vector.broadcast %parallel_loop3A_110 : i32 to vector<16xi32>
        %parallel_loop3A_112 = arith.addi %parallel_loop3A_77, %parallel_loop3A_111 : vector<16xi32>
        %parallel_loop3A_113 = tpu.vector_load_idx %arg6[%parallel_loop3A_112] : memref<51200xf32, #tpu.memory_space<vmem>>[vector<16xi32>], vector<16xf32>,
        %parallel_loop3A_114 = arith.constant 40960 : i32
        %parallel_loop3A_115 = vector.broadcast %parallel_loop3A_114 : i32 to vector<16xi32>
        %parallel_loop3A_116 = arith.addi %parallel_loop3A_81, %parallel_loop3A_115 : vector<16xi32>
        tpu.vector_store_idx %arg7[%parallel_loop3A_116], %parallel_loop3A_113 {add = true} : memref<51200xf32, #tpu.memory_space<vmem>>[vector<16xi32>], vector<16xf32>,
      } {sc.loop_unroll_factor = 8 : i64, sc.parallel_access}
      %dma_wait3A_51 = arith.constant 0 : i32
      %dma_wait3A_52 = tpu.memref_slice %arg3[%dma_wait3A_51] : memref<327680xi32, #tpu.memory_space<hbm>> -> memref<5120xi32, #tpu.memory_space<hbm>>
      %dma_wait3A_53 = arith.constant 0 : i32
      %dma_wait3A_54 = tpu.memref_slice %arg3[%dma_wait3A_53] : memref<327680xi32, #tpu.memory_space<hbm>> -> memref<5120xi32, #tpu.memory_space<hbm>>
      tpu.wait_dma2 semaphore(%arg13 : memref<!tpu.dma_semaphore, #tpu.memory_space<semaphore_mem>>) src(%dma_wait3A_54 : memref<5120xi32, #tpu.memory_space<hbm>>) dst(%arg10 : memref<5120xi32, #tpu.memory_space<vmem>>)
      %dma_wait3A_55 = arith.constant 0 : i32
      %dma_wait3A_56 = tpu.memref_slice %arg3[%dma_wait3A_55] : memref<327680xi32, #tpu.memory_space<hbm>> -> memref<5120xi32, #tpu.memory_space<hbm>>
      %dma_wait3A_57 = arith.constant 0 : i32
      %dma_wait3A_58 = tpu.memref_slice %arg3[%dma_wait3A_57] : memref<327680xi32, #tpu.memory_space<hbm>> -> memref<5120xi32, #tpu.memory_space<hbm>>
      tpu.wait_dma2 semaphore(%arg13 : memref<!tpu.dma_semaphore, #tpu.memory_space<semaphore_mem>>) src(%dma_wait3A_58 : memref<5120xi32, #tpu.memory_space<hbm>>) dst(%arg11 : memref<5120xi32, #tpu.memory_space<vmem>>)
      %add3A_59 = arith.constant 2 : i32
      %add3A_60 = arith.addi %mul3A_30, %add3A_59 : i32
      %rem3A = arith.constant 64 : i32
      %rem3A_61 = arith.remsi %add3A_60, %rem3A : i32
      %mul3A_62 = arith.constant 5120 : i32
      %mul3A_63 = arith.muli %rem3A_61, %mul3A_62 : i32
      %dma_start3A_64 = tpu.memref_slice %arg3[%mul3A_63] : memref<327680xi32, #tpu.memory_space<hbm>> -> memref<5120xi32, #tpu.memory_space<hbm>>
      %dma_start3A_65 = tpu.memref_slice %arg3[%mul3A_63] : memref<327680xi32, #tpu.memory_space<hbm>> -> memref<5120xi32, #tpu.memory_space<hbm>>
      tpu.enqueue_dma source(%dma_start3A_65 : memref<5120xi32, #tpu.memory_space<hbm>>) target(%arg8 : memref<5120xi32, #tpu.memory_space<vmem>>) target_semaphore(%arg12 : memref<!tpu.dma_semaphore, #tpu.memory_space<semaphore_mem>>)
      %mul3A_66 = arith.constant 5120 : i32
      %mul3A_67 = arith.muli %rem3A_61, %mul3A_66 : i32
      %dma_start3A_68 = tpu.memref_slice %arg4[%mul3A_67] : memref<327680xi32, #tpu.memory_space<hbm>> -> memref<5120xi32, #tpu.memory_space<hbm>>
      %dma_start3A_69 = tpu.memref_slice %arg4[%mul3A_67] : memref<327680xi32, #tpu.memory_space<hbm>> -> memref<5120xi32, #tpu.memory_space<hbm>>
      tpu.enqueue_dma source(%dma_start3A_69 : memref<5120xi32, #tpu.memory_space<hbm>>) target(%arg9 : memref<5120xi32, #tpu.memory_space<vmem>>) target_semaphore(%arg12 : memref<!tpu.dma_semaphore, #tpu.memory_space<semaphore_mem>>)
      %parallel_loop3A_70 = arith.constant 0 : i32
      %parallel_loop3A_71 = arith.constant 320 : i32
      %parallel_loop3A_72 = arith.constant 1 : i32
      scf.for %parallel_loop3A_73 = %parallel_loop3A_70 to %parallel_loop3A_71 step %parallel_loop3A_72  : i32 {
        %parallel_loop3A_74 = arith.constant 16 : i32
        %parallel_loop3A_75 = arith.muli %parallel_loop3A_73, %parallel_loop3A_74 : i32
        %parallel_loop3A_76 = arith.index_cast %parallel_loop3A_75 : i32 to index
        %parallel_loop3A_77 = tpu.vector_load %arg10[%parallel_loop3A_76] {strides = array<i32>} : memref<5120xi32, #tpu.memory_space<vmem>>, vector<16xi32>,
        %parallel_loop3A_78 = arith.constant 16 : i32
        %parallel_loop3A_79 = arith.muli %parallel_loop3A_73, %parallel_loop3A_78 : i32
        %parallel_loop3A_80 = arith.index_cast %parallel_loop3A_79 : i32 to index
        %parallel_loop3A_81 = tpu.vector_load %arg11[%parallel_loop3A_80] {strides = array<i32>} : memref<5120xi32, #tpu.memory_space<vmem>>, vector<16xi32>,
        %parallel_loop3A_82 = arith.constant 0 : i32
        %parallel_loop3A_83 = vector.broadcast %parallel_loop3A_82 : i32 to vector<16xi32>
        %parallel_loop3A_84 = arith.addi %parallel_loop3A_77, %parallel_loop3A_83 : vector<16xi32>
        %parallel_loop3A_85 = tpu.vector_load_idx %arg6[%parallel_loop3A_84] : memref<51200xf32, #tpu.memory_space<vmem>>[vector<16xi32>], vector<16xf32>,
        %parallel_loop3A_86 = arith.constant 0 : i32
        %parallel_loop3A_87 = vector.broadcast %parallel_loop3A_86 : i32 to vector<16xi32>
        %parallel_loop3A_88 = arith.addi %parallel_loop3A_81, %parallel_loop3A_87 : vector<16xi32>
        tpu.vector_store_idx %arg7[%parallel_loop3A_88], %parallel_loop3A_85 {add = true} : memref<51200xf32, #tpu.memory_space<vmem>>[vector<16xi32>], vector<16xf32>,
        %parallel_loop3A_89 = arith.constant 10240 : i32
        %parallel_loop3A_90 = vector.broadcast %parallel_loop3A_89 : i32 to vector<16xi32>
        %parallel_loop3A_91 = arith.addi %parallel_loop3A_77, %parallel_loop3A_90 : vector<16xi32>
        %parallel_loop3A_92 = tpu.vector_load_idx %arg6[%parallel_loop3A_91] : memref<51200xf32, #tpu.memory_space<vmem>>[vector<16xi32>], vector<16xf32>,
        %parallel_loop3A_93 = arith.constant 10240 : i32
        %parallel_loop3A_94 = vector.broadcast %parallel_loop3A_93 : i32 to vector<16xi32>
        %parallel_loop3A_95 = arith.addi %parallel_loop3A_81, %parallel_loop3A_94 : vector<16xi32>
        tpu.vector_store_idx %arg7[%parallel_loop3A_95], %parallel_loop3A_92 {add = true} : memref<51200xf32, #tpu.memory_space<vmem>>[vector<16xi32>], vector<16xf32>,
        %parallel_loop3A_96 = arith.constant 20480 : i32
        %parallel_loop3A_97 = vector.broadcast %parallel_loop3A_96 : i32 to vector<16xi32>
        %parallel_loop3A_98 = arith.addi %parallel_loop3A_77, %parallel_loop3A_97 : vector<16xi32>
        %parallel_loop3A_99 = tpu.vector_load_idx %arg6[%parallel_loop3A_98] : memref<51200xf32, #tpu.memory_space<vmem>>[vector<16xi32>], vector<16xf32>,
        %parallel_loop3A_100 = arith.constant 20480 : i32
        %parallel_loop3A_101 = vector.broadcast %parallel_loop3A_100 : i32 to vector<16xi32>
        %parallel_loop3A_102 = arith.addi %parallel_loop3A_81, %parallel_loop3A_101 : vector<16xi32>
        tpu.vector_store_idx %arg7[%parallel_loop3A_102], %parallel_loop3A_99 {add = true} : memref<51200xf32, #tpu.memory_space<vmem>>[vector<16xi32>], vector<16xf32>,
        %parallel_loop3A_103 = arith.constant 30720 : i32
        %parallel_loop3A_104 = vector.broadcast %parallel_loop3A_103 : i32 to vector<16xi32>
        %parallel_loop3A_105 = arith.addi %parallel_loop3A_77, %parallel_loop3A_104 : vector<16xi32>
        %parallel_loop3A_106 = tpu.vector_load_idx %arg6[%parallel_loop3A_105] : memref<51200xf32, #tpu.memory_space<vmem>>[vector<16xi32>], vector<16xf32>,
        %parallel_loop3A_107 = arith.constant 30720 : i32
        %parallel_loop3A_108 = vector.broadcast %parallel_loop3A_107 : i32 to vector<16xi32>
        %parallel_loop3A_109 = arith.addi %parallel_loop3A_81, %parallel_loop3A_108 : vector<16xi32>
        tpu.vector_store_idx %arg7[%parallel_loop3A_109], %parallel_loop3A_106 {add = true} : memref<51200xf32, #tpu.memory_space<vmem>>[vector<16xi32>], vector<16xf32>,
        %parallel_loop3A_110 = arith.constant 40960 : i32
        %parallel_loop3A_111 = vector.broadcast %parallel_loop3A_110 : i32 to vector<16xi32>
        %parallel_loop3A_112 = arith.addi %parallel_loop3A_77, %parallel_loop3A_111 : vector<16xi32>
        %parallel_loop3A_113 = tpu.vector_load_idx %arg6[%parallel_loop3A_112] : memref<51200xf32, #tpu.memory_space<vmem>>[vector<16xi32>], vector<16xf32>,
        %parallel_loop3A_114 = arith.constant 40960 : i32
        %parallel_loop3A_115 = vector.broadcast %parallel_loop3A_114 : i32 to vector<16xi32>
        %parallel_loop3A_116 = arith.addi %parallel_loop3A_81, %parallel_loop3A_115 : vector<16xi32>
        tpu.vector_store_idx %arg7[%parallel_loop3A_116], %parallel_loop3A_113 {add = true} : memref<51200xf32, #tpu.memory_space<vmem>>[vector<16xi32>], vector<16xf32>,
      } {sc.loop_unroll_factor = 8 : i64, sc.parallel_access}
    }
    %scan3A_18 = arith.constant 32 : i32
    %dma_wait3A = arith.constant 0 : i32
    %dma_wait3A_19 = tpu.memref_slice %arg3[%dma_wait3A] : memref<327680xi32, #tpu.memory_space<hbm>> -> memref<5120xi32, #tpu.memory_space<hbm>>
    %dma_wait3A_20 = arith.constant 0 : i32
    %dma_wait3A_21 = tpu.memref_slice %arg3[%dma_wait3A_20] : memref<327680xi32, #tpu.memory_space<hbm>> -> memref<5120xi32, #tpu.memory_space<hbm>>
    tpu.wait_dma2 semaphore(%arg12 : memref<!tpu.dma_semaphore, #tpu.memory_space<semaphore_mem>>) src(%dma_wait3A_21 : memref<5120xi32, #tpu.memory_space<hbm>>) dst(%arg8 : memref<5120xi32, #tpu.memory_space<vmem>>)
    %dma_wait3A_22 = arith.constant 0 : i32
    %dma_wait3A_23 = tpu.memref_slice %arg3[%dma_wait3A_22] : memref<327680xi32, #tpu.memory_space<hbm>> -> memref<5120xi32, #tpu.memory_space<hbm>>
    %dma_wait3A_24 = arith.constant 0 : i32
    %dma_wait3A_25 = tpu.memref_slice %arg3[%dma_wait3A_24] : memref<327680xi32, #tpu.memory_space<hbm>> -> memref<5120xi32, #tpu.memory_space<hbm>>
    tpu.wait_dma2 semaphore(%arg12 : memref<!tpu.dma_semaphore, #tpu.memory_space<semaphore_mem>>) src(%dma_wait3A_25 : memref<5120xi32, #tpu.memory_space<hbm>>) dst(%arg9 : memref<5120xi32, #tpu.memory_space<vmem>>)
    %mul3A_26 = arith.constant 51200 : i32
    %mul3A_27 = arith.muli %add3A, %mul3A_26 : i32
    "tpu.region"() ({
      %run_scoped3A = tpu.sem_alloc : memref<!tpu.dma_semaphore, #tpu.memory_space<semaphore_mem>>
      %dma_start3A_28 = tpu.memref_slice %arg5[%mul3A_27] : memref<1638400xf32, #tpu.memory_space<hbm>> -> memref<51200xf32, #tpu.memory_space<hbm>>
      %dma_start3A_29 = tpu.memref_slice %arg5[%mul3A_27] : memref<1638400xf32, #tpu.memory_space<hbm>> -> memref<51200xf32, #tpu.memory_space<hbm>>
      tpu.enqueue_dma source(%arg7 : memref<51200xf32, #tpu.memory_space<vmem>>) target(%dma_start3A_29 : memref<51200xf32, #tpu.memory_space<hbm>>) target_semaphore(%run_scoped3A : memref<!tpu.dma_semaphore, #tpu.memory_space<semaphore_mem>>)
      %dma_wait3A_30 = tpu.memref_slice %arg5[%mul3A_27] : memref<1638400xf32, #tpu.memory_space<hbm>> -> memref<51200xf32, #tpu.memory_space<hbm>>
      %dma_wait3A_31 = tpu.memref_slice %arg5[%mul3A_27] : memref<1638400xf32, #tpu.memory_space<hbm>> -> memref<51200xf32, #tpu.memory_space<hbm>>
      tpu.wait_dma2 semaphore(%run_scoped3A : memref<!tpu.dma_semaphore, #tpu.memory_space<semaphore_mem>>) src(%arg7 : memref<51200xf32, #tpu.memory_space<vmem>>) dst(%dma_wait3A_31 : memref<51200xf32, #tpu.memory_space<hbm>>)
      tpu.yield
    }) : () -> ()
    return
  }
}

#map = affine_map<(d0, d1) -> (0)>
module attributes {stable_mosaic.version = 14 : i64} {
  func.func @agg_kernel(%arg0: i32, %arg1: i32, %arg2: memref<2621440xf32, #tpu.memory_space<hbm>>, %arg3: memref<327680xi32, #tpu.memory_space<hbm>>, %arg4: memref<327680xi32, #tpu.memory_space<hbm>>, %arg5: memref<1310720xf32, #tpu.memory_space<hbm>>, %arg6: memref<40960xf32, #tpu.memory_space<vmem>>, %arg7: memref<40960xf32, #tpu.memory_space<vmem>>, %arg8: memref<5120xi32, #tpu.memory_space<vmem>>, %arg9: memref<5120xi32, #tpu.memory_space<vmem>>, %arg10: memref<5120xi32, #tpu.memory_space<vmem>>, %arg11: memref<5120xi32, #tpu.memory_space<vmem>>, %arg12: memref<!tpu.dma_semaphore, #tpu.memory_space<semaphore_mem>>, %arg13: memref<!tpu.dma_semaphore, #tpu.memory_space<semaphore_mem>>) attributes {dimension_semantics = [#tpu.dimension_semantics<core_parallel>, #tpu.dimension_semantics<subcore_parallel>], iteration_bounds = array<i64: 2, 16>, scalar_prefetch = 0 : i64, scratch_operands = 8 : i64, tpu.core_type = #tpu.core_type<sc_vector_subcore>, window_params = [{transform_indices = #map}, {transform_indices = #map}, {transform_indices = #map}, {transform_indices = #map}]} {
    %mul3A = arith.constant 16 : i32
    %mul3A_0 = arith.muli %arg0, %mul3A : i32
    %add3A = arith.addi %mul3A_0, %arg1 : i32
    %mul3A_1 = arith.constant 4 : i32
    %mul3A_2 = arith.muli %add3A, %mul3A_1 : i32
    %add3A_3 = arith.constant 128 : i32
    %add3A_4 = arith.addi %add3A_3, %mul3A_2 : i32
    %mul3A_5 = arith.constant 10240 : i32
    %mul3A_6 = arith.muli %add3A_4, %mul3A_5 : i32
    "tpu.region"() ({
      %run_scoped3A = tpu.sem_alloc : memref<!tpu.dma_semaphore, #tpu.memory_space<semaphore_mem>>
      %dma_start3A_28 = tpu.memref_slice %arg2[%mul3A_6] : memref<2621440xf32, #tpu.memory_space<hbm>> -> memref<40960xf32, #tpu.memory_space<hbm>>
      %dma_start3A_29 = tpu.memref_slice %arg2[%mul3A_6] : memref<2621440xf32, #tpu.memory_space<hbm>> -> memref<40960xf32, #tpu.memory_space<hbm>>
      tpu.enqueue_dma source(%dma_start3A_29 : memref<40960xf32, #tpu.memory_space<hbm>>) target(%arg6 : memref<40960xf32, #tpu.memory_space<vmem>>) target_semaphore(%run_scoped3A : memref<!tpu.dma_semaphore, #tpu.memory_space<semaphore_mem>>)
      %dma_wait3A_30 = tpu.memref_slice %arg2[%mul3A_6] : memref<2621440xf32, #tpu.memory_space<hbm>> -> memref<40960xf32, #tpu.memory_space<hbm>>
      %dma_wait3A_31 = tpu.memref_slice %arg2[%mul3A_6] : memref<2621440xf32, #tpu.memory_space<hbm>> -> memref<40960xf32, #tpu.memory_space<hbm>>
      tpu.wait_dma2 semaphore(%run_scoped3A : memref<!tpu.dma_semaphore, #tpu.memory_space<semaphore_mem>>) src(%dma_wait3A_31 : memref<40960xf32, #tpu.memory_space<hbm>>) dst(%arg6 : memref<40960xf32, #tpu.memory_space<vmem>>)
      tpu.yield
    }) : () -> ()
    "tpu.region"() ({
      %run_scoped3A = tpu.sem_alloc : memref<!tpu.dma_semaphore, #tpu.memory_space<semaphore_mem>>
      %dma_start3A_28 = tpu.memref_slice %arg2[%mul3A_6] : memref<2621440xf32, #tpu.memory_space<hbm>> -> memref<40960xf32, #tpu.memory_space<hbm>>
      %dma_start3A_29 = tpu.memref_slice %arg2[%mul3A_6] : memref<2621440xf32, #tpu.memory_space<hbm>> -> memref<40960xf32, #tpu.memory_space<hbm>>
      tpu.enqueue_dma source(%dma_start3A_29 : memref<40960xf32, #tpu.memory_space<hbm>>) target(%arg7 : memref<40960xf32, #tpu.memory_space<vmem>>) target_semaphore(%run_scoped3A : memref<!tpu.dma_semaphore, #tpu.memory_space<semaphore_mem>>)
      %dma_wait3A_30 = tpu.memref_slice %arg2[%mul3A_6] : memref<2621440xf32, #tpu.memory_space<hbm>> -> memref<40960xf32, #tpu.memory_space<hbm>>
      %dma_wait3A_31 = tpu.memref_slice %arg2[%mul3A_6] : memref<2621440xf32, #tpu.memory_space<hbm>> -> memref<40960xf32, #tpu.memory_space<hbm>>
      tpu.wait_dma2 semaphore(%run_scoped3A : memref<!tpu.dma_semaphore, #tpu.memory_space<semaphore_mem>>) src(%dma_wait3A_31 : memref<40960xf32, #tpu.memory_space<hbm>>) dst(%arg7 : memref<40960xf32, #tpu.memory_space<vmem>>)
      tpu.yield
    }) : () -> ()
    %dma_start3A = arith.constant 0 : i32
    %dma_start3A_7 = tpu.memref_slice %arg3[%dma_start3A] : memref<327680xi32, #tpu.memory_space<hbm>> -> memref<5120xi32, #tpu.memory_space<hbm>>
    %dma_start3A_8 = arith.constant 0 : i32
    %dma_start3A_9 = tpu.memref_slice %arg3[%dma_start3A_8] : memref<327680xi32, #tpu.memory_space<hbm>> -> memref<5120xi32, #tpu.memory_space<hbm>>
    tpu.enqueue_dma source(%dma_start3A_9 : memref<5120xi32, #tpu.memory_space<hbm>>) target(%arg8 : memref<5120xi32, #tpu.memory_space<vmem>>) target_semaphore(%arg12 : memref<!tpu.dma_semaphore, #tpu.memory_space<semaphore_mem>>)
    %dma_start3A_10 = arith.constant 0 : i32
    %dma_start3A_11 = tpu.memref_slice %arg4[%dma_start3A_10] : memref<327680xi32, #tpu.memory_space<hbm>> -> memref<5120xi32, #tpu.memory_space<hbm>>
    %dma_start3A_12 = arith.constant 0 : i32
    %dma_start3A_13 = tpu.memref_slice %arg4[%dma_start3A_12] : memref<327680xi32, #tpu.memory_space<hbm>> -> memref<5120xi32, #tpu.memory_space<hbm>>
    tpu.enqueue_dma source(%dma_start3A_13 : memref<5120xi32, #tpu.memory_space<hbm>>) target(%arg9 : memref<5120xi32, #tpu.memory_space<vmem>>) target_semaphore(%arg12 : memref<!tpu.dma_semaphore, #tpu.memory_space<semaphore_mem>>)
    %scan3A = arith.constant 0 : i32
    %scan3A_14 = arith.constant 0 : i32
    %scan3A_15 = arith.constant 32 : i32
    %scan3A_16 = arith.addi %scan3A_14, %scan3A_15 : i32
    %scan3A_17 = arith.constant 1 : i32
    scf.for %scan3A_28 = %scan3A_14 to %scan3A_16 step %scan3A_17  : i32 {
      %mul3A_29 = arith.constant 2 : i32
      %mul3A_30 = arith.muli %mul3A_29, %scan3A_28 : i32
      %dma_wait3A_31 = arith.constant 0 : i32
      %dma_wait3A_32 = tpu.memref_slice %arg3[%dma_wait3A_31] : memref<327680xi32, #tpu.memory_space<hbm>> -> memref<5120xi32, #tpu.memory_space<hbm>>
      %dma_wait3A_33 = arith.constant 0 : i32
      %dma_wait3A_34 = tpu.memref_slice %arg3[%dma_wait3A_33] : memref<327680xi32, #tpu.memory_space<hbm>> -> memref<5120xi32, #tpu.memory_space<hbm>>
      tpu.wait_dma2 semaphore(%arg12 : memref<!tpu.dma_semaphore, #tpu.memory_space<semaphore_mem>>) src(%dma_wait3A_34 : memref<5120xi32, #tpu.memory_space<hbm>>) dst(%arg8 : memref<5120xi32, #tpu.memory_space<vmem>>)
      %dma_wait3A_35 = arith.constant 0 : i32
      %dma_wait3A_36 = tpu.memref_slice %arg3[%dma_wait3A_35] : memref<327680xi32, #tpu.memory_space<hbm>> -> memref<5120xi32, #tpu.memory_space<hbm>>
      %dma_wait3A_37 = arith.constant 0 : i32
      %dma_wait3A_38 = tpu.memref_slice %arg3[%dma_wait3A_37] : memref<327680xi32, #tpu.memory_space<hbm>> -> memref<5120xi32, #tpu.memory_space<hbm>>
      tpu.wait_dma2 semaphore(%arg12 : memref<!tpu.dma_semaphore, #tpu.memory_space<semaphore_mem>>) src(%dma_wait3A_38 : memref<5120xi32, #tpu.memory_space<hbm>>) dst(%arg9 : memref<5120xi32, #tpu.memory_space<vmem>>)
      %add3A_39 = arith.constant 1 : i32
      %add3A_40 = arith.addi %mul3A_30, %add3A_39 : i32
      %mul3A_41 = arith.constant 5120 : i32
      %mul3A_42 = arith.muli %add3A_40, %mul3A_41 : i32
      %dma_start3A_43 = tpu.memref_slice %arg3[%mul3A_42] : memref<327680xi32, #tpu.memory_space<hbm>> -> memref<5120xi32, #tpu.memory_space<hbm>>
      %dma_start3A_44 = tpu.memref_slice %arg3[%mul3A_42] : memref<327680xi32, #tpu.memory_space<hbm>> -> memref<5120xi32, #tpu.memory_space<hbm>>
      tpu.enqueue_dma source(%dma_start3A_44 : memref<5120xi32, #tpu.memory_space<hbm>>) target(%arg10 : memref<5120xi32, #tpu.memory_space<vmem>>) target_semaphore(%arg13 : memref<!tpu.dma_semaphore, #tpu.memory_space<semaphore_mem>>)
      %mul3A_45 = arith.constant 5120 : i32
      %mul3A_46 = arith.muli %add3A_40, %mul3A_45 : i32
      %dma_start3A_47 = tpu.memref_slice %arg4[%mul3A_46] : memref<327680xi32, #tpu.memory_space<hbm>> -> memref<5120xi32, #tpu.memory_space<hbm>>
      %dma_start3A_48 = tpu.memref_slice %arg4[%mul3A_46] : memref<327680xi32, #tpu.memory_space<hbm>> -> memref<5120xi32, #tpu.memory_space<hbm>>
      tpu.enqueue_dma source(%dma_start3A_48 : memref<5120xi32, #tpu.memory_space<hbm>>) target(%arg11 : memref<5120xi32, #tpu.memory_space<vmem>>) target_semaphore(%arg13 : memref<!tpu.dma_semaphore, #tpu.memory_space<semaphore_mem>>)
      %parallel_loop3A = arith.constant 0 : i32
      %parallel_loop3A_49 = arith.constant 320 : i32
      %parallel_loop3A_50 = arith.constant 1 : i32
      scf.for %parallel_loop3A_73 = %parallel_loop3A to %parallel_loop3A_49 step %parallel_loop3A_50  : i32 {
        %parallel_loop3A_74 = arith.constant 16 : i32
        %parallel_loop3A_75 = arith.muli %parallel_loop3A_73, %parallel_loop3A_74 : i32
        %parallel_loop3A_76 = arith.index_cast %parallel_loop3A_75 : i32 to index
        %parallel_loop3A_77 = tpu.vector_load %arg8[%parallel_loop3A_76] {strides = array<i32>} : memref<5120xi32, #tpu.memory_space<vmem>>, vector<16xi32>,
        %parallel_loop3A_78 = arith.constant 16 : i32
        %parallel_loop3A_79 = arith.muli %parallel_loop3A_73, %parallel_loop3A_78 : i32
        %parallel_loop3A_80 = arith.index_cast %parallel_loop3A_79 : i32 to index
        %parallel_loop3A_81 = tpu.vector_load %arg9[%parallel_loop3A_80] {strides = array<i32>} : memref<5120xi32, #tpu.memory_space<vmem>>, vector<16xi32>,
        %parallel_loop3A_82 = arith.constant 0 : i32
        %parallel_loop3A_83 = vector.broadcast %parallel_loop3A_82 : i32 to vector<16xi32>
        %parallel_loop3A_84 = arith.addi %parallel_loop3A_77, %parallel_loop3A_83 : vector<16xi32>
        %parallel_loop3A_85 = tpu.vector_load_idx %arg6[%parallel_loop3A_84] : memref<40960xf32, #tpu.memory_space<vmem>>[vector<16xi32>], vector<16xf32>,
        %parallel_loop3A_86 = arith.constant 0 : i32
        %parallel_loop3A_87 = vector.broadcast %parallel_loop3A_86 : i32 to vector<16xi32>
        %parallel_loop3A_88 = arith.addi %parallel_loop3A_81, %parallel_loop3A_87 : vector<16xi32>
        tpu.vector_store_idx %arg7[%parallel_loop3A_88], %parallel_loop3A_85 {add = true} : memref<40960xf32, #tpu.memory_space<vmem>>[vector<16xi32>], vector<16xf32>,
        %parallel_loop3A_89 = arith.constant 10240 : i32
        %parallel_loop3A_90 = vector.broadcast %parallel_loop3A_89 : i32 to vector<16xi32>
        %parallel_loop3A_91 = arith.addi %parallel_loop3A_77, %parallel_loop3A_90 : vector<16xi32>
        %parallel_loop3A_92 = tpu.vector_load_idx %arg6[%parallel_loop3A_91] : memref<40960xf32, #tpu.memory_space<vmem>>[vector<16xi32>], vector<16xf32>,
        %parallel_loop3A_93 = arith.constant 10240 : i32
        %parallel_loop3A_94 = vector.broadcast %parallel_loop3A_93 : i32 to vector<16xi32>
        %parallel_loop3A_95 = arith.addi %parallel_loop3A_81, %parallel_loop3A_94 : vector<16xi32>
        tpu.vector_store_idx %arg7[%parallel_loop3A_95], %parallel_loop3A_92 {add = true} : memref<40960xf32, #tpu.memory_space<vmem>>[vector<16xi32>], vector<16xf32>,
        %parallel_loop3A_96 = arith.constant 20480 : i32
        %parallel_loop3A_97 = vector.broadcast %parallel_loop3A_96 : i32 to vector<16xi32>
        %parallel_loop3A_98 = arith.addi %parallel_loop3A_77, %parallel_loop3A_97 : vector<16xi32>
        %parallel_loop3A_99 = tpu.vector_load_idx %arg6[%parallel_loop3A_98] : memref<40960xf32, #tpu.memory_space<vmem>>[vector<16xi32>], vector<16xf32>,
        %parallel_loop3A_100 = arith.constant 20480 : i32
        %parallel_loop3A_101 = vector.broadcast %parallel_loop3A_100 : i32 to vector<16xi32>
        %parallel_loop3A_102 = arith.addi %parallel_loop3A_81, %parallel_loop3A_101 : vector<16xi32>
        tpu.vector_store_idx %arg7[%parallel_loop3A_102], %parallel_loop3A_99 {add = true} : memref<40960xf32, #tpu.memory_space<vmem>>[vector<16xi32>], vector<16xf32>,
        %parallel_loop3A_103 = arith.constant 30720 : i32
        %parallel_loop3A_104 = vector.broadcast %parallel_loop3A_103 : i32 to vector<16xi32>
        %parallel_loop3A_105 = arith.addi %parallel_loop3A_77, %parallel_loop3A_104 : vector<16xi32>
        %parallel_loop3A_106 = tpu.vector_load_idx %arg6[%parallel_loop3A_105] : memref<40960xf32, #tpu.memory_space<vmem>>[vector<16xi32>], vector<16xf32>,
        %parallel_loop3A_107 = arith.constant 30720 : i32
        %parallel_loop3A_108 = vector.broadcast %parallel_loop3A_107 : i32 to vector<16xi32>
        %parallel_loop3A_109 = arith.addi %parallel_loop3A_81, %parallel_loop3A_108 : vector<16xi32>
        tpu.vector_store_idx %arg7[%parallel_loop3A_109], %parallel_loop3A_106 {add = true} : memref<40960xf32, #tpu.memory_space<vmem>>[vector<16xi32>], vector<16xf32>,
      } {sc.loop_unroll_factor = 8 : i64, sc.parallel_access}
      %dma_wait3A_51 = arith.constant 0 : i32
      %dma_wait3A_52 = tpu.memref_slice %arg3[%dma_wait3A_51] : memref<327680xi32, #tpu.memory_space<hbm>> -> memref<5120xi32, #tpu.memory_space<hbm>>
      %dma_wait3A_53 = arith.constant 0 : i32
      %dma_wait3A_54 = tpu.memref_slice %arg3[%dma_wait3A_53] : memref<327680xi32, #tpu.memory_space<hbm>> -> memref<5120xi32, #tpu.memory_space<hbm>>
      tpu.wait_dma2 semaphore(%arg13 : memref<!tpu.dma_semaphore, #tpu.memory_space<semaphore_mem>>) src(%dma_wait3A_54 : memref<5120xi32, #tpu.memory_space<hbm>>) dst(%arg10 : memref<5120xi32, #tpu.memory_space<vmem>>)
      %dma_wait3A_55 = arith.constant 0 : i32
      %dma_wait3A_56 = tpu.memref_slice %arg3[%dma_wait3A_55] : memref<327680xi32, #tpu.memory_space<hbm>> -> memref<5120xi32, #tpu.memory_space<hbm>>
      %dma_wait3A_57 = arith.constant 0 : i32
      %dma_wait3A_58 = tpu.memref_slice %arg3[%dma_wait3A_57] : memref<327680xi32, #tpu.memory_space<hbm>> -> memref<5120xi32, #tpu.memory_space<hbm>>
      tpu.wait_dma2 semaphore(%arg13 : memref<!tpu.dma_semaphore, #tpu.memory_space<semaphore_mem>>) src(%dma_wait3A_58 : memref<5120xi32, #tpu.memory_space<hbm>>) dst(%arg11 : memref<5120xi32, #tpu.memory_space<vmem>>)
      %add3A_59 = arith.constant 2 : i32
      %add3A_60 = arith.addi %mul3A_30, %add3A_59 : i32
      %rem3A = arith.constant 64 : i32
      %rem3A_61 = arith.remsi %add3A_60, %rem3A : i32
      %mul3A_62 = arith.constant 5120 : i32
      %mul3A_63 = arith.muli %rem3A_61, %mul3A_62 : i32
      %dma_start3A_64 = tpu.memref_slice %arg3[%mul3A_63] : memref<327680xi32, #tpu.memory_space<hbm>> -> memref<5120xi32, #tpu.memory_space<hbm>>
      %dma_start3A_65 = tpu.memref_slice %arg3[%mul3A_63] : memref<327680xi32, #tpu.memory_space<hbm>> -> memref<5120xi32, #tpu.memory_space<hbm>>
      tpu.enqueue_dma source(%dma_start3A_65 : memref<5120xi32, #tpu.memory_space<hbm>>) target(%arg8 : memref<5120xi32, #tpu.memory_space<vmem>>) target_semaphore(%arg12 : memref<!tpu.dma_semaphore, #tpu.memory_space<semaphore_mem>>)
      %mul3A_66 = arith.constant 5120 : i32
      %mul3A_67 = arith.muli %rem3A_61, %mul3A_66 : i32
      %dma_start3A_68 = tpu.memref_slice %arg4[%mul3A_67] : memref<327680xi32, #tpu.memory_space<hbm>> -> memref<5120xi32, #tpu.memory_space<hbm>>
      %dma_start3A_69 = tpu.memref_slice %arg4[%mul3A_67] : memref<327680xi32, #tpu.memory_space<hbm>> -> memref<5120xi32, #tpu.memory_space<hbm>>
      tpu.enqueue_dma source(%dma_start3A_69 : memref<5120xi32, #tpu.memory_space<hbm>>) target(%arg9 : memref<5120xi32, #tpu.memory_space<vmem>>) target_semaphore(%arg12 : memref<!tpu.dma_semaphore, #tpu.memory_space<semaphore_mem>>)
      %parallel_loop3A_70 = arith.constant 0 : i32
      %parallel_loop3A_71 = arith.constant 320 : i32
      %parallel_loop3A_72 = arith.constant 1 : i32
      scf.for %parallel_loop3A_73 = %parallel_loop3A_70 to %parallel_loop3A_71 step %parallel_loop3A_72  : i32 {
        %parallel_loop3A_74 = arith.constant 16 : i32
        %parallel_loop3A_75 = arith.muli %parallel_loop3A_73, %parallel_loop3A_74 : i32
        %parallel_loop3A_76 = arith.index_cast %parallel_loop3A_75 : i32 to index
        %parallel_loop3A_77 = tpu.vector_load %arg10[%parallel_loop3A_76] {strides = array<i32>} : memref<5120xi32, #tpu.memory_space<vmem>>, vector<16xi32>,
        %parallel_loop3A_78 = arith.constant 16 : i32
        %parallel_loop3A_79 = arith.muli %parallel_loop3A_73, %parallel_loop3A_78 : i32
        %parallel_loop3A_80 = arith.index_cast %parallel_loop3A_79 : i32 to index
        %parallel_loop3A_81 = tpu.vector_load %arg11[%parallel_loop3A_80] {strides = array<i32>} : memref<5120xi32, #tpu.memory_space<vmem>>, vector<16xi32>,
        %parallel_loop3A_82 = arith.constant 0 : i32
        %parallel_loop3A_83 = vector.broadcast %parallel_loop3A_82 : i32 to vector<16xi32>
        %parallel_loop3A_84 = arith.addi %parallel_loop3A_77, %parallel_loop3A_83 : vector<16xi32>
        %parallel_loop3A_85 = tpu.vector_load_idx %arg6[%parallel_loop3A_84] : memref<40960xf32, #tpu.memory_space<vmem>>[vector<16xi32>], vector<16xf32>,
        %parallel_loop3A_86 = arith.constant 0 : i32
        %parallel_loop3A_87 = vector.broadcast %parallel_loop3A_86 : i32 to vector<16xi32>
        %parallel_loop3A_88 = arith.addi %parallel_loop3A_81, %parallel_loop3A_87 : vector<16xi32>
        tpu.vector_store_idx %arg7[%parallel_loop3A_88], %parallel_loop3A_85 {add = true} : memref<40960xf32, #tpu.memory_space<vmem>>[vector<16xi32>], vector<16xf32>,
        %parallel_loop3A_89 = arith.constant 10240 : i32
        %parallel_loop3A_90 = vector.broadcast %parallel_loop3A_89 : i32 to vector<16xi32>
        %parallel_loop3A_91 = arith.addi %parallel_loop3A_77, %parallel_loop3A_90 : vector<16xi32>
        %parallel_loop3A_92 = tpu.vector_load_idx %arg6[%parallel_loop3A_91] : memref<40960xf32, #tpu.memory_space<vmem>>[vector<16xi32>], vector<16xf32>,
        %parallel_loop3A_93 = arith.constant 10240 : i32
        %parallel_loop3A_94 = vector.broadcast %parallel_loop3A_93 : i32 to vector<16xi32>
        %parallel_loop3A_95 = arith.addi %parallel_loop3A_81, %parallel_loop3A_94 : vector<16xi32>
        tpu.vector_store_idx %arg7[%parallel_loop3A_95], %parallel_loop3A_92 {add = true} : memref<40960xf32, #tpu.memory_space<vmem>>[vector<16xi32>], vector<16xf32>,
        %parallel_loop3A_96 = arith.constant 20480 : i32
        %parallel_loop3A_97 = vector.broadcast %parallel_loop3A_96 : i32 to vector<16xi32>
        %parallel_loop3A_98 = arith.addi %parallel_loop3A_77, %parallel_loop3A_97 : vector<16xi32>
        %parallel_loop3A_99 = tpu.vector_load_idx %arg6[%parallel_loop3A_98] : memref<40960xf32, #tpu.memory_space<vmem>>[vector<16xi32>], vector<16xf32>,
        %parallel_loop3A_100 = arith.constant 20480 : i32
        %parallel_loop3A_101 = vector.broadcast %parallel_loop3A_100 : i32 to vector<16xi32>
        %parallel_loop3A_102 = arith.addi %parallel_loop3A_81, %parallel_loop3A_101 : vector<16xi32>
        tpu.vector_store_idx %arg7[%parallel_loop3A_102], %parallel_loop3A_99 {add = true} : memref<40960xf32, #tpu.memory_space<vmem>>[vector<16xi32>], vector<16xf32>,
        %parallel_loop3A_103 = arith.constant 30720 : i32
        %parallel_loop3A_104 = vector.broadcast %parallel_loop3A_103 : i32 to vector<16xi32>
        %parallel_loop3A_105 = arith.addi %parallel_loop3A_77, %parallel_loop3A_104 : vector<16xi32>
        %parallel_loop3A_106 = tpu.vector_load_idx %arg6[%parallel_loop3A_105] : memref<40960xf32, #tpu.memory_space<vmem>>[vector<16xi32>], vector<16xf32>,
        %parallel_loop3A_107 = arith.constant 30720 : i32
        %parallel_loop3A_108 = vector.broadcast %parallel_loop3A_107 : i32 to vector<16xi32>
        %parallel_loop3A_109 = arith.addi %parallel_loop3A_81, %parallel_loop3A_108 : vector<16xi32>
        tpu.vector_store_idx %arg7[%parallel_loop3A_109], %parallel_loop3A_106 {add = true} : memref<40960xf32, #tpu.memory_space<vmem>>[vector<16xi32>], vector<16xf32>,
      } {sc.loop_unroll_factor = 8 : i64, sc.parallel_access}
    }
    %scan3A_18 = arith.constant 32 : i32
    %dma_wait3A = arith.constant 0 : i32
    %dma_wait3A_19 = tpu.memref_slice %arg3[%dma_wait3A] : memref<327680xi32, #tpu.memory_space<hbm>> -> memref<5120xi32, #tpu.memory_space<hbm>>
    %dma_wait3A_20 = arith.constant 0 : i32
    %dma_wait3A_21 = tpu.memref_slice %arg3[%dma_wait3A_20] : memref<327680xi32, #tpu.memory_space<hbm>> -> memref<5120xi32, #tpu.memory_space<hbm>>
    tpu.wait_dma2 semaphore(%arg12 : memref<!tpu.dma_semaphore, #tpu.memory_space<semaphore_mem>>) src(%dma_wait3A_21 : memref<5120xi32, #tpu.memory_space<hbm>>) dst(%arg8 : memref<5120xi32, #tpu.memory_space<vmem>>)
    %dma_wait3A_22 = arith.constant 0 : i32
    %dma_wait3A_23 = tpu.memref_slice %arg3[%dma_wait3A_22] : memref<327680xi32, #tpu.memory_space<hbm>> -> memref<5120xi32, #tpu.memory_space<hbm>>
    %dma_wait3A_24 = arith.constant 0 : i32
    %dma_wait3A_25 = tpu.memref_slice %arg3[%dma_wait3A_24] : memref<327680xi32, #tpu.memory_space<hbm>> -> memref<5120xi32, #tpu.memory_space<hbm>>
    tpu.wait_dma2 semaphore(%arg12 : memref<!tpu.dma_semaphore, #tpu.memory_space<semaphore_mem>>) src(%dma_wait3A_25 : memref<5120xi32, #tpu.memory_space<hbm>>) dst(%arg9 : memref<5120xi32, #tpu.memory_space<vmem>>)
    %mul3A_26 = arith.constant 40960 : i32
    %mul3A_27 = arith.muli %add3A, %mul3A_26 : i32
    "tpu.region"() ({
      %run_scoped3A = tpu.sem_alloc : memref<!tpu.dma_semaphore, #tpu.memory_space<semaphore_mem>>
      %dma_start3A_28 = tpu.memref_slice %arg5[%mul3A_27] : memref<1310720xf32, #tpu.memory_space<hbm>> -> memref<40960xf32, #tpu.memory_space<hbm>>
      %dma_start3A_29 = tpu.memref_slice %arg5[%mul3A_27] : memref<1310720xf32, #tpu.memory_space<hbm>> -> memref<40960xf32, #tpu.memory_space<hbm>>
      tpu.enqueue_dma source(%arg7 : memref<40960xf32, #tpu.memory_space<vmem>>) target(%dma_start3A_29 : memref<40960xf32, #tpu.memory_space<hbm>>) target_semaphore(%run_scoped3A : memref<!tpu.dma_semaphore, #tpu.memory_space<semaphore_mem>>)
      %dma_wait3A_30 = tpu.memref_slice %arg5[%mul3A_27] : memref<1310720xf32, #tpu.memory_space<hbm>> -> memref<40960xf32, #tpu.memory_space<hbm>>
      %dma_wait3A_31 = tpu.memref_slice %arg5[%mul3A_27] : memref<1310720xf32, #tpu.memory_space<hbm>> -> memref<40960xf32, #tpu.memory_space<hbm>>
      tpu.wait_dma2 semaphore(%run_scoped3A : memref<!tpu.dma_semaphore, #tpu.memory_space<semaphore_mem>>) src(%arg7 : memref<40960xf32, #tpu.memory_space<vmem>>) dst(%dma_wait3A_31 : memref<40960xf32, #tpu.memory_space<hbm>>)
      tpu.yield
    }) : () -> ()
    return
  }
}

#map = affine_map<(d0, d1) -> (0)>
module attributes {stable_mosaic.version = 14 : i64} {
  func.func @agg_kernel(%arg0: i32, %arg1: i32, %arg2: memref<2621440xf32, #tpu.memory_space<hbm>>, %arg3: memref<327680xi32, #tpu.memory_space<hbm>>, %arg4: memref<327680xi32, #tpu.memory_space<hbm>>, %arg5: memref<1310720xf32, #tpu.memory_space<hbm>>, %arg6: memref<40960xf32, #tpu.memory_space<vmem>>, %arg7: memref<40960xf32, #tpu.memory_space<vmem>>, %arg8: memref<5120xi32, #tpu.memory_space<vmem>>, %arg9: memref<5120xi32, #tpu.memory_space<vmem>>, %arg10: memref<5120xi32, #tpu.memory_space<vmem>>, %arg11: memref<5120xi32, #tpu.memory_space<vmem>>, %arg12: memref<!tpu.dma_semaphore, #tpu.memory_space<semaphore_mem>>, %arg13: memref<!tpu.dma_semaphore, #tpu.memory_space<semaphore_mem>>) attributes {dimension_semantics = [#tpu.dimension_semantics<core_parallel>, #tpu.dimension_semantics<subcore_parallel>], iteration_bounds = array<i64: 2, 16>, scalar_prefetch = 0 : i64, scratch_operands = 8 : i64, tpu.core_type = #tpu.core_type<sc_vector_subcore>, window_params = [{transform_indices = #map}, {transform_indices = #map}, {transform_indices = #map}, {transform_indices = #map}]} {
    %mul3A = arith.constant 16 : i32
    %mul3A_0 = arith.muli %arg0, %mul3A : i32
    %add3A = arith.addi %mul3A_0, %arg1 : i32
    %mul3A_1 = arith.constant 4 : i32
    %mul3A_2 = arith.muli %add3A, %mul3A_1 : i32
    %add3A_3 = arith.constant 0 : i32
    %add3A_4 = arith.addi %add3A_3, %mul3A_2 : i32
    %mul3A_5 = arith.constant 10240 : i32
    %mul3A_6 = arith.muli %add3A_4, %mul3A_5 : i32
    "tpu.region"() ({
      %run_scoped3A = tpu.sem_alloc : memref<!tpu.dma_semaphore, #tpu.memory_space<semaphore_mem>>
      %dma_start3A_28 = tpu.memref_slice %arg2[%mul3A_6] : memref<2621440xf32, #tpu.memory_space<hbm>> -> memref<40960xf32, #tpu.memory_space<hbm>>
      %dma_start3A_29 = tpu.memref_slice %arg2[%mul3A_6] : memref<2621440xf32, #tpu.memory_space<hbm>> -> memref<40960xf32, #tpu.memory_space<hbm>>
      tpu.enqueue_dma source(%dma_start3A_29 : memref<40960xf32, #tpu.memory_space<hbm>>) target(%arg6 : memref<40960xf32, #tpu.memory_space<vmem>>) target_semaphore(%run_scoped3A : memref<!tpu.dma_semaphore, #tpu.memory_space<semaphore_mem>>)
      %dma_wait3A_30 = tpu.memref_slice %arg2[%mul3A_6] : memref<2621440xf32, #tpu.memory_space<hbm>> -> memref<40960xf32, #tpu.memory_space<hbm>>
      %dma_wait3A_31 = tpu.memref_slice %arg2[%mul3A_6] : memref<2621440xf32, #tpu.memory_space<hbm>> -> memref<40960xf32, #tpu.memory_space<hbm>>
      tpu.wait_dma2 semaphore(%run_scoped3A : memref<!tpu.dma_semaphore, #tpu.memory_space<semaphore_mem>>) src(%dma_wait3A_31 : memref<40960xf32, #tpu.memory_space<hbm>>) dst(%arg6 : memref<40960xf32, #tpu.memory_space<vmem>>)
      tpu.yield
    }) : () -> ()
    "tpu.region"() ({
      %run_scoped3A = tpu.sem_alloc : memref<!tpu.dma_semaphore, #tpu.memory_space<semaphore_mem>>
      %dma_start3A_28 = tpu.memref_slice %arg2[%mul3A_6] : memref<2621440xf32, #tpu.memory_space<hbm>> -> memref<40960xf32, #tpu.memory_space<hbm>>
      %dma_start3A_29 = tpu.memref_slice %arg2[%mul3A_6] : memref<2621440xf32, #tpu.memory_space<hbm>> -> memref<40960xf32, #tpu.memory_space<hbm>>
      tpu.enqueue_dma source(%dma_start3A_29 : memref<40960xf32, #tpu.memory_space<hbm>>) target(%arg7 : memref<40960xf32, #tpu.memory_space<vmem>>) target_semaphore(%run_scoped3A : memref<!tpu.dma_semaphore, #tpu.memory_space<semaphore_mem>>)
      %dma_wait3A_30 = tpu.memref_slice %arg2[%mul3A_6] : memref<2621440xf32, #tpu.memory_space<hbm>> -> memref<40960xf32, #tpu.memory_space<hbm>>
      %dma_wait3A_31 = tpu.memref_slice %arg2[%mul3A_6] : memref<2621440xf32, #tpu.memory_space<hbm>> -> memref<40960xf32, #tpu.memory_space<hbm>>
      tpu.wait_dma2 semaphore(%run_scoped3A : memref<!tpu.dma_semaphore, #tpu.memory_space<semaphore_mem>>) src(%dma_wait3A_31 : memref<40960xf32, #tpu.memory_space<hbm>>) dst(%arg7 : memref<40960xf32, #tpu.memory_space<vmem>>)
      tpu.yield
    }) : () -> ()
    %dma_start3A = arith.constant 0 : i32
    %dma_start3A_7 = tpu.memref_slice %arg3[%dma_start3A] : memref<327680xi32, #tpu.memory_space<hbm>> -> memref<5120xi32, #tpu.memory_space<hbm>>
    %dma_start3A_8 = arith.constant 0 : i32
    %dma_start3A_9 = tpu.memref_slice %arg3[%dma_start3A_8] : memref<327680xi32, #tpu.memory_space<hbm>> -> memref<5120xi32, #tpu.memory_space<hbm>>
    tpu.enqueue_dma source(%dma_start3A_9 : memref<5120xi32, #tpu.memory_space<hbm>>) target(%arg8 : memref<5120xi32, #tpu.memory_space<vmem>>) target_semaphore(%arg12 : memref<!tpu.dma_semaphore, #tpu.memory_space<semaphore_mem>>)
    %dma_start3A_10 = arith.constant 0 : i32
    %dma_start3A_11 = tpu.memref_slice %arg4[%dma_start3A_10] : memref<327680xi32, #tpu.memory_space<hbm>> -> memref<5120xi32, #tpu.memory_space<hbm>>
    %dma_start3A_12 = arith.constant 0 : i32
    %dma_start3A_13 = tpu.memref_slice %arg4[%dma_start3A_12] : memref<327680xi32, #tpu.memory_space<hbm>> -> memref<5120xi32, #tpu.memory_space<hbm>>
    tpu.enqueue_dma source(%dma_start3A_13 : memref<5120xi32, #tpu.memory_space<hbm>>) target(%arg9 : memref<5120xi32, #tpu.memory_space<vmem>>) target_semaphore(%arg12 : memref<!tpu.dma_semaphore, #tpu.memory_space<semaphore_mem>>)
    %scan3A = arith.constant 0 : i32
    %scan3A_14 = arith.constant 0 : i32
    %scan3A_15 = arith.constant 32 : i32
    %scan3A_16 = arith.addi %scan3A_14, %scan3A_15 : i32
    %scan3A_17 = arith.constant 1 : i32
    scf.for %scan3A_28 = %scan3A_14 to %scan3A_16 step %scan3A_17  : i32 {
      %mul3A_29 = arith.constant 2 : i32
      %mul3A_30 = arith.muli %mul3A_29, %scan3A_28 : i32
      %dma_wait3A_31 = arith.constant 0 : i32
      %dma_wait3A_32 = tpu.memref_slice %arg3[%dma_wait3A_31] : memref<327680xi32, #tpu.memory_space<hbm>> -> memref<5120xi32, #tpu.memory_space<hbm>>
      %dma_wait3A_33 = arith.constant 0 : i32
      %dma_wait3A_34 = tpu.memref_slice %arg3[%dma_wait3A_33] : memref<327680xi32, #tpu.memory_space<hbm>> -> memref<5120xi32, #tpu.memory_space<hbm>>
      tpu.wait_dma2 semaphore(%arg12 : memref<!tpu.dma_semaphore, #tpu.memory_space<semaphore_mem>>) src(%dma_wait3A_34 : memref<5120xi32, #tpu.memory_space<hbm>>) dst(%arg8 : memref<5120xi32, #tpu.memory_space<vmem>>)
      %dma_wait3A_35 = arith.constant 0 : i32
      %dma_wait3A_36 = tpu.memref_slice %arg3[%dma_wait3A_35] : memref<327680xi32, #tpu.memory_space<hbm>> -> memref<5120xi32, #tpu.memory_space<hbm>>
      %dma_wait3A_37 = arith.constant 0 : i32
      %dma_wait3A_38 = tpu.memref_slice %arg3[%dma_wait3A_37] : memref<327680xi32, #tpu.memory_space<hbm>> -> memref<5120xi32, #tpu.memory_space<hbm>>
      tpu.wait_dma2 semaphore(%arg12 : memref<!tpu.dma_semaphore, #tpu.memory_space<semaphore_mem>>) src(%dma_wait3A_38 : memref<5120xi32, #tpu.memory_space<hbm>>) dst(%arg9 : memref<5120xi32, #tpu.memory_space<vmem>>)
      %add3A_39 = arith.constant 1 : i32
      %add3A_40 = arith.addi %mul3A_30, %add3A_39 : i32
      %mul3A_41 = arith.constant 5120 : i32
      %mul3A_42 = arith.muli %add3A_40, %mul3A_41 : i32
      %dma_start3A_43 = tpu.memref_slice %arg3[%mul3A_42] : memref<327680xi32, #tpu.memory_space<hbm>> -> memref<5120xi32, #tpu.memory_space<hbm>>
      %dma_start3A_44 = tpu.memref_slice %arg3[%mul3A_42] : memref<327680xi32, #tpu.memory_space<hbm>> -> memref<5120xi32, #tpu.memory_space<hbm>>
      tpu.enqueue_dma source(%dma_start3A_44 : memref<5120xi32, #tpu.memory_space<hbm>>) target(%arg10 : memref<5120xi32, #tpu.memory_space<vmem>>) target_semaphore(%arg13 : memref<!tpu.dma_semaphore, #tpu.memory_space<semaphore_mem>>)
      %mul3A_45 = arith.constant 5120 : i32
      %mul3A_46 = arith.muli %add3A_40, %mul3A_45 : i32
      %dma_start3A_47 = tpu.memref_slice %arg4[%mul3A_46] : memref<327680xi32, #tpu.memory_space<hbm>> -> memref<5120xi32, #tpu.memory_space<hbm>>
      %dma_start3A_48 = tpu.memref_slice %arg4[%mul3A_46] : memref<327680xi32, #tpu.memory_space<hbm>> -> memref<5120xi32, #tpu.memory_space<hbm>>
      tpu.enqueue_dma source(%dma_start3A_48 : memref<5120xi32, #tpu.memory_space<hbm>>) target(%arg11 : memref<5120xi32, #tpu.memory_space<vmem>>) target_semaphore(%arg13 : memref<!tpu.dma_semaphore, #tpu.memory_space<semaphore_mem>>)
      %parallel_loop3A = arith.constant 0 : i32
      %parallel_loop3A_49 = arith.constant 320 : i32
      %parallel_loop3A_50 = arith.constant 1 : i32
      scf.for %parallel_loop3A_73 = %parallel_loop3A to %parallel_loop3A_49 step %parallel_loop3A_50  : i32 {
        %parallel_loop3A_74 = arith.constant 16 : i32
        %parallel_loop3A_75 = arith.muli %parallel_loop3A_73, %parallel_loop3A_74 : i32
        %parallel_loop3A_76 = arith.index_cast %parallel_loop3A_75 : i32 to index
        %parallel_loop3A_77 = tpu.vector_load %arg8[%parallel_loop3A_76] {strides = array<i32>} : memref<5120xi32, #tpu.memory_space<vmem>>, vector<16xi32>,
        %parallel_loop3A_78 = arith.constant 16 : i32
        %parallel_loop3A_79 = arith.muli %parallel_loop3A_73, %parallel_loop3A_78 : i32
        %parallel_loop3A_80 = arith.index_cast %parallel_loop3A_79 : i32 to index
        %parallel_loop3A_81 = tpu.vector_load %arg9[%parallel_loop3A_80] {strides = array<i32>} : memref<5120xi32, #tpu.memory_space<vmem>>, vector<16xi32>,
        %parallel_loop3A_82 = arith.constant 0 : i32
        %parallel_loop3A_83 = vector.broadcast %parallel_loop3A_82 : i32 to vector<16xi32>
        %parallel_loop3A_84 = arith.addi %parallel_loop3A_77, %parallel_loop3A_83 : vector<16xi32>
        %parallel_loop3A_85 = tpu.vector_load_idx %arg6[%parallel_loop3A_84] : memref<40960xf32, #tpu.memory_space<vmem>>[vector<16xi32>], vector<16xf32>,
        %parallel_loop3A_86 = arith.constant 0 : i32
        %parallel_loop3A_87 = vector.broadcast %parallel_loop3A_86 : i32 to vector<16xi32>
        %parallel_loop3A_88 = arith.addi %parallel_loop3A_81, %parallel_loop3A_87 : vector<16xi32>
        tpu.vector_store_idx %arg7[%parallel_loop3A_88], %parallel_loop3A_85 {add = true} : memref<40960xf32, #tpu.memory_space<vmem>>[vector<16xi32>], vector<16xf32>,
        %parallel_loop3A_89 = arith.constant 10240 : i32
        %parallel_loop3A_90 = vector.broadcast %parallel_loop3A_89 : i32 to vector<16xi32>
        %parallel_loop3A_91 = arith.addi %parallel_loop3A_77, %parallel_loop3A_90 : vector<16xi32>
        %parallel_loop3A_92 = tpu.vector_load_idx %arg6[%parallel_loop3A_91] : memref<40960xf32, #tpu.memory_space<vmem>>[vector<16xi32>], vector<16xf32>,
        %parallel_loop3A_93 = arith.constant 10240 : i32
        %parallel_loop3A_94 = vector.broadcast %parallel_loop3A_93 : i32 to vector<16xi32>
        %parallel_loop3A_95 = arith.addi %parallel_loop3A_81, %parallel_loop3A_94 : vector<16xi32>
        tpu.vector_store_idx %arg7[%parallel_loop3A_95], %parallel_loop3A_92 {add = true} : memref<40960xf32, #tpu.memory_space<vmem>>[vector<16xi32>], vector<16xf32>,
        %parallel_loop3A_96 = arith.constant 20480 : i32
        %parallel_loop3A_97 = vector.broadcast %parallel_loop3A_96 : i32 to vector<16xi32>
        %parallel_loop3A_98 = arith.addi %parallel_loop3A_77, %parallel_loop3A_97 : vector<16xi32>
        %parallel_loop3A_99 = tpu.vector_load_idx %arg6[%parallel_loop3A_98] : memref<40960xf32, #tpu.memory_space<vmem>>[vector<16xi32>], vector<16xf32>,
        %parallel_loop3A_100 = arith.constant 20480 : i32
        %parallel_loop3A_101 = vector.broadcast %parallel_loop3A_100 : i32 to vector<16xi32>
        %parallel_loop3A_102 = arith.addi %parallel_loop3A_81, %parallel_loop3A_101 : vector<16xi32>
        tpu.vector_store_idx %arg7[%parallel_loop3A_102], %parallel_loop3A_99 {add = true} : memref<40960xf32, #tpu.memory_space<vmem>>[vector<16xi32>], vector<16xf32>,
        %parallel_loop3A_103 = arith.constant 30720 : i32
        %parallel_loop3A_104 = vector.broadcast %parallel_loop3A_103 : i32 to vector<16xi32>
        %parallel_loop3A_105 = arith.addi %parallel_loop3A_77, %parallel_loop3A_104 : vector<16xi32>
        %parallel_loop3A_106 = tpu.vector_load_idx %arg6[%parallel_loop3A_105] : memref<40960xf32, #tpu.memory_space<vmem>>[vector<16xi32>], vector<16xf32>,
        %parallel_loop3A_107 = arith.constant 30720 : i32
        %parallel_loop3A_108 = vector.broadcast %parallel_loop3A_107 : i32 to vector<16xi32>
        %parallel_loop3A_109 = arith.addi %parallel_loop3A_81, %parallel_loop3A_108 : vector<16xi32>
        tpu.vector_store_idx %arg7[%parallel_loop3A_109], %parallel_loop3A_106 {add = true} : memref<40960xf32, #tpu.memory_space<vmem>>[vector<16xi32>], vector<16xf32>,
      } {sc.loop_unroll_factor = 8 : i64, sc.parallel_access}
      %dma_wait3A_51 = arith.constant 0 : i32
      %dma_wait3A_52 = tpu.memref_slice %arg3[%dma_wait3A_51] : memref<327680xi32, #tpu.memory_space<hbm>> -> memref<5120xi32, #tpu.memory_space<hbm>>
      %dma_wait3A_53 = arith.constant 0 : i32
      %dma_wait3A_54 = tpu.memref_slice %arg3[%dma_wait3A_53] : memref<327680xi32, #tpu.memory_space<hbm>> -> memref<5120xi32, #tpu.memory_space<hbm>>
      tpu.wait_dma2 semaphore(%arg13 : memref<!tpu.dma_semaphore, #tpu.memory_space<semaphore_mem>>) src(%dma_wait3A_54 : memref<5120xi32, #tpu.memory_space<hbm>>) dst(%arg10 : memref<5120xi32, #tpu.memory_space<vmem>>)
      %dma_wait3A_55 = arith.constant 0 : i32
      %dma_wait3A_56 = tpu.memref_slice %arg3[%dma_wait3A_55] : memref<327680xi32, #tpu.memory_space<hbm>> -> memref<5120xi32, #tpu.memory_space<hbm>>
      %dma_wait3A_57 = arith.constant 0 : i32
      %dma_wait3A_58 = tpu.memref_slice %arg3[%dma_wait3A_57] : memref<327680xi32, #tpu.memory_space<hbm>> -> memref<5120xi32, #tpu.memory_space<hbm>>
      tpu.wait_dma2 semaphore(%arg13 : memref<!tpu.dma_semaphore, #tpu.memory_space<semaphore_mem>>) src(%dma_wait3A_58 : memref<5120xi32, #tpu.memory_space<hbm>>) dst(%arg11 : memref<5120xi32, #tpu.memory_space<vmem>>)
      %add3A_59 = arith.constant 2 : i32
      %add3A_60 = arith.addi %mul3A_30, %add3A_59 : i32
      %rem3A = arith.constant 64 : i32
      %rem3A_61 = arith.remsi %add3A_60, %rem3A : i32
      %mul3A_62 = arith.constant 5120 : i32
      %mul3A_63 = arith.muli %rem3A_61, %mul3A_62 : i32
      %dma_start3A_64 = tpu.memref_slice %arg3[%mul3A_63] : memref<327680xi32, #tpu.memory_space<hbm>> -> memref<5120xi32, #tpu.memory_space<hbm>>
      %dma_start3A_65 = tpu.memref_slice %arg3[%mul3A_63] : memref<327680xi32, #tpu.memory_space<hbm>> -> memref<5120xi32, #tpu.memory_space<hbm>>
      tpu.enqueue_dma source(%dma_start3A_65 : memref<5120xi32, #tpu.memory_space<hbm>>) target(%arg8 : memref<5120xi32, #tpu.memory_space<vmem>>) target_semaphore(%arg12 : memref<!tpu.dma_semaphore, #tpu.memory_space<semaphore_mem>>)
      %mul3A_66 = arith.constant 5120 : i32
      %mul3A_67 = arith.muli %rem3A_61, %mul3A_66 : i32
      %dma_start3A_68 = tpu.memref_slice %arg4[%mul3A_67] : memref<327680xi32, #tpu.memory_space<hbm>> -> memref<5120xi32, #tpu.memory_space<hbm>>
      %dma_start3A_69 = tpu.memref_slice %arg4[%mul3A_67] : memref<327680xi32, #tpu.memory_space<hbm>> -> memref<5120xi32, #tpu.memory_space<hbm>>
      tpu.enqueue_dma source(%dma_start3A_69 : memref<5120xi32, #tpu.memory_space<hbm>>) target(%arg9 : memref<5120xi32, #tpu.memory_space<vmem>>) target_semaphore(%arg12 : memref<!tpu.dma_semaphore, #tpu.memory_space<semaphore_mem>>)
      %parallel_loop3A_70 = arith.constant 0 : i32
      %parallel_loop3A_71 = arith.constant 320 : i32
      %parallel_loop3A_72 = arith.constant 1 : i32
      scf.for %parallel_loop3A_73 = %parallel_loop3A_70 to %parallel_loop3A_71 step %parallel_loop3A_72  : i32 {
        %parallel_loop3A_74 = arith.constant 16 : i32
        %parallel_loop3A_75 = arith.muli %parallel_loop3A_73, %parallel_loop3A_74 : i32
        %parallel_loop3A_76 = arith.index_cast %parallel_loop3A_75 : i32 to index
        %parallel_loop3A_77 = tpu.vector_load %arg10[%parallel_loop3A_76] {strides = array<i32>} : memref<5120xi32, #tpu.memory_space<vmem>>, vector<16xi32>,
        %parallel_loop3A_78 = arith.constant 16 : i32
        %parallel_loop3A_79 = arith.muli %parallel_loop3A_73, %parallel_loop3A_78 : i32
        %parallel_loop3A_80 = arith.index_cast %parallel_loop3A_79 : i32 to index
        %parallel_loop3A_81 = tpu.vector_load %arg11[%parallel_loop3A_80] {strides = array<i32>} : memref<5120xi32, #tpu.memory_space<vmem>>, vector<16xi32>,
        %parallel_loop3A_82 = arith.constant 0 : i32
        %parallel_loop3A_83 = vector.broadcast %parallel_loop3A_82 : i32 to vector<16xi32>
        %parallel_loop3A_84 = arith.addi %parallel_loop3A_77, %parallel_loop3A_83 : vector<16xi32>
        %parallel_loop3A_85 = tpu.vector_load_idx %arg6[%parallel_loop3A_84] : memref<40960xf32, #tpu.memory_space<vmem>>[vector<16xi32>], vector<16xf32>,
        %parallel_loop3A_86 = arith.constant 0 : i32
        %parallel_loop3A_87 = vector.broadcast %parallel_loop3A_86 : i32 to vector<16xi32>
        %parallel_loop3A_88 = arith.addi %parallel_loop3A_81, %parallel_loop3A_87 : vector<16xi32>
        tpu.vector_store_idx %arg7[%parallel_loop3A_88], %parallel_loop3A_85 {add = true} : memref<40960xf32, #tpu.memory_space<vmem>>[vector<16xi32>], vector<16xf32>,
        %parallel_loop3A_89 = arith.constant 10240 : i32
        %parallel_loop3A_90 = vector.broadcast %parallel_loop3A_89 : i32 to vector<16xi32>
        %parallel_loop3A_91 = arith.addi %parallel_loop3A_77, %parallel_loop3A_90 : vector<16xi32>
        %parallel_loop3A_92 = tpu.vector_load_idx %arg6[%parallel_loop3A_91] : memref<40960xf32, #tpu.memory_space<vmem>>[vector<16xi32>], vector<16xf32>,
        %parallel_loop3A_93 = arith.constant 10240 : i32
        %parallel_loop3A_94 = vector.broadcast %parallel_loop3A_93 : i32 to vector<16xi32>
        %parallel_loop3A_95 = arith.addi %parallel_loop3A_81, %parallel_loop3A_94 : vector<16xi32>
        tpu.vector_store_idx %arg7[%parallel_loop3A_95], %parallel_loop3A_92 {add = true} : memref<40960xf32, #tpu.memory_space<vmem>>[vector<16xi32>], vector<16xf32>,
        %parallel_loop3A_96 = arith.constant 20480 : i32
        %parallel_loop3A_97 = vector.broadcast %parallel_loop3A_96 : i32 to vector<16xi32>
        %parallel_loop3A_98 = arith.addi %parallel_loop3A_77, %parallel_loop3A_97 : vector<16xi32>
        %parallel_loop3A_99 = tpu.vector_load_idx %arg6[%parallel_loop3A_98] : memref<40960xf32, #tpu.memory_space<vmem>>[vector<16xi32>], vector<16xf32>,
        %parallel_loop3A_100 = arith.constant 20480 : i32
        %parallel_loop3A_101 = vector.broadcast %parallel_loop3A_100 : i32 to vector<16xi32>
        %parallel_loop3A_102 = arith.addi %parallel_loop3A_81, %parallel_loop3A_101 : vector<16xi32>
        tpu.vector_store_idx %arg7[%parallel_loop3A_102], %parallel_loop3A_99 {add = true} : memref<40960xf32, #tpu.memory_space<vmem>>[vector<16xi32>], vector<16xf32>,
        %parallel_loop3A_103 = arith.constant 30720 : i32
        %parallel_loop3A_104 = vector.broadcast %parallel_loop3A_103 : i32 to vector<16xi32>
        %parallel_loop3A_105 = arith.addi %parallel_loop3A_77, %parallel_loop3A_104 : vector<16xi32>
        %parallel_loop3A_106 = tpu.vector_load_idx %arg6[%parallel_loop3A_105] : memref<40960xf32, #tpu.memory_space<vmem>>[vector<16xi32>], vector<16xf32>,
        %parallel_loop3A_107 = arith.constant 30720 : i32
        %parallel_loop3A_108 = vector.broadcast %parallel_loop3A_107 : i32 to vector<16xi32>
        %parallel_loop3A_109 = arith.addi %parallel_loop3A_81, %parallel_loop3A_108 : vector<16xi32>
        tpu.vector_store_idx %arg7[%parallel_loop3A_109], %parallel_loop3A_106 {add = true} : memref<40960xf32, #tpu.memory_space<vmem>>[vector<16xi32>], vector<16xf32>,
      } {sc.loop_unroll_factor = 8 : i64, sc.parallel_access}
    }
    %scan3A_18 = arith.constant 32 : i32
    %dma_wait3A = arith.constant 0 : i32
    %dma_wait3A_19 = tpu.memref_slice %arg3[%dma_wait3A] : memref<327680xi32, #tpu.memory_space<hbm>> -> memref<5120xi32, #tpu.memory_space<hbm>>
    %dma_wait3A_20 = arith.constant 0 : i32
    %dma_wait3A_21 = tpu.memref_slice %arg3[%dma_wait3A_20] : memref<327680xi32, #tpu.memory_space<hbm>> -> memref<5120xi32, #tpu.memory_space<hbm>>
    tpu.wait_dma2 semaphore(%arg12 : memref<!tpu.dma_semaphore, #tpu.memory_space<semaphore_mem>>) src(%dma_wait3A_21 : memref<5120xi32, #tpu.memory_space<hbm>>) dst(%arg8 : memref<5120xi32, #tpu.memory_space<vmem>>)
    %dma_wait3A_22 = arith.constant 0 : i32
    %dma_wait3A_23 = tpu.memref_slice %arg3[%dma_wait3A_22] : memref<327680xi32, #tpu.memory_space<hbm>> -> memref<5120xi32, #tpu.memory_space<hbm>>
    %dma_wait3A_24 = arith.constant 0 : i32
    %dma_wait3A_25 = tpu.memref_slice %arg3[%dma_wait3A_24] : memref<327680xi32, #tpu.memory_space<hbm>> -> memref<5120xi32, #tpu.memory_space<hbm>>
    tpu.wait_dma2 semaphore(%arg12 : memref<!tpu.dma_semaphore, #tpu.memory_space<semaphore_mem>>) src(%dma_wait3A_25 : memref<5120xi32, #tpu.memory_space<hbm>>) dst(%arg9 : memref<5120xi32, #tpu.memory_space<vmem>>)
    %mul3A_26 = arith.constant 40960 : i32
    %mul3A_27 = arith.muli %add3A, %mul3A_26 : i32
    "tpu.region"() ({
      %run_scoped3A = tpu.sem_alloc : memref<!tpu.dma_semaphore, #tpu.memory_space<semaphore_mem>>
      %dma_start3A_28 = tpu.memref_slice %arg5[%mul3A_27] : memref<1310720xf32, #tpu.memory_space<hbm>> -> memref<40960xf32, #tpu.memory_space<hbm>>
      %dma_start3A_29 = tpu.memref_slice %arg5[%mul3A_27] : memref<1310720xf32, #tpu.memory_space<hbm>> -> memref<40960xf32, #tpu.memory_space<hbm>>
      tpu.enqueue_dma source(%arg7 : memref<40960xf32, #tpu.memory_space<vmem>>) target(%dma_start3A_29 : memref<40960xf32, #tpu.memory_space<hbm>>) target_semaphore(%run_scoped3A : memref<!tpu.dma_semaphore, #tpu.memory_space<semaphore_mem>>)
      %dma_wait3A_30 = tpu.memref_slice %arg5[%mul3A_27] : memref<1310720xf32, #tpu.memory_space<hbm>> -> memref<40960xf32, #tpu.memory_space<hbm>>
      %dma_wait3A_31 = tpu.memref_slice %arg5[%mul3A_27] : memref<1310720xf32, #tpu.memory_space<hbm>> -> memref<40960xf32, #tpu.memory_space<hbm>>
      tpu.wait_dma2 semaphore(%run_scoped3A : memref<!tpu.dma_semaphore, #tpu.memory_space<semaphore_mem>>) src(%arg7 : memref<40960xf32, #tpu.memory_space<vmem>>) dst(%dma_wait3A_31 : memref<40960xf32, #tpu.memory_space<hbm>>)
      tpu.yield
    }) : () -> ()
    return
  }
}

module attributes {stable_mosaic.version = 14 : i64} {
  func.func @body(%arg0: i32, %arg1: memref<256x128xf32, #tpu.memory_space<vmem>>, %arg2: memref<256x16xf32, #tpu.memory_space<vmem>>, %arg3: memref<32x256xf32, #tpu.memory_space<vmem>>, %arg4: memref<160x256xf32, #tpu.memory_space<vmem>>) attributes {dimension_semantics = [#tpu.dimension_semantics<arbitrary>], iteration_bounds = array<i64: 40>, scalar_prefetch = 0 : i64, scratch_operands = 0 : i64, tpu.core_type = #tpu.core_type<tc>, window_params = [{transform_indices = @transform_0, window_bounds = array<i64: 256, 128>}, {transform_indices = @transform_1, window_bounds = array<i64: 256, 16>}, {transform_indices = @transform_2, window_bounds = array<i64: 32, 256>}, {transform_indices = @transform_3, window_bounds = array<i64: 160, 256>}]} {
    %get3A = arith.constant 0 : index
    %get3A_0 = arith.constant 0 : index
    %get3A_1 = vector.load %arg3[%get3A, %get3A_0] : memref<32x256xf32, #tpu.memory_space<vmem>>, vector<32x256xf32>
    %reduce_sum3A = arith.constant dense<0.000000e+00> : vector<256xf32>
    %reduce_sum3A_2 = vector.multi_reduction <add>, %get3A_1, %reduce_sum3A [0] : vector<32x256xf32> to vector<256xf32>
    %broadcast_in_dim3A = vector.shape_cast %reduce_sum3A_2 : vector<256xf32> to vector<1x256xf32>
    %add3A = arith.constant 1.000000e+00 : f32
    %add3A_3 = vector.broadcast %add3A : f32 to vector<1x256xf32>
    %add3A_4 = arith.addf %add3A_3, %broadcast_in_dim3A : vector<1x256xf32>
    %rsqrt3A = math.rsqrt %add3A_4 : vector<1x256xf32>
    %get3A_5 = arith.constant 0 : index
    %get3A_6 = arith.constant 0 : index
    %get3A_7 = vector.load %arg1[%get3A_5, %get3A_6] : memref<256x128xf32, #tpu.memory_space<vmem>>, vector<256x128xf32>
    %get3A_8 = arith.constant 0 : index
    %get3A_9 = arith.constant 0 : index
    %get3A_10 = vector.load %arg2[%get3A_8, %get3A_9] : memref<256x16xf32, #tpu.memory_space<vmem>>, vector<256x16xf32>
    %broadcast_in_dim3A_11 = arith.constant 0.000000e+00 : f32
    %broadcast_in_dim3A_12 = vector.broadcast %broadcast_in_dim3A_11 : f32 to vector<256x112xf32>
    %concatenate3A = tpu.concatenate %get3A_7, %get3A_10, %broadcast_in_dim3A_12 in 1 : vector<256x128xf32>, vector<256x16xf32>, vector<256x112xf32> -> vector<256x256xf32>
    %transpose3A = tpu.transpose %concatenate3A, [1, 0] : vector<256x256xf32> -> vector<256x256xf32>
    %slice3A = vector.extract_strided_slice %transpose3A {offsets = [0, 0], sizes = [160, 256], strides = [1, 1]} : vector<256x256xf32> to vector<160x256xf32>
    %mul3A = vector.broadcast %rsqrt3A : vector<1x256xf32> to vector<160x256xf32>
    %mul3A_13 = arith.mulf %slice3A, %mul3A : vector<160x256xf32>
    %swap3A = arith.constant 0 : index
    %swap3A_14 = arith.constant 0 : index
    %swap3A_15 = vector.load %arg4[%swap3A, %swap3A_14] : memref<160x256xf32, #tpu.memory_space<vmem>>, vector<160x256xf32>
    tpu.vector_store %arg4[%swap3A, %swap3A_14], %mul3A_13 {strides = array<i32>} : memref<160x256xf32, #tpu.memory_space<vmem>>, vector<160x256xf32>,
    return
  }
  func.func @transform_0(%arg0: i32) -> (i32, i32) {
    %c0_i32 = arith.constant 0 : i32
    %c0_i32_0 = arith.constant 0 : i32
    return %arg0, %c0_i32 : i32, i32
  }
  func.func @transform_1(%arg0: i32) -> (i32, i32) {
    %c0_i32 = arith.constant 0 : i32
    %c0_i32_0 = arith.constant 0 : i32
    return %arg0, %c0_i32 : i32, i32
  }
  func.func @transform_2(%arg0: i32) -> (i32, i32) {
    %c0_i32 = arith.constant 0 : i32
    %c0_i32_0 = arith.constant 0 : i32
    return %c0_i32, %arg0 : i32, i32
  }
  func.func @transform_3(%arg0: i32) -> (i32, i32) {
    %c0_i32 = arith.constant 0 : i32
    %c0_i32_0 = arith.constant 0 : i32
    return %c0_i32, %arg0 : i32, i32
  }
}

module attributes {stable_mosaic.version = 14 : i64} {
  func.func @body(%arg0: i32, %arg1: memref<160x256xf32, #tpu.memory_space<vmem>>, %arg2: memref<32x256xf32, #tpu.memory_space<vmem>>, %arg3: memref<256x256xf32, #tpu.memory_space<vmem>>, %arg4: memref<256x128xf32, #tpu.memory_space<vmem>>, %arg5: memref<256x256xf32, #tpu.memory_space<vmem>>) attributes {dimension_semantics = [#tpu.dimension_semantics<arbitrary>], iteration_bounds = array<i64: 40>, scalar_prefetch = 0 : i64, scratch_operands = 0 : i64, tpu.core_type = #tpu.core_type<tc>, window_params = [{transform_indices = @transform_0, window_bounds = array<i64: 160, 256>}, {transform_indices = @transform_1, window_bounds = array<i64: 32, 256>}, {pipeline_mode = #tpu.pipeline_mode<synchronous>, transform_indices = @transform_2, window_bounds = array<i64: 256, 256>}, {pipeline_mode = #tpu.pipeline_mode<synchronous>, transform_indices = @transform_3, window_bounds = array<i64: 256, 128>}, {transform_indices = @transform_4, window_bounds = array<i64: 256, 256>}]} {
    %get3A = arith.constant 0 : index
    %get3A_0 = arith.constant 0 : index
    %get3A_1 = vector.load %arg2[%get3A, %get3A_0] : memref<32x256xf32, #tpu.memory_space<vmem>>, vector<32x256xf32>
    %reduce_sum3A = arith.constant dense<0.000000e+00> : vector<256xf32>
    %reduce_sum3A_2 = vector.multi_reduction <add>, %get3A_1, %reduce_sum3A [0] : vector<32x256xf32> to vector<256xf32>
    %broadcast_in_dim3A = vector.shape_cast %reduce_sum3A_2 : vector<256xf32> to vector<1x256xf32>
    %add3A = arith.constant 1.000000e+00 : f32
    %add3A_3 = vector.broadcast %add3A : f32 to vector<1x256xf32>
    %add3A_4 = arith.addf %add3A_3, %broadcast_in_dim3A : vector<1x256xf32>
    %rsqrt3A = math.rsqrt %add3A_4 : vector<1x256xf32>
    %get3A_5 = arith.constant 0 : index
    %get3A_6 = arith.constant 0 : index
    %get3A_7 = vector.load %arg1[%get3A_5, %get3A_6] : memref<160x256xf32, #tpu.memory_space<vmem>>, vector<160x256xf32>
    %mul3A = vector.broadcast %rsqrt3A : vector<1x256xf32> to vector<160x256xf32>
    %mul3A_8 = arith.mulf %get3A_7, %mul3A : vector<160x256xf32>
    %broadcast_in_dim3A_9 = arith.constant 0.000000e+00 : f32
    %broadcast_in_dim3A_10 = vector.broadcast %broadcast_in_dim3A_9 : f32 to vector<96x256xf32>
    %concatenate3A = tpu.concatenate %mul3A_8, %broadcast_in_dim3A_10 in 0 : vector<160x256xf32>, vector<96x256xf32> -> vector<256x256xf32>
    %get3A_11 = arith.constant 0 : index
    %get3A_12 = arith.constant 0 : index
    %get3A_13 = vector.load %arg3[%get3A_11, %get3A_12] : memref<256x256xf32, #tpu.memory_space<vmem>>, vector<256x256xf32>
    %dot_general3A = arith.constant dense<0.000000e+00> : vector<256x256xf32>
    %dot_general3A_14 = tpu.matmul %get3A_13, %concatenate3A, %dot_general3A {dimension_numbers = #tpu.dot_dimension_numbers<[1], [0], [0], [1], [0, 0, 1, 1], [], []>, transpose_lhs_hint = false} : vector<256x256xf32>, vector<256x256xf32>, vector<256x256xf32> -> vector<256x256xf32>
    %get3A_15 = arith.constant 0 : index
    %get3A_16 = arith.constant 0 : index
    %get3A_17 = vector.load %arg4[%get3A_15, %get3A_16] : memref<256x128xf32, #tpu.memory_space<vmem>>, vector<256x1xf32>
    %add3A_18 = vector.broadcast %get3A_17 : vector<256x1xf32> to vector<256x256xf32>
    %add3A_19 = arith.addf %dot_general3A_14, %add3A_18 : vector<256x256xf32>
    %max3A = arith.constant 0.000000e+00 : f32
    %max3A_20 = vector.broadcast %max3A : f32 to vector<256x256xf32>
    %max3A_21 = arith.maximumf %add3A_19, %max3A_20 : vector<256x256xf32>
    %mul3A_22 = vector.broadcast %rsqrt3A : vector<1x256xf32> to vector<256x256xf32>
    %mul3A_23 = arith.mulf %max3A_21, %mul3A_22 : vector<256x256xf32>
    %swap3A = arith.constant 0 : index
    %swap3A_24 = arith.constant 0 : index
    %swap3A_25 = vector.load %arg5[%swap3A, %swap3A_24] : memref<256x256xf32, #tpu.memory_space<vmem>>, vector<256x256xf32>
    tpu.vector_store %arg5[%swap3A, %swap3A_24], %mul3A_23 {strides = array<i32>} : memref<256x256xf32, #tpu.memory_space<vmem>>, vector<256x256xf32>,
    return
  }
  func.func @transform_0(%arg0: i32) -> (i32, i32) {
    %c0_i32 = arith.constant 0 : i32
    %c0_i32_0 = arith.constant 0 : i32
    return %c0_i32, %arg0 : i32, i32
  }
  func.func @transform_1(%arg0: i32) -> (i32, i32) {
    %c0_i32 = arith.constant 0 : i32
    %c0_i32_0 = arith.constant 0 : i32
    return %c0_i32, %arg0 : i32, i32
  }
  func.func @transform_2(%arg0: i32) -> (i32, i32) {
    %c0_i32 = arith.constant 0 : i32
    %c0_i32_0 = arith.constant 0 : i32
    %c0_i32_1 = arith.constant 0 : i32
    return %c0_i32, %c0_i32_0 : i32, i32
  }
  func.func @transform_3(%arg0: i32) -> (i32, i32) {
    %c0_i32 = arith.constant 0 : i32
    %c0_i32_0 = arith.constant 0 : i32
    %c0_i32_1 = arith.constant 0 : i32
    return %c0_i32, %c0_i32_0 : i32, i32
  }
  func.func @transform_4(%arg0: i32) -> (i32, i32) {
    %c0_i32 = arith.constant 0 : i32
    %c0_i32_0 = arith.constant 0 : i32
    return %c0_i32, %arg0 : i32, i32
  }
}

module attributes {stable_mosaic.version = 14 : i64} {
  func.func @body(%arg0: i32, %arg1: memref<128x256xf32, #tpu.memory_space<vmem>>, %arg2: memref<128x256xf32, #tpu.memory_space<vmem>>, %arg3: memref<32x256xf32, #tpu.memory_space<vmem>>, %arg4: memref<128x256xf32, #tpu.memory_space<vmem>>, %arg5: memref<128x256xf32, #tpu.memory_space<vmem>>, %arg6: memref<128x128xf32, #tpu.memory_space<vmem>>, %arg7: memref<128x128xf32, #tpu.memory_space<vmem>>, %arg8: memref<256x128xf32, #tpu.memory_space<vmem>>, %arg9: memref<256x128xf32, #tpu.memory_space<vmem>>) attributes {dimension_semantics = [#tpu.dimension_semantics<arbitrary>], iteration_bounds = array<i64: 40>, scalar_prefetch = 0 : i64, scratch_operands = 0 : i64, tpu.core_type = #tpu.core_type<tc>, window_params = [{transform_indices = @transform_0, window_bounds = array<i64: 128, 256>}, {transform_indices = @transform_1, window_bounds = array<i64: 128, 256>}, {transform_indices = @transform_2, window_bounds = array<i64: 32, 256>}, {pipeline_mode = #tpu.pipeline_mode<synchronous>, transform_indices = @transform_3, window_bounds = array<i64: 128, 256>}, {pipeline_mode = #tpu.pipeline_mode<synchronous>, transform_indices = @transform_4, window_bounds = array<i64: 128, 256>}, {pipeline_mode = #tpu.pipeline_mode<synchronous>, transform_indices = @transform_5, window_bounds = array<i64: 128, 128>}, {pipeline_mode = #tpu.pipeline_mode<synchronous>, transform_indices = @transform_6, window_bounds = array<i64: 128, 128>}, {transform_indices = @transform_7, window_bounds = array<i64: 256, 128>}, {transform_indices = @transform_8, window_bounds = array<i64: 256, 128>}]} {
    %get3A = arith.constant 0 : index
    %get3A_0 = arith.constant 0 : index
    %get3A_1 = vector.load %arg3[%get3A, %get3A_0] : memref<32x256xf32, #tpu.memory_space<vmem>>, vector<32x256xf32>
    %reduce_sum3A = arith.constant dense<0.000000e+00> : vector<256xf32>
    %reduce_sum3A_2 = vector.multi_reduction <add>, %get3A_1, %reduce_sum3A [0] : vector<32x256xf32> to vector<256xf32>
    %broadcast_in_dim3A = vector.shape_cast %reduce_sum3A_2 : vector<256xf32> to vector<1x256xf32>
    %add3A = arith.constant 1.000000e+00 : f32
    %add3A_3 = vector.broadcast %add3A : f32 to vector<1x256xf32>
    %add3A_4 = arith.addf %add3A_3, %broadcast_in_dim3A : vector<1x256xf32>
    %rsqrt3A = math.rsqrt %add3A_4 : vector<1x256xf32>
    %get3A_5 = arith.constant 0 : index
    %get3A_6 = arith.constant 0 : index
    %get3A_7 = vector.load %arg1[%get3A_5, %get3A_6] : memref<128x256xf32, #tpu.memory_space<vmem>>, vector<128x256xf32>
    %get3A_8 = arith.constant 0 : index
    %get3A_9 = arith.constant 0 : index
    %get3A_10 = vector.load %arg2[%get3A_8, %get3A_9] : memref<128x256xf32, #tpu.memory_space<vmem>>, vector<128x256xf32>
    %concatenate3A = tpu.concatenate %get3A_7, %get3A_10 in 0 : vector<128x256xf32>, vector<128x256xf32> -> vector<256x256xf32>
    %mul3A = vector.broadcast %rsqrt3A : vector<1x256xf32> to vector<256x256xf32>
    %mul3A_11 = arith.mulf %concatenate3A, %mul3A : vector<256x256xf32>
    %get3A_12 = arith.constant 0 : index
    %get3A_13 = arith.constant 0 : index
    %get3A_14 = vector.load %arg4[%get3A_12, %get3A_13] : memref<128x256xf32, #tpu.memory_space<vmem>>, vector<128x256xf32>
    %dot_general3A = arith.constant dense<0.000000e+00> : vector<128x256xf32>
    %dot_general3A_15 = tpu.matmul %get3A_14, %mul3A_11, %dot_general3A {dimension_numbers = #tpu.dot_dimension_numbers<[1], [0], [0], [1], [0, 0, 1, 1], [], []>, transpose_lhs_hint = false} : vector<128x256xf32>, vector<256x256xf32>, vector<128x256xf32> -> vector<128x256xf32>
    %get3A_16 = arith.constant 0 : index
    %get3A_17 = arith.constant 0 : index
    %get3A_18 = vector.load %arg6[%get3A_16, %get3A_17] : memref<128x128xf32, #tpu.memory_space<vmem>>, vector<128x1xf32>
    %add3A_19 = vector.broadcast %get3A_18 : vector<128x1xf32> to vector<128x256xf32>
    %add3A_20 = arith.addf %dot_general3A_15, %add3A_19 : vector<128x256xf32>
    %get3A_21 = arith.constant 0 : index
    %get3A_22 = arith.constant 0 : index
    %get3A_23 = vector.load %arg5[%get3A_21, %get3A_22] : memref<128x256xf32, #tpu.memory_space<vmem>>, vector<128x256xf32>
    %dot_general3A_24 = arith.constant dense<0.000000e+00> : vector<128x256xf32>
    %dot_general3A_25 = tpu.matmul %get3A_23, %mul3A_11, %dot_general3A_24 {dimension_numbers = #tpu.dot_dimension_numbers<[1], [0], [0], [1], [0, 0, 1, 1], [], []>, transpose_lhs_hint = false} : vector<128x256xf32>, vector<256x256xf32>, vector<128x256xf32> -> vector<128x256xf32>
    %get3A_26 = arith.constant 0 : index
    %get3A_27 = arith.constant 0 : index
    %get3A_28 = vector.load %arg7[%get3A_26, %get3A_27] : memref<128x128xf32, #tpu.memory_space<vmem>>, vector<128x1xf32>
    %add3A_29 = vector.broadcast %get3A_28 : vector<128x1xf32> to vector<128x256xf32>
    %add3A_30 = arith.addf %dot_general3A_25, %add3A_29 : vector<128x256xf32>
    %transpose3A = tpu.transpose %add3A_20, [1, 0] : vector<128x256xf32> -> vector<256x128xf32>
    %swap3A = arith.constant 0 : index
    %swap3A_31 = arith.constant 0 : index
    %swap3A_32 = vector.load %arg8[%swap3A, %swap3A_31] : memref<256x128xf32, #tpu.memory_space<vmem>>, vector<256x128xf32>
    tpu.vector_store %arg8[%swap3A, %swap3A_31], %transpose3A {strides = array<i32>} : memref<256x128xf32, #tpu.memory_space<vmem>>, vector<256x128xf32>,
    %transpose3A_33 = tpu.transpose %add3A_30, [1, 0] : vector<128x256xf32> -> vector<256x128xf32>
    %swap3A_34 = arith.constant 0 : index
    %swap3A_35 = arith.constant 0 : index
    %swap3A_36 = vector.load %arg9[%swap3A_34, %swap3A_35] : memref<256x128xf32, #tpu.memory_space<vmem>>, vector<256x128xf32>
    tpu.vector_store %arg9[%swap3A_34, %swap3A_35], %transpose3A_33 {strides = array<i32>} : memref<256x128xf32, #tpu.memory_space<vmem>>, vector<256x128xf32>,
    return
  }
  func.func @transform_0(%arg0: i32) -> (i32, i32) {
    %c0_i32 = arith.constant 0 : i32
    %c0_i32_0 = arith.constant 0 : i32
    return %c0_i32, %arg0 : i32, i32
  }
  func.func @transform_1(%arg0: i32) -> (i32, i32) {
    %c0_i32 = arith.constant 0 : i32
    %c0_i32_0 = arith.constant 0 : i32
    return %c0_i32, %arg0 : i32, i32
  }
  func.func @transform_2(%arg0: i32) -> (i32, i32) {
    %c0_i32 = arith.constant 0 : i32
    %c0_i32_0 = arith.constant 0 : i32
    return %c0_i32, %arg0 : i32, i32
  }
  func.func @transform_3(%arg0: i32) -> (i32, i32) {
    %c0_i32 = arith.constant 0 : i32
    %c0_i32_0 = arith.constant 0 : i32
    %c0_i32_1 = arith.constant 0 : i32
    return %c0_i32, %c0_i32_0 : i32, i32
  }
  func.func @transform_4(%arg0: i32) -> (i32, i32) {
    %c0_i32 = arith.constant 0 : i32
    %c0_i32_0 = arith.constant 0 : i32
    %c0_i32_1 = arith.constant 0 : i32
    return %c0_i32, %c0_i32_0 : i32, i32
  }
  func.func @transform_5(%arg0: i32) -> (i32, i32) {
    %c0_i32 = arith.constant 0 : i32
    %c0_i32_0 = arith.constant 0 : i32
    %c0_i32_1 = arith.constant 0 : i32
    return %c0_i32, %c0_i32_0 : i32, i32
  }
  func.func @transform_6(%arg0: i32) -> (i32, i32) {
    %c0_i32 = arith.constant 0 : i32
    %c0_i32_0 = arith.constant 0 : i32
    %c0_i32_1 = arith.constant 0 : i32
    return %c0_i32, %c0_i32_0 : i32, i32
  }
  func.func @transform_7(%arg0: i32) -> (i32, i32) {
    %c0_i32 = arith.constant 0 : i32
    %c0_i32_0 = arith.constant 0 : i32
    return %arg0, %c0_i32 : i32, i32
  }
  func.func @transform_8(%arg0: i32) -> (i32, i32) {
    %c0_i32 = arith.constant 0 : i32
    %c0_i32_0 = arith.constant 0 : i32
    return %arg0, %c0_i32 : i32, i32
  }
}

</mosaic_0001>

<sc_bundles>
// kernel: kernel.12.cloned.1.call-start
scs
__scs_entry_jumppad:
0x0: {  	(pc) =	sbr.rel $0x88, $3  }
0x1: {  	(tag) =	ssettag $0x0;
	lr =	simm.s32 $0x1  }
0x2: {  	[smem:$0x3F98] =	sst lr;
	_ =	strace $0xD0000000  }
0x3: {  	_ = 	snop  }
0x4: {  	_ = 	snop  }
0x5: {  	_ = 	snop  }
0x6: {  	_ = 	snop  }
0x7: {  	_ = 	snop  }
__scs_overlays_trampoline_lowered:
0x8: {  	[smem:$0x3FA7] =	sst s0  }
0x9: {  	[smem:$0x3FA8] =	sst s1  }
0xa: {  	[smem:$0x3FA9] =	sst s2  }
0xb: {  	[smem:$0x3FAA] =	sst s3  }
0xc: {  	[smem:$0x3FAB] =	sst s4  }
0xd: {  	[smem:$0x3FAC] =	sst s5  }
0xe: {  	[smem:$0x3FAD] =	sst s6  }
0xf: {  	[smem:$0x3FAE] =	sst s7  }
0x10: {  	[smem:$0x3FAF] =	sst s8  }
0x11: {  	[smem:$0x3FB0] =	sst s9;
	s0 =	simm.s32 @!p0 $0x0  }
0x12: {  	s1 =	sld [smem:$0x3F96];
	s0 =	simm.s32 @p0 $0x1  }
0x13: {  	[smem:$0x3FB1] =	sst s0;
	s0 =	simm.s32 @!p1 $0x0  }
0x14: {  	s2 =	sld [smem:$0x3F95];
	s0 =	simm.s32 @p1 $0x1  }
0x15: {  	[smem:$0x3FB2] =	sst s0;
	s0 =	simm.s32 @!p2 $0x0  }
0x16: {  	s3 =	sld [smem:$0x3FDB];
	s0 =	simm.s32 @p2 $0x1  }
0x17: {  	s4 =	simm.s32 $0x1BF5;
	[smem:$0x3FB4] =	sst s0  }
0x18: {  	s0 =	sld [smem:$0x3F97];
	_ =	swait.ge [sflag:s4], $0x0  }
0x19: {  	s7 =	sld [smem:$0x3F98]  }
0x1a: {  	s8 =	sadd.s32 $0xFFFFE003, lr  }
0x1b: {  	s9 =	sadd.s32 $0xFFFFFEF7, lr;
	s5 =	simm.s32 $0xFFFFFFFF;
	p2 =	slt.u32 s8, $0xFFFFF086  }
0x1c: {  	p1 =	slt.u32 s9, $0xF7A;
	s5 =	simm.s32 @!p2 $0x0  }
0x1d: {  	s5 =	simm.s32 @p1 $0x1;
	p0 =	seq.s32 s7, s2  }
0x1e: {  	s7 =	smul.u32 @!p0 $0xF7A, s2;
	p2 =	seq.s32 @!p0 s5, $0x0  }
0x1f: {  	s9 =	smul.u32 $0xF7A, s1;
	s8 =	simm.s32 @!p0 $0x1BF5;
	p2 =	por !p2, p0  }
0x20: {  	[sflag:s8] =	ssyncset.s32 @!p0 $0xFFFFF086;
	s6 =	sadd.s32 @!p0 s3, s7;
	s7 =	simm.s32 @!p0 $0x108  }
0x21: {  	s3 =	sadd.s32 s3, s9;
	s6 =	sadd.s32 @!p0 $0x88, s6;
	s7 =	simm.s32 @p2 $0x1082  }
0x22: {  	[simem:s7], [sflag:s8] =	dma.local @!p0 [hbm:s6], $0xF7A  }
0x23: {  	s9 =	sor.u32 $0xD0000000, s2;
	s6 =	simm.s32 $0x108;
	_ =	swait.ge @!p0 [sflag:s8], $0x0  }
0x24: {  	s3 =	sadd.s32 $0x88, s3;
	s6 =	simm.s32 @!p1 $0x1082;
	[sflag:s4] =	ssyncset.s32 $0xFFFFF086  }
0x25: {  	[simem:s6], [sflag:s4] =	dma.local [hbm:s3], $0xF7A  }
0x26: {  	[smem:$0x3F98] =	sst s1;
	(tag) =	ssettag s2;
	_ =	strace s9  }
0x27: {  	s1 =	sld [smem:$0x3FA8]  }
0x28: {  	s2 =	sld [smem:$0x3FA9]  }
0x29: {  	s4 =	sld [smem:$0x3FAB]  }
0x2a: {  	p0 =	seq.s32 s5, $0x0;
	s5 =	sld [smem:$0x3FAC]  }
0x2b: {  	s6 =	sld [smem:$0x3FAD]  }
0x2c: {  	s7 =	sld [smem:$0x3FAE]  }
0x2d: {  	s3 =	simm.s32 $0x108;
	s8 =	sld [smem:$0x3FAF]  }
0x2e: {  	s3 =	simm.s32 @!p0 $0x1082;
	s9 =	sld [smem:$0x3FB0]  }
0x2f: {  	lr =	sadd.s32 s0, s3;
	s0 =	sld [smem:$0x3FA7]  }
0x30: {  	s3 =	sld [smem:$0x3FAA]  }
0x31: {  	[smem:$0x3FB3] =	sst s10  }
0x32: {  	s10 =	sld [smem:$0x3FB1];
	_ =	sdelay $0x3  }
0x33: {  	p0 =	seq.s32 s10, $0x1;
	s10 =	sld [smem:$0x3FB3];
	_ =	sdelay $0x3  }
0x34: {  	[smem:$0x3FB3] =	sst s10  }
0x35: {  	s10 =	sld [smem:$0x3FB2];
	_ =	sdelay $0x3  }
0x36: {  	p1 =	seq.s32 s10, $0x1;
	s10 =	sld [smem:$0x3FB3];
	_ =	sdelay $0x3  }
0x37: {  	[smem:$0x3FB3] =	sst s10  }
0x38: {  	s10 =	sld [smem:$0x3FB4]  }
0x39: {  	_ = 	snop;
	(pc) =	sbr.ind lr, $3  }
0x3a: {  	_ = 	snop  }
0x3b: {  	_ = 	snop  }
0x3c: {  	p2 =	seq.s32 s10, $0x1;
	s10 =	sld [smem:$0x3FB3]  }
0x3d: {  	_ =	shalt  }
0x3e: {  	_ =	shalt  }
0x3f: {  	_ =	shalt  }
0x40: {  	_ =	shalt  }
0x41: {  	_ =	shalt  }
0x42: {  	_ =	shalt  }
0x43: {  	_ =	shalt  }
0x44: {  	_ =	shalt  }
0x45: {  	_ =	shalt  }
0x46: {  	_ =	shalt  }
0x47: {  	_ =	shalt  }
0x48: {  	_ =	shalt  }
0x49: {  	_ =	shalt  }
0x4a: {  	_ =	shalt  }
0x4b: {  	_ =	shalt  }
0x4c: {  	_ =	shalt  }
0x4d: {  	_ =	shalt  }
0x4e: {  	_ =	shalt  }
0x4f: {  	_ =	shalt  }
0x50: {  	_ =	shalt  }
0x51: {  	_ =	shalt  }
0x52: {  	_ =	shalt  }
0x53: {  	_ =	shalt  }
0x54: {  	_ =	shalt  }
0x55: {  	_ =	shalt  }
0x56: {  	_ =	shalt  }
0x57: {  	_ =	shalt  }
0x58: {  	_ =	shalt  }
0x59: {  	_ =	shalt  }
0x5a: {  	_ =	shalt  }
0x5b: {  	_ =	shalt  }
0x5c: {  	_ =	shalt  }
0x5d: {  	_ =	shalt  }
0x5e: {  	_ =	shalt  }
0x5f: {  	_ =	shalt  }
0x60: {  	_ =	shalt  }
0x61: {  	_ =	shalt  }
0x62: {  	_ =	shalt  }
0x63: {  	_ =	shalt  }
0x64: {  	_ =	shalt  }
0x65: {  	_ =	shalt  }
0x66: {  	_ =	shalt  }
0x67: {  	_ =	shalt  }
0x68: {  	_ =	shalt  }
0x69: {  	_ =	shalt  }
0x6a: {  	_ =	shalt  }
0x6b: {  	_ =	shalt  }
0x6c: {  	_ =	shalt  }
0x6d: {  	_ =	shalt  }
0x6e: {  	_ =	shalt  }
0x6f: {  	_ =	shalt  }
0x70: {  	_ =	shalt  }
0x71: {  	_ =	shalt  }
0x72: {  	_ =	shalt  }
0x73: {  	_ =	shalt  }
0x74: {  	_ =	shalt  }
0x75: {  	_ =	shalt  }
0x76: {  	_ =	shalt  }
0x77: {  	_ =	shalt  }
0x78: {  	_ =	shalt  }
0x79: {  	_ =	shalt  }
0x7a: {  	_ =	shalt  }
0x7b: {  	_ =	shalt  }
0x7c: {  	_ =	shalt  }
0x7d: {  	_ =	shalt  }
0x7e: {  	_ =	shalt  }
0x7f: {  	_ =	shalt  }
0x80: {  	_ =	shalt  }
0x81: {  	_ =	shalt  }
0x82: {  	_ =	shalt  }
0x83: {  	_ =	shalt  }
0x84: {  	_ =	shalt  }
0x85: {  	_ =	shalt  }
0x86: {  	_ =	shalt  }
0x87: {  	_ =	shalt  }
.Lfunc_end0:
.L_simem_size_0:
called_computation.1_lowered:
.L_overlay_start_0:
0x88: {  	s2 =	sld [smem:$0x3FD9]  }
0x89: {  	s3 =	sld [smem:$0x3FFE];
	_ =	sdelay $0x1  }
0x8a: {  	s1 =	srdreg.scid  }
0x8b: {  	s0 =	sand.u32 $0x1, s1  }
0x8c: {  	s14 =	sshll.u32 s0, $0xA;
	s2 =	sadd.s32 s3, s2  }
0x8d: {  	s2 =	sadd.s32 s2, s14  }
0x8e: {  	[smem:$0x3FBF] =	sst s2  }
0x8f: {  	_ = 	snop  }
0x90: {  	s2 =	sld [smem:$0x3FD0];
	_ =	sdelay $0x2  }
0x91: {  	s15 =	simm.s32 $0xB;
	s4 =	simm.s32 $0x10  }
0x92: {  	[smem:s4], [sflag:s15] =	dma.local [hbm:s2], $0x1  }
0x93: {  	_ =	swait.eq [sflag:s15], $0x1  }
0x94: {  	[sflag:s15] =	ssyncset.done $0x0  }
0x95: {  	s16 =	sld [smem:$0x10];
	[sflag:s15] =	ssyncadd.s32 $0xFFFFFFFF  }
0x96: {  	s17 =	sld [smem:$0x11];
	(tm) =	ssettm $0x1  }
0x97: {  	s18 =	sld [smem:$0x3FFB];
	_ =	sdelay $0x3  }
0x98: {  	_ =	strace s18  }
0x99: {  	s4 =	sld [smem:$0x3FFC];
	_ =	sdelay $0x3  }
0x9a: {  	_ =	strace s4  }
0x9b: {  	s4 =	sld [smem:$0x3FFD];
	_ =	sdelay $0x3  }
0x9c: {  	_ =	strace s4  }
0x9d: {  	_ =	strace $0x8FFFFFFF  }
0x9e: {  	s19 =	sld [smem:$0x3FDB];
	_ =	sdelay $0x1  }
0x9f: {  	s5 =	simm.s32 $_scs_section_size  }
0xa0: {  	s6 =	simm.s32 $_size__tile_overlayer_lowered;
	s7 =	simm.s32 $_tile_overlayer_lowered  }
0xa1: {  	s22 =	simm.s32 $0x1BFF;
	s21 =	sshll.u32 s7, $0x1;
	s4 =	sadd.s32 s5, s19  }
0xa2: {  	s8 =	simm.s32 $0x0;
	s20 =	sshll.u32 s6, $0x1;
	s6 =	sadd.s32 s21, s4  }
0xa3: {  	[timem:s8], [sflag:s22] =	dma.local [hbm:s6], s20  }
0xa4: {  	_ =	swait.ge [sflag:s22], s20  }
0xa5: {  	s5 =	ssub.s32 $0x0, s20;
	[sflag:s22] =	ssyncset.done $0x0  }
0xa6: {  	[sflag:s22] =	ssyncadd.s32 s5;
	_ =	sdelay $0x1  }
0xa7: {  	s23 =	simm.s32 $0x1B8B  }
0xa8: {  	_ =	swait.ge [sflag:s23], $0x1  }
0xa9: {  	[sflag:s23] =	ssyncset.done $0x0  }
0xaa: {  	s25 =	simm.s32 $0x1B8E;
	s24 =	sld [smem:$0x3FFE];
	[sflag:s23] =	ssyncadd.s32 $0xFFFFFFFF  }
0xab: {  	s26 =	simm.s32 $execute0_lowered;
	[smem:$0x3FD2] =	sst s25  }
0xac: {  	s6 =	sshll.u32 s26, $0x1;
	_ =	strace $0x80000049;
	[dreg:$0x1] =	wrdreg $0xFFFFFFFF  }
0xad: {  	s28 =	simm.s32 $_size_execute0_lowered;
	s4 =	sadd.s32 s4, s6;
	[dreg:$0x0] =	wrdreg $0x0  }
0xae: {  	s6 =	sshll.u32 s28, $0x1;
	[dreg:$0x2] =	wrdreg s4  }
0xaf: {  	[dreg:$0x3] =	wrdreg s6  }
0xb0: {  	[dreg:$0x4] =	wrdreg $0xC0  }
0xb1: {  	_ =	task [dreg:s8], $0x5FFFF  }
0xb2: {  	[dreg:$0x1] =	wrdreg $0xFFFFFFFF  }
0xb3: {  	[dreg:$0x0] =	wrdreg $0x60  }
0xb4: {  	[dreg:$0x2] =	wrdreg s24  }
0xb5: {  	[dreg:$0x3] =	wrdreg s16  }
0xb6: {  	[dreg:$0x4] =	wrdreg s17  }
0xb7: {  	[dreg:$0x5] =	wrdreg $0x9  }
0xb8: {  	_ =	task.clear_ibuf [dreg:s8], $0x6FFFF;
	_ =	strace $0x90000049  }
0xb9: {  	s29 =	simm.s32 $0x9;
	_ =	strace $0x8000004B  }
0xba: {  	_ =	swait.ge [sflag:s29], $0x1  }
0xbb: {  	[sflag:s29] =	ssyncadd.s32 $0xFFFFFFFF  }
0xbc: {  	_ =	strace $0x9000004B  }
0xbd: {  	_ =	sfence  }
0xbe: {  	s30 =	sld [smem:$0x0];
	_ =	sdelay $0x2  }
0xbf: {  	s31 =	sshll.u32 s1, $0xD;
	s1 =	sshrl.u32 s1, $0x2  }
0xc0: {  	s3 =	sand.u32 $0x4000, s31;
	s1 =	sadd.s32 s1, s30  }
0xc1: {  	s0 =	sor.u32 s3, s0;
	s1 =	sshll.u32 s1, $0x11  }
0xc2: {  	s0 =	sor.u32 s1, s0  }
0xc3: {  	s0 =	sadd.s32 $0x8F2B, s0  }
0xc4: {  	[sflag:s0] =	ssyncadd.remote.s32 $0x1  }
0xc5: {  	_ =	sfence.sel $0xFFFF  }
0xc6: {  	[dreg:$0x0] =	wrdreg $0xFFFFFFFF;
	(pc) =	sbr.abs _section_cstart, $3  }
0xc7: {  	[dreg:$0x1] =	wrdreg $0xFFFFFFFF  }
0xc8: {  	_ =	task.clear_ibuf [dreg:s8], $0x2FFFF;
	_ =	strace $0x9FFFFFFF  }
0xc9: {  	(tm) =	ssettm $0x7FFFFFFF  }
tec
execute0_lowered:
.L_overlay_start_1:
0x0: {  	(tag) =	ssettag $0x1  }
0x1: {  	s5 =	rddreg [dreg:$0x0]  }
0x2: {  	s0 =	srdreg.scid;
	s2 =	rddreg [dreg:$0x1]  }
0x3: {  	s3 =	rddreg [dreg:$0x2];
	s1 =	stileid.u32  }
0x4: {  	s9 =	simm.s32 $0xC800;
	s10 =	simm.s32 $0x19000;
	s6 =	sand.u32 $0x1, s0  }
0x5: {  	s11 =	simm.s32 $0x1A400;
	s12 =	simm.s32 $0x1;
	s4 =	sshll.u32 s6, $0x4  }
0x6: {  	s13 =	simm.s32 $0x1B800;
	s14 =	simm.s32 $0x1CC00;
	s7 =	sor.u32 s1, s4  }
0x7: {  	s15 =	simm.s32 $0x2;
	s16 =	simm.s32 $0x0;
	s7 =	smul.u32 $0x1900, s7  }
0x8: {  	s0 =	rddreg [dreg:$0x3];
	s6 =	ssub.s32 $0x2, s6;
	s4 =	simm.s32 $0x0  }
0x9: {  	s8 =	sshrl.u32 s6, $0x1;
	[smem:$0x7FF] =	sst s4;
	s7 =	sadd.s32 s7, s5  }
0xa: {  	s8 =	ssub.s32 s6, s8;
	_ =	strace $0x8000004A;
	s5 =	sadd.s32 $0x1A00, s7  }
0xb: {  	s6 =	sadd.s32 $0x33A00, s7;
	s7 =	smax.u32 s8, $0x1;
	s8 =	simm.s32 $0x3  }
.LBB2_1:
0xc: {  	[tilespmem:s4], [sflag:$0x3] =	stream.linear.gather [hbm4b:s5+s4], $0xC800, $0x38;
	[tilespmem:$0x1E000] =	vst v63  }
0xd: {  	_ =	swait.ge [sflag:s8], $0xC800  }
0xe: {  	[sflag:s8] =	ssyncset.done $0x0  }
0xf: {  	[sflag:s8] =	ssyncadd.s32 $0xFFFF3800  }
0x10: {  	[tilespmem:s9], [sflag:$0x3] =	stream.linear.gather [hbm4b:s5+s4], $0xC800, $0x38;
	[tilespmem:$0x1E000] =	vst v63  }
0x11: {  	_ =	swait.ge [sflag:s8], $0xC800  }
0x12: {  	[sflag:s8] =	ssyncset.done $0x0  }
0x13: {  	[sflag:s8] =	ssyncadd.s32 $0xFFFF3800  }
0x14: {  	[tilespmem:s10], [sflag:$0x1] =	stream.linear.gather [hbm4b:s2+s4], $0x1400, $0x38;
	[tilespmem:$0x1E000] =	vst v63  }
0x15: {  	s17 =	simm.s32 $0x0  }
0x16: {  	[tilespmem:s11], [sflag:$0x1] =	stream.linear.gather [hbm4b:s3+s4], $0x1400, $0x38;
	[tilespmem:$0x1E000] =	vst v63  }
.LBB2_2:
0x17: {  	_ =	swait.ge [sflag:s12], $0x1400  }
0x18: {  	s18 =	smul.u32 $0x2800, s17;
	[sflag:s12] =	ssyncset.done $0x0  }
0x19: {  	[sflag:s12] =	ssyncadd.s32 $0xFFFFEC00  }
0x1a: {  	s18 =	sshrl.u32 s18, $0x3;
	_ =	swait.ge [sflag:s12], $0x1400  }
0x1b: {  	s18 =	sadd.s32 $0x280, s18;
	[sflag:s12] =	ssyncset.done $0x0  }
0x1c: {  	s19 =	sadd.s32 s2, s18;
	[sflag:s12] =	ssyncadd.s32 $0xFFFFEC00  }
0x1d: {  	[tilespmem:s13], [sflag:$0x2] =	stream.linear.gather [hbm4b:s19+s4], $0x1400, $0x38;
	[tilespmem:$0x1E000] =	vst v63  }
0x1e: {  	s31 =	simm.s32 $0x19040;
	s18 =	sadd.s32 s3, s18  }
0x1f: {  	[tilespmem:s14], [sflag:$0x2] =	stream.linear.gather [hbm4b:s18+s4], $0x1400, $0x38;
	[tilespmem:$0x1E000] =	vst v63  }
0x20: {  	v6 =	vld [tilespmem:s31+$0x30]  }
0x21: {  	v5 =	vld [tilespmem:s31+$0xFFFFFFD0]  }
0x22: {  	v4 =	vld [tilespmem:s31+$0xFFFFFFE0]  }
0x23: {  	v3 =	vld [tilespmem:s31+$0xFFFFFFF0]  }
0x24: {  	v0 =	vld [tilespmem:s31+$0x0]  }
0x25: {  	s18 =	simm.s32 $0x1A440;
	v1 =	vld [tilespmem:s31+$0x10]  }
0x26: {  	v7 =	vld [tilespmem:s18+$0x30]  }
0x27: {  	v2 =	vld [tilespmem:s31+$0x20]  }
0x28: {  	v9 =	vld [tilespmem:s31+$0xFFFFFFC0]  }
0x29: {  	v19 =	vld [tilespmem:s18+$0xFFFFFFC0]  }
0x2a: {  	v20 =	vld [tilespmem:s18+$0xFFFFFFD0]  }
0x2b: {  	v21 =	vld [tilespmem:s18+$0xFFFFFFF0]  }
0x2c: {  	v23 =	vld [tilespmem:s18+$0x0]  }
0x2d: {  	v24 =	vld [tilespmem:s18+$0x10]  }
0x2e: {  	v25 =	vld [tilespmem:s18+$0x20]  }
0x2f: {  	v8 =	vld.idx.msk [tilespmem:v6+s4+$0x0], $0xffff  }
0x30: {  	v10 =	vld.idx.msk [tilespmem:v5+s4+$0x0], $0xffff  }
0x31: {  	v12 =	vld.idx.msk [tilespmem:v4+s4+$0x0], $0xffff  }
0x32: {  	v13 =	vld.idx.msk [tilespmem:v3+s4+$0x0], $0xffff  }
0x33: {  	v16 =	vld.idx.msk [tilespmem:v9+s4+$0x0], $0xffff  }
0x34: {  	v14 =	vld.idx.msk [tilespmem:v0+s4+$0x0], $0xffff  }
0x35: {  	v48 =	vld.idx.msk [tilespmem:v1+s4+$0x0], $0xffff  }
0x36: {  	v18 =	vld.idx.msk [tilespmem:v2+s4+$0x0], $0xffff  }
0x37: {  	[tilespmem:v7+s9+$0x0] =	vst.idx.add.f32.msk $0xffff, v8  }
0x38: {  	[tilespmem:v19+s9+$0x0] =	vst.idx.add.f32.msk $0xffff, v16  }
0x39: {  	v11 =	vadd.s32 $0x2800, v6;
	[tilespmem:v20+s9+$0x0] =	vst.idx.add.f32.msk $0xffff, v10  }
0x3a: {  	v51 =	vadd.s32 $0x2800, v9;
	[tilespmem:v21+s9+$0x0] =	vst.idx.add.f32.msk $0xffff, v13  }
0x3b: {  	v54 =	vadd.s32 $0x2800, v3;
	[tilespmem:v23+s9+$0x0] =	vst.idx.add.f32.msk $0xffff, v14  }
0x3c: {  	v55 =	vadd.s32 $0x2800, v0;
	[tilespmem:v24+s9+$0x0] =	vst.idx.add.f32.msk $0xffff, v48  }
0x3d: {  	v56 =	vadd.s32 $0x2800, v1;
	[tilespmem:v25+s9+$0x0] =	vst.idx.add.f32.msk $0xffff, v18  }
0x3e: {  	v57 =	vadd.s32 $0x2800, v2;
	v8 =	vld.idx.msk [tilespmem:v11+s4+$0x0], $0xffff  }
0x3f: {  	v15 =	vadd.s32 $0x2800, v7;
	v10 =	vld.idx.msk [tilespmem:v51+s4+$0x0], $0xffff  }
0x40: {  	v60 =	vld.idx.msk [tilespmem:v54+s4+$0x0], $0xffff  }
0x41: {  	v58 =	vadd.s32 $0x2800, v19;
	v13 =	vld.idx.msk [tilespmem:v55+s4+$0x0], $0xffff  }
0x42: {  	v62 =	vadd.s32 $0x2800, v21;
	v14 =	vld.idx.msk [tilespmem:v56+s4+$0x0], $0xffff  }
0x43: {  	v17 =	vadd.s32 $0x5000, v6;
	v16 =	vld.idx.msk [tilespmem:v57+s4+$0x0], $0xffff  }
0x44: {  	v63 =	vadd.s32 $0x2800, v23;
	[tilespmem:v15+s9+$0x0] =	vst.idx.add.f32.msk $0xffff, v8  }
0x45: {  	v30 =	vadd.s32 $0x5000, v3;
	v15 =	vld [tilespmem:s18+$0xFFFFFFE0]  }
0x46: {  	v26 =	vadd.s32 $0x2800, v24;
	[tilespmem:v58+s9+$0x0] =	vst.idx.add.f32.msk $0xffff, v10  }
0x47: {  	v32 =	vadd.s32 $0x5000, v1;
	[tilespmem:v62+s9+$0x0] =	vst.idx.add.f32.msk $0xffff, v60  }
0x48: {  	v49 =	vadd.s32 $0x5000, v7;
	v8 =	vld.idx.msk [tilespmem:v17+s4+$0x0], $0xffff  }
0x49: {  	[tilespmem:v63+s9+$0x0] =	vst.idx.add.f32.msk $0xffff, v13;
	v17 =	vadd.s32 $0x2800, v25  }
0x4a: {  	v37 =	vadd.s32 $0x5000, v21;
	v11 =	vld.idx.msk [tilespmem:v30+s4+$0x0], $0xffff  }
0x4b: {  	v22 =	vadd.s32 $0x7800, v6;
	[tilespmem:v26+s9+$0x0] =	vst.idx.add.f32.msk $0xffff, v14  }
0x4c: {  	v39 =	vadd.s32 $0x5000, v24;
	v10 =	vld.idx.msk [tilespmem:v32+s4+$0x0], $0xffff  }
0x4d: {  	v33 =	vadd.s32 $0x5000, v2;
	[tilespmem:v49+s9+$0x0] =	vst.idx.add.f32.msk $0xffff, v8  }
0x4e: {  	[tilespmem:v17+s9+$0x0] =	vst.idx.add.f32.msk $0xffff, v16  }
0x4f: {  	v52 =	vadd.s32 $0x2800, v5;
	[tilespmem:v37+s9+$0x0] =	vst.idx.add.f32.msk $0xffff, v11  }
0x50: {  	v50 =	vadd.s32 $0x7800, v7;
	v8 =	vld.idx.msk [tilespmem:v22+s4+$0x0], $0xffff  }
0x51: {  	v53 =	vadd.s32 $0x2800, v4;
	[tilespmem:v39+s9+$0x0] =	vst.idx.add.f32.msk $0xffff, v10  }
0x52: {  	v40 =	vadd.s32 $0x5000, v25;
	v13 =	vld.idx.msk [tilespmem:v33+s4+$0x0], $0xffff  }
0x53: {  	v6 =	vadd.s32 $0xA000, v6;
	[tilespmem:v15+s9+$0x0] =	vst.idx.add.f32.msk $0xffff, v12  }
0x54: {  	v59 =	vadd.s32 $0x2800, v20;
	v12 =	vld.idx.msk [tilespmem:v52+s4+$0x0], $0xffff  }
0x55: {  	v31 =	vadd.s32 $0x5000, v0;
	[tilespmem:v50+s9+$0x0] =	vst.idx.add.f32.msk $0xffff, v8  }
0x56: {  	v47 =	vadd.s32 $0x7800, v2;
	v8 =	vld.idx.msk [tilespmem:v53+s4+$0x0], $0xffff  }
0x57: {  	v61 =	vadd.s32 $0x2800, v15;
	[tilespmem:v40+s9+$0x0] =	vst.idx.add.f32.msk $0xffff, v13  }
0x58: {  	v28 =	vadd.s32 $0x5000, v5;
	v6 =	vld.idx.msk [tilespmem:v6+s4+$0x0], $0xffff  }
0x59: {  	v7 =	vadd.s32 $0xA000, v7;
	[tilespmem:v59+s9+$0x0] =	vst.idx.add.f32.msk $0xffff, v12  }
0x5a: {  	v27 =	vadd.s32 $0x5000, v9;
	v12 =	vld.idx.msk [tilespmem:v31+s4+$0x0], $0xffff  }
0x5b: {  	v29 =	vadd.s32 $0x5000, v4;
	v13 =	vld.idx.msk [tilespmem:v47+s4+$0x0], $0xffff  }
0x5c: {  	v38 =	vadd.s32 $0x5000, v23;
	[tilespmem:v61+s9+$0x0] =	vst.idx.add.f32.msk $0xffff, v8  }
0x5d: {  	v44 =	vadd.s32 $0x7800, v3;
	v8 =	vld.idx.msk [tilespmem:v28+s4+$0x0], $0xffff  }
0x5e: {  	v54 =	vadd.s32 $0x7800, v25;
	[tilespmem:v7+s9+$0x0] =	vst.idx.add.f32.msk $0xffff, v6  }
0x5f: {  	v45 =	vadd.s32 $0x7800, v0;
	v6 =	vld.idx.msk [tilespmem:v27+s4+$0x0], $0xffff  }
0x60: {  	v2 =	vadd.s32 $0xA000, v2;
	v7 =	vld.idx.msk [tilespmem:v29+s4+$0x0], $0xffff  }
0x61: {  	v35 =	vadd.s32 $0x5000, v20;
	[tilespmem:v38+s9+$0x0] =	vst.idx.add.f32.msk $0xffff, v12  }
0x62: {  	v34 =	vadd.s32 $0x5000, v19;
	v12 =	vld.idx.msk [tilespmem:v44+s4+$0x0], $0xffff  }
0x63: {  	v36 =	vadd.s32 $0x5000, v15;
	[tilespmem:v54+s9+$0x0] =	vst.idx.add.f32.msk $0xffff, v13  }
0x64: {  	v42 =	vadd.s32 $0x7800, v5;
	v10 =	vld.idx.msk [tilespmem:v45+s4+$0x0], $0xffff  }
0x65: {  	v46 =	vadd.s32 $0x7800, v1;
	v2 =	vld.idx.msk [tilespmem:v2+s4+$0x0], $0xffff  }
0x66: {  	v51 =	vadd.s32 $0x7800, v21;
	[tilespmem:v35+s9+$0x0] =	vst.idx.add.f32.msk $0xffff, v8  }
0x67: {  	v41 =	vadd.s32 $0x7800, v9;
	[tilespmem:v34+s9+$0x0] =	vst.idx.add.f32.msk $0xffff, v6  }
0x68: {  	v43 =	vadd.s32 $0x7800, v4;
	[tilespmem:v36+s9+$0x0] =	vst.idx.add.f32.msk $0xffff, v7  }
0x69: {  	v52 =	vadd.s32 $0x7800, v23;
	v7 =	vld.idx.msk [tilespmem:v42+s4+$0x0], $0xffff  }
0x6a: {  	v3 =	vadd.s32 $0xA000, v3;
	v6 =	vld.idx.msk [tilespmem:v46+s4+$0x0], $0xffff  }
0x6b: {  	v63 =	vadd.s32 $0xA000, v25;
	[tilespmem:v51+s9+$0x0] =	vst.idx.add.f32.msk $0xffff, v12  }
0x6c: {  	v0 =	vadd.s32 $0xA000, v0;
	v8 =	vld.idx.msk [tilespmem:v41+s4+$0x0], $0xffff  }
0x6d: {  	v49 =	vadd.s32 $0x7800, v20;
	v11 =	vld.idx.msk [tilespmem:v43+s4+$0x0], $0xffff  }
0x6e: {  	v53 =	vadd.s32 $0x7800, v24;
	[tilespmem:v52+s9+$0x0] =	vst.idx.add.f32.msk $0xffff, v10  }
0x6f: {  	v48 =	vadd.s32 $0x7800, v19;
	v3 =	vld.idx.msk [tilespmem:v3+s4+$0x0], $0xffff  }
0x70: {  	v50 =	vadd.s32 $0x7800, v15;
	[tilespmem:v63+s9+$0x0] =	vst.idx.add.f32.msk $0xffff, v2  }
0x71: {  	v5 =	vadd.s32 $0xA000, v5;
	v0 =	vld.idx.msk [tilespmem:v0+s4+$0x0], $0xffff  }
0x72: {  	v1 =	vadd.s32 $0xA000, v1;
	[tilespmem:v49+s9+$0x0] =	vst.idx.add.f32.msk $0xffff, v7  }
0x73: {  	v60 =	vadd.s32 $0xA000, v21;
	[tilespmem:v53+s9+$0x0] =	vst.idx.add.f32.msk $0xffff, v6  }
0x74: {  	v55 =	vadd.s32 $0xA000, v9;
	[tilespmem:v48+s9+$0x0] =	vst.idx.add.f32.msk $0xffff, v8  }
0x75: {  	v4 =	vadd.s32 $0xA000, v4;
	[tilespmem:v50+s9+$0x0] =	vst.idx.add.f32.msk $0xffff, v11  }
0x76: {  	v61 =	vadd.s32 $0xA000, v23;
	v5 =	vld.idx.msk [tilespmem:v5+s4+$0x0], $0xffff  }
0x77: {  	v58 =	vadd.s32 $0xA000, v20;
	v1 =	vld.idx.msk [tilespmem:v1+s4+$0x0], $0xffff  }
0x78: {  	v62 =	vadd.s32 $0xA000, v24;
	[tilespmem:v60+s9+$0x0] =	vst.idx.add.f32.msk $0xffff, v3  }
0x79: {  	v57 =	vadd.s32 $0xA000, v19;
	v56 =	vld.idx.msk [tilespmem:v55+s4+$0x0], $0xffff  }
0x7a: {  	v59 =	vadd.s32 $0xA000, v15;
	v4 =	vld.idx.msk [tilespmem:v4+s4+$0x0], $0xffff  }
0x7b: {  	[tilespmem:v61+s9+$0x0] =	vst.idx.add.f32.msk $0xffff, v0  }
0x7c: {  	[tilespmem:v58+s9+$0x0] =	vst.idx.add.f32.msk $0xffff, v5  }
0x7d: {  	[tilespmem:v62+s9+$0x0] =	vst.idx.add.f32.msk $0xffff, v1  }
0x7e: {  	[tilespmem:v57+s9+$0x0] =	vst.idx.add.f32.msk $0xffff, v56  }
0x7f: {  	s20 =	simm.s32 $0x190C0;
	s19 =	simm.s32 $0x0;
	[tilespmem:v59+s9+$0x0] =	vst.idx.add.f32.msk $0xffff, v4  }
.LBB2_3:
0x80: {  	v25 =	vld [tilespmem:s20+$0x30];
	s19 =	sadd.s32 $0x8, s19  }
0x81: {  	v0 =	vld [tilespmem:s20+$0xFFFFFFD0];
	p0 =	slt.u32 s19, $0x138  }
0x82: {  	v1 =	vld [tilespmem:s20+$0xFFFFFFE0]  }
0x83: {  	v3 =	vld [tilespmem:s20+$0xFFFFFFF0]  }
0x84: {  	v5 =	vld [tilespmem:s20+$0x0]  }
0x85: {  	s18 =	sadd.s32 $0x80, s18;
	v16 =	vld [tilespmem:s20+$0x10]  }
0x86: {  	v22 =	vadd.s32 $0x2800, v0;
	v13 =	vadd.s32 $0x5000, v0;
	v2 =	vadd.s32 $0x7800, v0;
	v26 =	vld [tilespmem:s18+$0x30]  }
0x87: {  	v24 =	vadd.s32 $0x2800, v1;
	v14 =	vadd.s32 $0x5000, v1;
	v6 =	vadd.s32 $0x7800, v1;
	v17 =	vld [tilespmem:s20+$0x20]  }
0x88: {  	v27 =	vadd.s32 $0x2800, v3;
	v15 =	vadd.s32 $0x5000, v3;
	v7 =	vadd.s32 $0x7800, v3;
	v8 =	vld.idx.msk [tilespmem:v25+s4+$0x0], $0xffff  }
0x89: {  	v23 =	vld [tilespmem:s20+$0xFFFFFFC0];
	v28 =	vadd.s32 $0x2800, v5;
	v18 =	vadd.s32 $0x5000, v5;
	v9 =	vadd.s32 $0x7800, v5  }
0x8a: {  	v31 =	vadd.s32 $0x2800, v25;
	v29 =	vld.idx.msk [tilespmem:v0+s4+$0x0], $0xffff;
	v30 =	vadd.s32 $0x2800, v16;
	v19 =	vadd.s32 $0x5000, v16  }
0x8b: {  	v0 =	vadd.s32 $0xA000, v0;
	v11 =	vadd.s32 $0x7800, v16;
	v32 =	vld.idx.msk [tilespmem:v1+s4+$0x0], $0xffff;
	v1 =	vadd.s32 $0xA000, v1  }
0x8c: {  	v33 =	vld.idx.msk [tilespmem:v3+s4+$0x0], $0xffff;
	v34 =	vadd.s32 $0x2800, v17;
	v21 =	vadd.s32 $0x5000, v17;
	v12 =	vadd.s32 $0x7800, v17  }
0x8d: {  	v4 =	vadd.s32 $0xA000, v3;
	v3 =	vadd.s32 $0xA000, v16;
	v35 =	vld.idx.msk [tilespmem:v5+s4+$0x0], $0xffff;
	v5 =	vadd.s32 $0xA000, v5  }
0x8e: {  	v36 =	vadd.s32 $0x2800, v23;
	v37 =	vadd.s32 $0x5000, v23;
	v20 =	vadd.s32 $0x7800, v23;
	[tilespmem:v26+s9+$0x0] =	vst.idx.add.f32.msk $0xffff, v8  }
0x8f: {  	v10 =	vadd.s32 $0xA000, v23;
	v8 =	vadd.s32 $0xA000, v17;
	v31 =	vld.idx.msk [tilespmem:v31+s4+$0x0], $0xffff  }
0x90: {  	v38 =	vld.idx.msk [tilespmem:v16+s4+$0x0], $0xffff;
	v16 =	vadd.s32 $0x2800, v26  }
0x91: {  	v39 =	vld.idx.msk [tilespmem:v23+s4+$0x0], $0xffff;
	v23 =	vadd.s32 $0x5000, v25  }
0x92: {  	v40 =	vld.idx.msk [tilespmem:v17+s4+$0x0], $0xffff  }
0x93: {  	v41 =	vld [tilespmem:s18+$0xFFFFFFC0]  }
0x94: {  	v42 =	vld [tilespmem:s18+$0xFFFFFFD0]  }
0x95: {  	[tilespmem:v16+s9+$0x0] =	vst.idx.add.f32.msk $0xffff, v31  }
0x96: {  	v31 =	vld.idx.msk [tilespmem:v23+s4+$0x0], $0xffff  }
0x97: {  	v44 =	vadd.s32 $0x5000, v26;
	v43 =	vld [tilespmem:s18+$0xFFFFFFE0]  }
0x98: {  	v48 =	vadd.s32 $0x7800, v25;
	v45 =	vadd.s32 $0x2800, v41;
	v46 =	vadd.s32 $0x5000, v41;
	v47 =	vld [tilespmem:s18+$0xFFFFFFF0]  }
0x99: {  	v23 =	vadd.s32 $0x7800, v41;
	v49 =	vadd.s32 $0x2800, v42;
	v50 =	vadd.s32 $0x5000, v42;
	v51 =	vld [tilespmem:s18+$0x0]  }
0x9a: {  	v16 =	vadd.s32 $0xA000, v41;
	v52 =	vadd.s32 $0x7800, v42;
	v17 =	vadd.s32 $0xA000, v42;
	v53 =	vld [tilespmem:s18+$0x10]  }
0x9b: {  	v54 =	vld [tilespmem:s18+$0x20]  }
0x9c: {  	v55 =	vadd.s32 $0x2800, v43;
	v56 =	vadd.s32 $0x5000, v43;
	v57 =	vadd.s32 $0x7800, v43;
	[tilespmem:v44+s9+$0x0] =	vst.idx.add.f32.msk $0xffff, v31  }
0x9d: {  	v31 =	vadd.s32 $0x2800, v47;
	v44 =	vadd.s32 $0x5000, v47;
	v58 =	vadd.s32 $0x7800, v47;
	v48 =	vld.idx.msk [tilespmem:v48+s4+$0x0], $0xffff  }
0x9e: {  	v59 =	vadd.s32 $0x7800, v26;
	[tilespmem:v41+s9+$0x0] =	vst.idx.add.f32.msk $0xffff, v39;
	v39 =	vadd.s32 $0x2800, v51;
	v41 =	vadd.s32 $0x5000, v51  }
0x9f: {  	v25 =	vadd.s32 $0xA000, v25;
	[tilespmem:v42+s9+$0x0] =	vst.idx.add.f32.msk $0xffff, v29;
	v29 =	vadd.s32 $0x2800, v53;
	v42 =	vadd.s32 $0x5000, v53  }
0xa0: {  	[tilespmem:v43+s9+$0x0] =	vst.idx.add.f32.msk $0xffff, v32;
	v32 =	vadd.s32 $0x7800, v51;
	v60 =	vadd.s32 $0x2800, v54;
	v61 =	vadd.s32 $0x5000, v54  }
0xa1: {  	v43 =	vadd.s32 $0xA000, v43;
	v62 =	vadd.s32 $0x7800, v54;
	[tilespmem:v47+s9+$0x0] =	vst.idx.add.f32.msk $0xffff, v33;
	v33 =	vadd.s32 $0x7800, v53  }
0xa2: {  	v47 =	vadd.s32 $0xA000, v47;
	[tilespmem:v51+s9+$0x0] =	vst.idx.add.f32.msk $0xffff, v35;
	v35 =	vadd.s32 $0xA000, v51;
	v51 =	vadd.s32 $0xA000, v53  }
0xa3: {  	v63 =	vadd.s32 $0xA000, v54;
	[tilespmem:v59+s9+$0x0] =	vst.idx.add.f32.msk $0xffff, v48  }
0xa4: {  	v25 =	vld.idx.msk [tilespmem:v25+s4+$0x0], $0xffff  }
0xa5: {  	v26 =	vadd.s32 $0xA000, v26;
	[tilespmem:v53+s9+$0x0] =	vst.idx.add.f32.msk $0xffff, v38  }
0xa6: {  	[tilespmem:v54+s9+$0x0] =	vst.idx.add.f32.msk $0xffff, v40  }
0xa7: {  	v36 =	vld.idx.msk [tilespmem:v36+s4+$0x0], $0xffff  }
0xa8: {  	v22 =	vld.idx.msk [tilespmem:v22+s4+$0x0], $0xffff  }
0xa9: {  	v24 =	vld.idx.msk [tilespmem:v24+s4+$0x0], $0xffff  }
0xaa: {  	[tilespmem:v26+s9+$0x0] =	vst.idx.add.f32.msk $0xffff, v25  }
0xab: {  	v25 =	vld.idx.msk [tilespmem:v27+s4+$0x0], $0xffff  }
0xac: {  	v26 =	vld.idx.msk [tilespmem:v28+s4+$0x0], $0xffff  }
0xad: {  	v27 =	vld.idx.msk [tilespmem:v30+s4+$0x0], $0xffff  }
0xae: {  	v28 =	vld.idx.msk [tilespmem:v34+s4+$0x0], $0xffff  }
0xaf: {  	[tilespmem:v45+s9+$0x0] =	vst.idx.add.f32.msk $0xffff, v36  }
0xb0: {  	[tilespmem:v49+s9+$0x0] =	vst.idx.add.f32.msk $0xffff, v22  }
0xb1: {  	[tilespmem:v55+s9+$0x0] =	vst.idx.add.f32.msk $0xffff, v24  }
0xb2: {  	[tilespmem:v31+s9+$0x0] =	vst.idx.add.f32.msk $0xffff, v25  }
0xb3: {  	[tilespmem:v39+s9+$0x0] =	vst.idx.add.f32.msk $0xffff, v26  }
0xb4: {  	[tilespmem:v29+s9+$0x0] =	vst.idx.add.f32.msk $0xffff, v27  }
0xb5: {  	[tilespmem:v60+s9+$0x0] =	vst.idx.add.f32.msk $0xffff, v28  }
0xb6: {  	v22 =	vld.idx.msk [tilespmem:v37+s4+$0x0], $0xffff  }
0xb7: {  	v13 =	vld.idx.msk [tilespmem:v13+s4+$0x0], $0xffff  }
0xb8: {  	v14 =	vld.idx.msk [tilespmem:v14+s4+$0x0], $0xffff  }
0xb9: {  	v15 =	vld.idx.msk [tilespmem:v15+s4+$0x0], $0xffff  }
0xba: {  	v18 =	vld.idx.msk [tilespmem:v18+s4+$0x0], $0xffff  }
0xbb: {  	v19 =	vld.idx.msk [tilespmem:v19+s4+$0x0], $0xffff  }
0xbc: {  	v21 =	vld.idx.msk [tilespmem:v21+s4+$0x0], $0xffff  }
0xbd: {  	[tilespmem:v46+s9+$0x0] =	vst.idx.add.f32.msk $0xffff, v22  }
0xbe: {  	[tilespmem:v50+s9+$0x0] =	vst.idx.add.f32.msk $0xffff, v13  }
0xbf: {  	[tilespmem:v56+s9+$0x0] =	vst.idx.add.f32.msk $0xffff, v14  }
0xc0: {  	[tilespmem:v44+s9+$0x0] =	vst.idx.add.f32.msk $0xffff, v15  }
0xc1: {  	[tilespmem:v41+s9+$0x0] =	vst.idx.add.f32.msk $0xffff, v18  }
0xc2: {  	[tilespmem:v42+s9+$0x0] =	vst.idx.add.f32.msk $0xffff, v19  }
0xc3: {  	[tilespmem:v61+s9+$0x0] =	vst.idx.add.f32.msk $0xffff, v21  }
0xc4: {  	v13 =	vld.idx.msk [tilespmem:v20+s4+$0x0], $0xffff  }
0xc5: {  	v2 =	vld.idx.msk [tilespmem:v2+s4+$0x0], $0xffff  }
0xc6: {  	v6 =	vld.idx.msk [tilespmem:v6+s4+$0x0], $0xffff  }
0xc7: {  	v7 =	vld.idx.msk [tilespmem:v7+s4+$0x0], $0xffff  }
0xc8: {  	v9 =	vld.idx.msk [tilespmem:v9+s4+$0x0], $0xffff  }
0xc9: {  	v11 =	vld.idx.msk [tilespmem:v11+s4+$0x0], $0xffff  }
0xca: {  	v12 =	vld.idx.msk [tilespmem:v12+s4+$0x0], $0xffff  }
0xcb: {  	[tilespmem:v23+s9+$0x0] =	vst.idx.add.f32.msk $0xffff, v13  }
0xcc: {  	[tilespmem:v52+s9+$0x0] =	vst.idx.add.f32.msk $0xffff, v2  }
0xcd: {  	[tilespmem:v57+s9+$0x0] =	vst.idx.add.f32.msk $0xffff, v6  }
0xce: {  	[tilespmem:v58+s9+$0x0] =	vst.idx.add.f32.msk $0xffff, v7  }
0xcf: {  	[tilespmem:v32+s9+$0x0] =	vst.idx.add.f32.msk $0xffff, v9  }
0xd0: {  	[tilespmem:v33+s9+$0x0] =	vst.idx.add.f32.msk $0xffff, v11  }
0xd1: {  	[tilespmem:v62+s9+$0x0] =	vst.idx.add.f32.msk $0xffff, v12  }
0xd2: {  	v2 =	vld.idx.msk [tilespmem:v10+s4+$0x0], $0xffff  }
0xd3: {  	v0 =	vld.idx.msk [tilespmem:v0+s4+$0x0], $0xffff  }
0xd4: {  	v1 =	vld.idx.msk [tilespmem:v1+s4+$0x0], $0xffff  }
0xd5: {  	v4 =	vld.idx.msk [tilespmem:v4+s4+$0x0], $0xffff  }
0xd6: {  	v5 =	vld.idx.msk [tilespmem:v5+s4+$0x0], $0xffff  }
0xd7: {  	v3 =	vld.idx.msk [tilespmem:v3+s4+$0x0], $0xffff  }
0xd8: {  	v6 =	vld.idx.msk [tilespmem:v8+s4+$0x0], $0xffff  }
0xd9: {  	[tilespmem:v16+s9+$0x0] =	vst.idx.add.f32.msk $0xffff, v2  }
0xda: {  	[tilespmem:v17+s9+$0x0] =	vst.idx.add.f32.msk $0xffff, v0  }
.Ltmp0:
0xdb: {  	[tilespmem:v43+s9+$0x0] =	vst.idx.add.f32.msk $0xffff, v1;
	(pc) =	sbr.rel @p0 .LBB2_3-.Ltmp0, $4  }
0xdc: {  	[tilespmem:v47+s9+$0x0] =	vst.idx.add.f32.msk $0xffff, v4  }
0xdd: {  	[tilespmem:v35+s9+$0x0] =	vst.idx.add.f32.msk $0xffff, v5  }
0xde: {  	[tilespmem:v51+s9+$0x0] =	vst.idx.add.f32.msk $0xffff, v3  }
0xdf: {  	s20 =	sadd.s32 $0x80, s20;
	[tilespmem:v63+s9+$0x0] =	vst.idx.add.f32.msk $0xffff, v6  }
0xe0: {  	s18 =	sshll.u32 s17, $0x1;
	_ =	swait.ge [sflag:s15], $0x1400  }
0xe1: {  	[sflag:s15] =	ssyncset.done $0x0;
	s18 =	sadd.s32 $0x2, s18  }
0xe2: {  	[sflag:s15] =	ssyncadd.s32 $0xFFFFEC00;
	s18 =	sand.u32 $0x3E, s18  }
0xe3: {  	_ =	swait.ge [sflag:s15], $0x1400;
	s18 =	smul.u32 $0x280, s18  }
0xe4: {  	[sflag:s15] =	ssyncset.done $0x0  }
0xe5: {  	[sflag:s15] =	ssyncadd.s32 $0xFFFFEC00;
	s19 =	sadd.s32 s2, s18  }
0xe6: {  	[tilespmem:s10], [sflag:$0x1] =	stream.linear.gather [hbm4b:s19+s4], $0x1400, $0x38;
	[tilespmem:$0x1E000] =	vst v63  }
0xe7: {  	s31 =	simm.s32 $0x1B840;
	s18 =	sadd.s32 s3, s18  }
0xe8: {  	[tilespmem:s11], [sflag:$0x1] =	stream.linear.gather [hbm4b:s18+s4], $0x1400, $0x38;
	[tilespmem:$0x1E000] =	vst v63  }
0xe9: {  	v6 =	vld [tilespmem:s31+$0x30]  }
0xea: {  	v5 =	vld [tilespmem:s31+$0xFFFFFFD0]  }
0xeb: {  	v4 =	vld [tilespmem:s31+$0xFFFFFFE0]  }
0xec: {  	v3 =	vld [tilespmem:s31+$0xFFFFFFF0]  }
0xed: {  	v0 =	vld [tilespmem:s31+$0x0]  }
0xee: {  	s18 =	simm.s32 $0x1CC40;
	v1 =	vld [tilespmem:s31+$0x10]  }
0xef: {  	v7 =	vld [tilespmem:s18+$0x30]  }
0xf0: {  	v2 =	vld [tilespmem:s31+$0x20]  }
0xf1: {  	v9 =	vld [tilespmem:s31+$0xFFFFFFC0]  }
0xf2: {  	v19 =	vld [tilespmem:s18+$0xFFFFFFC0]  }
0xf3: {  	v20 =	vld [tilespmem:s18+$0xFFFFFFD0]  }
0xf4: {  	v21 =	vld [tilespmem:s18+$0xFFFFFFF0]  }
0xf5: {  	v23 =	vld [tilespmem:s18+$0x0]  }
0xf6: {  	v24 =	vld [tilespmem:s18+$0x10]  }
0xf7: {  	v25 =	vld [tilespmem:s18+$0x20]  }
0xf8: {  	v8 =	vld.idx.msk [tilespmem:v6+s4+$0x0], $0xffff  }
0xf9: {  	v10 =	vld.idx.msk [tilespmem:v5+s4+$0x0], $0xffff  }
0xfa: {  	v12 =	vld.idx.msk [tilespmem:v4+s4+$0x0], $0xffff  }
0xfb: {  	v13 =	vld.idx.msk [tilespmem:v3+s4+$0x0], $0xffff  }
0xfc: {  	v16 =	vld.idx.msk [tilespmem:v9+s4+$0x0], $0xffff  }
0xfd: {  	v14 =	vld.idx.msk [tilespmem:v0+s4+$0x0], $0xffff  }
0xfe: {  	v48 =	vld.idx.msk [tilespmem:v1+s4+$0x0], $0xffff  }
0xff: {  	v18 =	vld.idx.msk [tilespmem:v2+s4+$0x0], $0xffff  }
0x100: {  	[tilespmem:v7+s9+$0x0] =	vst.idx.add.f32.msk $0xffff, v8  }
0x101: {  	[tilespmem:v19+s9+$0x0] =	vst.idx.add.f32.msk $0xffff, v16  }
0x102: {  	v11 =	vadd.s32 $0x2800, v6;
	[tilespmem:v20+s9+$0x0] =	vst.idx.add.f32.msk $0xffff, v10  }
0x103: {  	v51 =	vadd.s32 $0x2800, v9;
	[tilespmem:v21+s9+$0x0] =	vst.idx.add.f32.msk $0xffff, v13  }
0x104: {  	v54 =	vadd.s32 $0x2800, v3;
	[tilespmem:v23+s9+$0x0] =	vst.idx.add.f32.msk $0xffff, v14  }
0x105: {  	v55 =	vadd.s32 $0x2800, v0;
	[tilespmem:v24+s9+$0x0] =	vst.idx.add.f32.msk $0xffff, v48  }
0x106: {  	v56 =	vadd.s32 $0x2800, v1;
	[tilespmem:v25+s9+$0x0] =	vst.idx.add.f32.msk $0xffff, v18  }
0x107: {  	v57 =	vadd.s32 $0x2800, v2;
	v8 =	vld.idx.msk [tilespmem:v11+s4+$0x0], $0xffff  }
0x108: {  	v15 =	vadd.s32 $0x2800, v7;
	v10 =	vld.idx.msk [tilespmem:v51+s4+$0x0], $0xffff  }
0x109: {  	v60 =	vld.idx.msk [tilespmem:v54+s4+$0x0], $0xffff  }
0x10a: {  	v58 =	vadd.s32 $0x2800, v19;
	v13 =	vld.idx.msk [tilespmem:v55+s4+$0x0], $0xffff  }
0x10b: {  	v62 =	vadd.s32 $0x2800, v21;
	v14 =	vld.idx.msk [tilespmem:v56+s4+$0x0], $0xffff  }
0x10c: {  	v17 =	vadd.s32 $0x5000, v6;
	v16 =	vld.idx.msk [tilespmem:v57+s4+$0x0], $0xffff  }
0x10d: {  	v63 =	vadd.s32 $0x2800, v23;
	[tilespmem:v15+s9+$0x0] =	vst.idx.add.f32.msk $0xffff, v8  }
0x10e: {  	v30 =	vadd.s32 $0x5000, v3;
	v15 =	vld [tilespmem:s18+$0xFFFFFFE0]  }
0x10f: {  	v26 =	vadd.s32 $0x2800, v24;
	[tilespmem:v58+s9+$0x0] =	vst.idx.add.f32.msk $0xffff, v10  }
0x110: {  	v32 =	vadd.s32 $0x5000, v1;
	[tilespmem:v62+s9+$0x0] =	vst.idx.add.f32.msk $0xffff, v60  }
0x111: {  	v49 =	vadd.s32 $0x5000, v7;
	v8 =	vld.idx.msk [tilespmem:v17+s4+$0x0], $0xffff  }
0x112: {  	[tilespmem:v63+s9+$0x0] =	vst.idx.add.f32.msk $0xffff, v13;
	v17 =	vadd.s32 $0x2800, v25  }
0x113: {  	v37 =	vadd.s32 $0x5000, v21;
	v11 =	vld.idx.msk [tilespmem:v30+s4+$0x0], $0xffff  }
0x114: {  	v22 =	vadd.s32 $0x7800, v6;
	[tilespmem:v26+s9+$0x0] =	vst.idx.add.f32.msk $0xffff, v14  }
0x115: {  	v39 =	vadd.s32 $0x5000, v24;
	v10 =	vld.idx.msk [tilespmem:v32+s4+$0x0], $0xffff  }
0x116: {  	v33 =	vadd.s32 $0x5000, v2;
	[tilespmem:v49+s9+$0x0] =	vst.idx.add.f32.msk $0xffff, v8  }
0x117: {  	[tilespmem:v17+s9+$0x0] =	vst.idx.add.f32.msk $0xffff, v16  }
0x118: {  	v52 =	vadd.s32 $0x2800, v5;
	[tilespmem:v37+s9+$0x0] =	vst.idx.add.f32.msk $0xffff, v11  }
0x119: {  	v50 =	vadd.s32 $0x7800, v7;
	v8 =	vld.idx.msk [tilespmem:v22+s4+$0x0], $0xffff  }
0x11a: {  	v53 =	vadd.s32 $0x2800, v4;
	[tilespmem:v39+s9+$0x0] =	vst.idx.add.f32.msk $0xffff, v10  }
0x11b: {  	v40 =	vadd.s32 $0x5000, v25;
	v13 =	vld.idx.msk [tilespmem:v33+s4+$0x0], $0xffff  }
0x11c: {  	v6 =	vadd.s32 $0xA000, v6;
	[tilespmem:v15+s9+$0x0] =	vst.idx.add.f32.msk $0xffff, v12  }
0x11d: {  	v59 =	vadd.s32 $0x2800, v20;
	v12 =	vld.idx.msk [tilespmem:v52+s4+$0x0], $0xffff  }
0x11e: {  	v31 =	vadd.s32 $0x5000, v0;
	[tilespmem:v50+s9+$0x0] =	vst.idx.add.f32.msk $0xffff, v8  }
0x11f: {  	v47 =	vadd.s32 $0x7800, v2;
	v8 =	vld.idx.msk [tilespmem:v53+s4+$0x0], $0xffff  }
0x120: {  	v61 =	vadd.s32 $0x2800, v15;
	[tilespmem:v40+s9+$0x0] =	vst.idx.add.f32.msk $0xffff, v13  }
0x121: {  	v28 =	vadd.s32 $0x5000, v5;
	v6 =	vld.idx.msk [tilespmem:v6+s4+$0x0], $0xffff  }
0x122: {  	v7 =	vadd.s32 $0xA000, v7;
	[tilespmem:v59+s9+$0x0] =	vst.idx.add.f32.msk $0xffff, v12  }
0x123: {  	v27 =	vadd.s32 $0x5000, v9;
	v12 =	vld.idx.msk [tilespmem:v31+s4+$0x0], $0xffff  }
0x124: {  	v29 =	vadd.s32 $0x5000, v4;
	v13 =	vld.idx.msk [tilespmem:v47+s4+$0x0], $0xffff  }
0x125: {  	v38 =	vadd.s32 $0x5000, v23;
	[tilespmem:v61+s9+$0x0] =	vst.idx.add.f32.msk $0xffff, v8  }
0x126: {  	v44 =	vadd.s32 $0x7800, v3;
	v8 =	vld.idx.msk [tilespmem:v28+s4+$0x0], $0xffff  }
0x127: {  	v54 =	vadd.s32 $0x7800, v25;
	[tilespmem:v7+s9+$0x0] =	vst.idx.add.f32.msk $0xffff, v6  }
0x128: {  	v45 =	vadd.s32 $0x7800, v0;
	v6 =	vld.idx.msk [tilespmem:v27+s4+$0x0], $0xffff  }
0x129: {  	v2 =	vadd.s32 $0xA000, v2;
	v7 =	vld.idx.msk [tilespmem:v29+s4+$0x0], $0xffff  }
0x12a: {  	v35 =	vadd.s32 $0x5000, v20;
	[tilespmem:v38+s9+$0x0] =	vst.idx.add.f32.msk $0xffff, v12  }
0x12b: {  	v34 =	vadd.s32 $0x5000, v19;
	v12 =	vld.idx.msk [tilespmem:v44+s4+$0x0], $0xffff  }
0x12c: {  	v36 =	vadd.s32 $0x5000, v15;
	[tilespmem:v54+s9+$0x0] =	vst.idx.add.f32.msk $0xffff, v13  }
0x12d: {  	v42 =	vadd.s32 $0x7800, v5;
	v10 =	vld.idx.msk [tilespmem:v45+s4+$0x0], $0xffff  }
0x12e: {  	v46 =	vadd.s32 $0x7800, v1;
	v2 =	vld.idx.msk [tilespmem:v2+s4+$0x0], $0xffff  }
0x12f: {  	v51 =	vadd.s32 $0x7800, v21;
	[tilespmem:v35+s9+$0x0] =	vst.idx.add.f32.msk $0xffff, v8  }
0x130: {  	v41 =	vadd.s32 $0x7800, v9;
	[tilespmem:v34+s9+$0x0] =	vst.idx.add.f32.msk $0xffff, v6  }
0x131: {  	v43 =	vadd.s32 $0x7800, v4;
	[tilespmem:v36+s9+$0x0] =	vst.idx.add.f32.msk $0xffff, v7  }
0x132: {  	v52 =	vadd.s32 $0x7800, v23;
	v7 =	vld.idx.msk [tilespmem:v42+s4+$0x0], $0xffff  }
0x133: {  	v3 =	vadd.s32 $0xA000, v3;
	v6 =	vld.idx.msk [tilespmem:v46+s4+$0x0], $0xffff  }
0x134: {  	v63 =	vadd.s32 $0xA000, v25;
	[tilespmem:v51+s9+$0x0] =	vst.idx.add.f32.msk $0xffff, v12  }
0x135: {  	v0 =	vadd.s32 $0xA000, v0;
	v8 =	vld.idx.msk [tilespmem:v41+s4+$0x0], $0xffff  }
0x136: {  	v49 =	vadd.s32 $0x7800, v20;
	v11 =	vld.idx.msk [tilespmem:v43+s4+$0x0], $0xffff  }
0x137: {  	v53 =	vadd.s32 $0x7800, v24;
	[tilespmem:v52+s9+$0x0] =	vst.idx.add.f32.msk $0xffff, v10  }
0x138: {  	v48 =	vadd.s32 $0x7800, v19;
	v3 =	vld.idx.msk [tilespmem:v3+s4+$0x0], $0xffff  }
0x139: {  	v50 =	vadd.s32 $0x7800, v15;
	[tilespmem:v63+s9+$0x0] =	vst.idx.add.f32.msk $0xffff, v2  }
0x13a: {  	v5 =	vadd.s32 $0xA000, v5;
	v0 =	vld.idx.msk [tilespmem:v0+s4+$0x0], $0xffff  }
0x13b: {  	v1 =	vadd.s32 $0xA000, v1;
	[tilespmem:v49+s9+$0x0] =	vst.idx.add.f32.msk $0xffff, v7  }
0x13c: {  	v60 =	vadd.s32 $0xA000, v21;
	[tilespmem:v53+s9+$0x0] =	vst.idx.add.f32.msk $0xffff, v6  }
0x13d: {  	v55 =	vadd.s32 $0xA000, v9;
	[tilespmem:v48+s9+$0x0] =	vst.idx.add.f32.msk $0xffff, v8  }
0x13e: {  	v4 =	vadd.s32 $0xA000, v4;
	[tilespmem:v50+s9+$0x0] =	vst.idx.add.f32.msk $0xffff, v11  }
0x13f: {  	v61 =	vadd.s32 $0xA000, v23;
	v5 =	vld.idx.msk [tilespmem:v5+s4+$0x0], $0xffff  }
0x140: {  	v58 =	vadd.s32 $0xA000, v20;
	v1 =	vld.idx.msk [tilespmem:v1+s4+$0x0], $0xffff  }
0x141: {  	v62 =	vadd.s32 $0xA000, v24;
	[tilespmem:v60+s9+$0x0] =	vst.idx.add.f32.msk $0xffff, v3  }
0x142: {  	v57 =	vadd.s32 $0xA000, v19;
	v56 =	vld.idx.msk [tilespmem:v55+s4+$0x0], $0xffff  }
0x143: {  	v59 =	vadd.s32 $0xA000, v15;
	v4 =	vld.idx.msk [tilespmem:v4+s4+$0x0], $0xffff  }
0x144: {  	[tilespmem:v61+s9+$0x0] =	vst.idx.add.f32.msk $0xffff, v0  }
0x145: {  	[tilespmem:v58+s9+$0x0] =	vst.idx.add.f32.msk $0xffff, v5  }
0x146: {  	[tilespmem:v62+s9+$0x0] =	vst.idx.add.f32.msk $0xffff, v1  }
0x147: {  	[tilespmem:v57+s9+$0x0] =	vst.idx.add.f32.msk $0xffff, v56  }
0x148: {  	s20 =	simm.s32 $0x1B8C0;
	s19 =	simm.s32 $0x0;
	[tilespmem:v59+s9+$0x0] =	vst.idx.add.f32.msk $0xffff, v4  }
.LBB2_5:
0x149: {  	v25 =	vld [tilespmem:s20+$0x30];
	s19 =	sadd.s32 $0x8, s19  }
0x14a: {  	v0 =	vld [tilespmem:s20+$0xFFFFFFD0];
	p0 =	slt.u32 s19, $0x138  }
0x14b: {  	v1 =	vld [tilespmem:s20+$0xFFFFFFE0]  }
0x14c: {  	v3 =	vld [tilespmem:s20+$0xFFFFFFF0]  }
0x14d: {  	v5 =	vld [tilespmem:s20+$0x0]  }
0x14e: {  	s18 =	sadd.s32 $0x80, s18;
	v16 =	vld [tilespmem:s20+$0x10]  }
0x14f: {  	v22 =	vadd.s32 $0x2800, v0;
	v13 =	vadd.s32 $0x5000, v0;
	v2 =	vadd.s32 $0x7800, v0;
	v26 =	vld [tilespmem:s18+$0x30]  }
0x150: {  	v24 =	vadd.s32 $0x2800, v1;
	v14 =	vadd.s32 $0x5000, v1;
	v6 =	vadd.s32 $0x7800, v1;
	v17 =	vld [tilespmem:s20+$0x20]  }
0x151: {  	v27 =	vadd.s32 $0x2800, v3;
	v15 =	vadd.s32 $0x5000, v3;
	v7 =	vadd.s32 $0x7800, v3;
	v8 =	vld.idx.msk [tilespmem:v25+s4+$0x0], $0xffff  }
0x152: {  	v23 =	vld [tilespmem:s20+$0xFFFFFFC0];
	v28 =	vadd.s32 $0x2800, v5;
	v18 =	vadd.s32 $0x5000, v5;
	v9 =	vadd.s32 $0x7800, v5  }
0x153: {  	v31 =	vadd.s32 $0x2800, v25;
	v29 =	vld.idx.msk [tilespmem:v0+s4+$0x0], $0xffff;
	v30 =	vadd.s32 $0x2800, v16;
	v19 =	vadd.s32 $0x5000, v16  }
0x154: {  	v0 =	vadd.s32 $0xA000, v0;
	v11 =	vadd.s32 $0x7800, v16;
	v32 =	vld.idx.msk [tilespmem:v1+s4+$0x0], $0xffff;
	v1 =	vadd.s32 $0xA000, v1  }
0x155: {  	v33 =	vld.idx.msk [tilespmem:v3+s4+$0x0], $0xffff;
	v34 =	vadd.s32 $0x2800, v17;
	v21 =	vadd.s32 $0x5000, v17;
	v12 =	vadd.s32 $0x7800, v17  }
0x156: {  	v4 =	vadd.s32 $0xA000, v3;
	v3 =	vadd.s32 $0xA000, v16;
	v35 =	vld.idx.msk [tilespmem:v5+s4+$0x0], $0xffff;
	v5 =	vadd.s32 $0xA000, v5  }
0x157: {  	v36 =	vadd.s32 $0x2800, v23;
	v37 =	vadd.s32 $0x5000, v23;
	v20 =	vadd.s32 $0x7800, v23;
	[tilespmem:v26+s9+$0x0] =	vst.idx.add.f32.msk $0xffff, v8  }
0x158: {  	v10 =	vadd.s32 $0xA000, v23;
	v8 =	vadd.s32 $0xA000, v17;
	v31 =	vld.idx.msk [tilespmem:v31+s4+$0x0], $0xffff  }
0x159: {  	v38 =	vld.idx.msk [tilespmem:v16+s4+$0x0], $0xffff;
	v16 =	vadd.s32 $0x2800, v26  }
0x15a: {  	v39 =	vld.idx.msk [tilespmem:v23+s4+$0x0], $0xffff;
	v23 =	vadd.s32 $0x5000, v25  }
0x15b: {  	v40 =	vld.idx.msk [tilespmem:v17+s4+$0x0], $0xffff  }
0x15c: {  	v41 =	vld [tilespmem:s18+$0xFFFFFFC0]  }
0x15d: {  	v42 =	vld [tilespmem:s18+$0xFFFFFFD0]  }
0x15e: {  	[tilespmem:v16+s9+$0x0] =	vst.idx.add.f32.msk $0xffff, v31  }
0x15f: {  	v31 =	vld.idx.msk [tilespmem:v23+s4+$0x0], $0xffff  }
0x160: {  	v44 =	vadd.s32 $0x5000, v26;
	v43 =	vld [tilespmem:s18+$0xFFFFFFE0]  }
0x161: {  	v48 =	vadd.s32 $0x7800, v25;
	v45 =	vadd.s32 $0x2800, v41;
	v46 =	vadd.s32 $0x5000, v41;
	v47 =	vld [tilespmem:s18+$0xFFFFFFF0]  }
0x162: {  	v23 =	vadd.s32 $0x7800, v41;
	v49 =	vadd.s32 $0x2800, v42;
	v50 =	vadd.s32 $0x5000, v42;
	v51 =	vld [tilespmem:s18+$0x0]  }
0x163: {  	v16 =	vadd.s32 $0xA000, v41;
	v52 =	vadd.s32 $0x7800, v42;
	v17 =	vadd.s32 $0xA000, v42;
	v53 =	vld [tilespmem:s18+$0x10]  }
0x164: {  	v54 =	vld [tilespmem:s18+$0x20]  }
0x165: {  	v55 =	vadd.s32 $0x2800, v43;
	v56 =	vadd.s32 $0x5000, v43;
	v57 =	vadd.s32 $0x7800, v43;
	[tilespmem:v44+s9+$0x0] =	vst.idx.add.f32.msk $0xffff, v31  }
0x166: {  	v31 =	vadd.s32 $0x2800, v47;
	v44 =	vadd.s32 $0x5000, v47;
	v58 =	vadd.s32 $0x7800, v47;
	v48 =	vld.idx.msk [tilespmem:v48+s4+$0x0], $0xffff  }
0x167: {  	v59 =	vadd.s32 $0x7800, v26;
	[tilespmem:v41+s9+$0x0] =	vst.idx.add.f32.msk $0xffff, v39;
	v39 =	vadd.s32 $0x2800, v51;
	v41 =	vadd.s32 $0x5000, v51  }
0x168: {  	v25 =	vadd.s32 $0xA000, v25;
	[tilespmem:v42+s9+$0x0] =	vst.idx.add.f32.msk $0xffff, v29;
	v29 =	vadd.s32 $0x2800, v53;
	v42 =	vadd.s32 $0x5000, v53  }
0x169: {  	[tilespmem:v43+s9+$0x0] =	vst.idx.add.f32.msk $0xffff, v32;
	v32 =	vadd.s32 $0x7800, v51;
	v60 =	vadd.s32 $0x2800, v54;
	v61 =	vadd.s32 $0x5000, v54  }
0x16a: {  	v43 =	vadd.s32 $0xA000, v43;
	v62 =	vadd.s32 $0x7800, v54;
	[tilespmem:v47+s9+$0x0] =	vst.idx.add.f32.msk $0xffff, v33;
	v33 =	vadd.s32 $0x7800, v53  }
0x16b: {  	v47 =	vadd.s32 $0xA000, v47;
	[tilespmem:v51+s9+$0x0] =	vst.idx.add.f32.msk $0xffff, v35;
	v35 =	vadd.s32 $0xA000, v51;
	v51 =	vadd.s32 $0xA000, v53  }
0x16c: {  	v63 =	vadd.s32 $0xA000, v54;
	[tilespmem:v59+s9+$0x0] =	vst.idx.add.f32.msk $0xffff, v48  }
0x16d: {  	v25 =	vld.idx.msk [tilespmem:v25+s4+$0x0], $0xffff  }
0x16e: {  	v26 =	vadd.s32 $0xA000, v26;
	[tilespmem:v53+s9+$0x0] =	vst.idx.add.f32.msk $0xffff, v38  }
0x16f: {  	[tilespmem:v54+s9+$0x0] =	vst.idx.add.f32.msk $0xffff, v40  }
0x170: {  	v36 =	vld.idx.msk [tilespmem:v36+s4+$0x0], $0xffff  }
0x171: {  	v22 =	vld.idx.msk [tilespmem:v22+s4+$0x0], $0xffff  }
0x172: {  	v24 =	vld.idx.msk [tilespmem:v24+s4+$0x0], $0xffff  }
0x173: {  	[tilespmem:v26+s9+$0x0] =	vst.idx.add.f32.msk $0xffff, v25  }
0x174: {  	v25 =	vld.idx.msk [tilespmem:v27+s4+$0x0], $0xffff  }
0x175: {  	v26 =	vld.idx.msk [tilespmem:v28+s4+$0x0], $0xffff  }
0x176: {  	v27 =	vld.idx.msk [tilespmem:v30+s4+$0x0], $0xffff  }
0x177: {  	v28 =	vld.idx.msk [tilespmem:v34+s4+$0x0], $0xffff  }
0x178: {  	[tilespmem:v45+s9+$0x0] =	vst.idx.add.f32.msk $0xffff, v36  }
0x179: {  	[tilespmem:v49+s9+$0x0] =	vst.idx.add.f32.msk $0xffff, v22  }
0x17a: {  	[tilespmem:v55+s9+$0x0] =	vst.idx.add.f32.msk $0xffff, v24  }
0x17b: {  	[tilespmem:v31+s9+$0x0] =	vst.idx.add.f32.msk $0xffff, v25  }
0x17c: {  	[tilespmem:v39+s9+$0x0] =	vst.idx.add.f32.msk $0xffff, v26  }
0x17d: {  	[tilespmem:v29+s9+$0x0] =	vst.idx.add.f32.msk $0xffff, v27  }
0x17e: {  	[tilespmem:v60+s9+$0x0] =	vst.idx.add.f32.msk $0xffff, v28  }
0x17f: {  	v22 =	vld.idx.msk [tilespmem:v37+s4+$0x0], $0xffff  }
0x180: {  	v13 =	vld.idx.msk [tilespmem:v13+s4+$0x0], $0xffff  }
0x181: {  	v14 =	vld.idx.msk [tilespmem:v14+s4+$0x0], $0xffff  }
0x182: {  	v15 =	vld.idx.msk [tilespmem:v15+s4+$0x0], $0xffff  }
0x183: {  	v18 =	vld.idx.msk [tilespmem:v18+s4+$0x0], $0xffff  }
0x184: {  	v19 =	vld.idx.msk [tilespmem:v19+s4+$0x0], $0xffff  }
0x185: {  	v21 =	vld.idx.msk [tilespmem:v21+s4+$0x0], $0xffff  }
0x186: {  	[tilespmem:v46+s9+$0x0] =	vst.idx.add.f32.msk $0xffff, v22  }
0x187: {  	[tilespmem:v50+s9+$0x0] =	vst.idx.add.f32.msk $0xffff, v13  }
0x188: {  	[tilespmem:v56+s9+$0x0] =	vst.idx.add.f32.msk $0xffff, v14  }
0x189: {  	[tilespmem:v44+s9+$0x0] =	vst.idx.add.f32.msk $0xffff, v15  }
0x18a: {  	[tilespmem:v41+s9+$0x0] =	vst.idx.add.f32.msk $0xffff, v18  }
0x18b: {  	[tilespmem:v42+s9+$0x0] =	vst.idx.add.f32.msk $0xffff, v19  }
0x18c: {  	[tilespmem:v61+s9+$0x0] =	vst.idx.add.f32.msk $0xffff, v21  }
0x18d: {  	v13 =	vld.idx.msk [tilespmem:v20+s4+$0x0], $0xffff  }
0x18e: {  	v2 =	vld.idx.msk [tilespmem:v2+s4+$0x0], $0xffff  }
0x18f: {  	v6 =	vld.idx.msk [tilespmem:v6+s4+$0x0], $0xffff  }
0x190: {  	v7 =	vld.idx.msk [tilespmem:v7+s4+$0x0], $0xffff  }
0x191: {  	v9 =	vld.idx.msk [tilespmem:v9+s4+$0x0], $0xffff  }
0x192: {  	v11 =	vld.idx.msk [tilespmem:v11+s4+$0x0], $0xffff  }
0x193: {  	v12 =	vld.idx.msk [tilespmem:v12+s4+$0x0], $0xffff  }
0x194: {  	[tilespmem:v23+s9+$0x0] =	vst.idx.add.f32.msk $0xffff, v13  }
0x195: {  	[tilespmem:v52+s9+$0x0] =	vst.idx.add.f32.msk $0xffff, v2  }
0x196: {  	[tilespmem:v57+s9+$0x0] =	vst.idx.add.f32.msk $0xffff, v6  }
0x197: {  	[tilespmem:v58+s9+$0x0] =	vst.idx.add.f32.msk $0xffff, v7  }
0x198: {  	[tilespmem:v32+s9+$0x0] =	vst.idx.add.f32.msk $0xffff, v9  }
0x199: {  	[tilespmem:v33+s9+$0x0] =	vst.idx.add.f32.msk $0xffff, v11  }
0x19a: {  	[tilespmem:v62+s9+$0x0] =	vst.idx.add.f32.msk $0xffff, v12  }
0x19b: {  	v2 =	vld.idx.msk [tilespmem:v10+s4+$0x0], $0xffff  }
0x19c: {  	v0 =	vld.idx.msk [tilespmem:v0+s4+$0x0], $0xffff  }
0x19d: {  	v1 =	vld.idx.msk [tilespmem:v1+s4+$0x0], $0xffff  }
0x19e: {  	v4 =	vld.idx.msk [tilespmem:v4+s4+$0x0], $0xffff  }
0x19f: {  	v5 =	vld.idx.msk [tilespmem:v5+s4+$0x0], $0xffff  }
0x1a0: {  	v3 =	vld.idx.msk [tilespmem:v3+s4+$0x0], $0xffff  }
0x1a1: {  	v6 =	vld.idx.msk [tilespmem:v8+s4+$0x0], $0xffff  }
0x1a2: {  	[tilespmem:v16+s9+$0x0] =	vst.idx.add.f32.msk $0xffff, v2  }
0x1a3: {  	[tilespmem:v17+s9+$0x0] =	vst.idx.add.f32.msk $0xffff, v0  }
.Ltmp1:
0x1a4: {  	[tilespmem:v43+s9+$0x0] =	vst.idx.add.f32.msk $0xffff, v1;
	(pc) =	sbr.rel @p0 .LBB2_5-.Ltmp1, $4  }
0x1a5: {  	[tilespmem:v47+s9+$0x0] =	vst.idx.add.f32.msk $0xffff, v4  }
0x1a6: {  	[tilespmem:v35+s9+$0x0] =	vst.idx.add.f32.msk $0xffff, v5  }
0x1a7: {  	[tilespmem:v51+s9+$0x0] =	vst.idx.add.f32.msk $0xffff, v3  }
0x1a8: {  	s20 =	sadd.s32 $0x80, s20;
	[tilespmem:v63+s9+$0x0] =	vst.idx.add.f32.msk $0xffff, v6  }
0x1a9: {  	s17 =	sadd.s32 $0x1, s17  }
0x1aa: {  	p0 =	sne.s32 s17, $0x20  }
.Ltmp2:
0x1ab: {  	_ = 	snop;
	(pc) =	sbr.rel @p0 .LBB2_2-.Ltmp2, $1  }
0x1ac: {  	_ =	sdelay $0x3  }
0x1ad: {  	_ =	swait.ge [sflag:s12], $0x1400  }
0x1ae: {  	[sflag:s12] =	ssyncset.done $0x0  }
0x1af: {  	[sflag:s12] =	ssyncadd.s32 $0xFFFFEC00  }
0x1b0: {  	s16 =	sadd.s32 $0x1, s16;
	_ =	swait.ge [sflag:s12], $0x1400  }
0x1b1: {  	p0 =	sne.s32 s16, s7;
	[sflag:s12] =	ssyncset.done $0x0  }
.Ltmp3:
0x1b2: {  	[sflag:s12] =	ssyncadd.s32 $0xFFFFEC00;
	(pc) =	sbr.rel @p0 .LBB2_1-.Ltmp3, $4  }
0x1b3: {  	[hbm4b:s6+s4] =	stream.linear.scatter [tilespmem:s9], [sflag:$0x3], $0xC800, $0x38;
	[tilespmem:$0x1E000] =	vst v63  }
0x1b4: {  	_ =	swait.ge [sflag:s8], $0xC800  }
0x1b5: {  	[sflag:s8] =	ssyncset.done $0x0  }
0x1b6: {  	[sflag:s8] =	ssyncadd.s32 $0xFFFF3800  }
0x1b7: {  	_ =	sfence.sel $0x180000  }
0x1b8: {  	[bflag:$0x0] =	sbarrier.arrive $0xFFFF  }
0x1b9: {  	p0 =	sne.s32 s1, $0x0;
	_ =	strace $0x9000004A  }
0x1ba: {  	s0 =	sadd.s32 @!p0 $0x100000, s0;
	[bflag:$0x2] =	sbarrier.arrive $0xFFFF  }
0x1bb: {  	[sflag:s0] =	ssyncadd.tile.s32 @!p0 $0x1;
	_ =	shalt  }
.Lfunc_end2:
_tile_overlayer_lowered:
.L_overlay_start_2:
0x1bc: {  	(tag) =	ssettag $0x2  }
0x1bd: {  	s0 =	rddreg [dreg:$0x0];
	s2 =	stileid.u32  }
0x1be: {  	s1 =	rddreg [dreg:$0x1];
	p0 =	sne.s32 s2, $0x0  }
0x1bf: {  	s3 =	rddreg [dreg:$0x2];
	[bflag:$0x3] =	sbarrier.arrive $0xFFFF;
	s2 =	simm.s32 @!p0 $0x1C03  }
0x1c0: {  	[timem:s3], [sflag:s2] =	dma.local @!p0 [hbm:s0], s1  }
0x1c1: {  	s0 =	simm.s32 @!p0 $0x3  }
0x1c2: {  	_ =	swait.ge @!p0 [sflag:s0], s1  }
0x1c3: {  	s1 =	ssub.s32 @!p0 $0x0, s1;
	[sflag:s0] =	ssyncset.done @!p0 $0x0  }
0x1c4: {  	[sflag:s0] =	ssyncadd.s32 @!p0 s1  }
0x1c5: {  	[bflag:$0x3] =	sbarrier.arrive $0xFFFF  }
0x1c6: {  	_ =	shalt  }

// kernel: kernel.15.cloned.1.call-start
scs
__scs_entry_jumppad:
0x0: {  	(pc) =	sbr.rel $0x88, $3  }
0x1: {  	(tag) =	ssettag $0x0;
	lr =	simm.s32 $0x1  }
0x2: {  	[smem:$0x3F98] =	sst lr;
	_ =	strace $0xD0000000  }
0x3: {  	_ = 	snop  }
0x4: {  	_ = 	snop  }
0x5: {  	_ = 	snop  }
0x6: {  	_ = 	snop  }
0x7: {  	_ = 	snop  }
__scs_overlays_trampoline_lowered:
0x8: {  	[smem:$0x3FA7] =	sst s0  }
0x9: {  	[smem:$0x3FA8] =	sst s1  }
0xa: {  	[smem:$0x3FA9] =	sst s2  }
0xb: {  	[smem:$0x3FAA] =	sst s3  }
0xc: {  	[smem:$0x3FAB] =	sst s4  }
0xd: {  	[smem:$0x3FAC] =	sst s5  }
0xe: {  	[smem:$0x3FAD] =	sst s6  }
0xf: {  	[smem:$0x3FAE] =	sst s7  }
0x10: {  	[smem:$0x3FAF] =	sst s8  }
0x11: {  	[smem:$0x3FB0] =	sst s9;
	s0 =	simm.s32 @!p0 $0x0  }
0x12: {  	s1 =	sld [smem:$0x3F96];
	s0 =	simm.s32 @p0 $0x1  }
0x13: {  	[smem:$0x3FB1] =	sst s0;
	s0 =	simm.s32 @!p1 $0x0  }
0x14: {  	s2 =	sld [smem:$0x3F95];
	s0 =	simm.s32 @p1 $0x1  }
0x15: {  	[smem:$0x3FB2] =	sst s0;
	s0 =	simm.s32 @!p2 $0x0  }
0x16: {  	s3 =	sld [smem:$0x3FDB];
	s0 =	simm.s32 @p2 $0x1  }
0x17: {  	s4 =	simm.s32 $0x1BF5;
	[smem:$0x3FB4] =	sst s0  }
0x18: {  	s0 =	sld [smem:$0x3F97];
	_ =	swait.ge [sflag:s4], $0x0  }
0x19: {  	s7 =	sld [smem:$0x3F98]  }
0x1a: {  	s8 =	sadd.s32 $0xFFFFE003, lr  }
0x1b: {  	s9 =	sadd.s32 $0xFFFFFEF7, lr;
	s5 =	simm.s32 $0xFFFFFFFF;
	p2 =	slt.u32 s8, $0xFFFFF086  }
0x1c: {  	p1 =	slt.u32 s9, $0xF7A;
	s5 =	simm.s32 @!p2 $0x0  }
0x1d: {  	s5 =	simm.s32 @p1 $0x1;
	p0 =	seq.s32 s7, s2  }
0x1e: {  	s7 =	smul.u32 @!p0 $0xF7A, s2;
	p2 =	seq.s32 @!p0 s5, $0x0  }
0x1f: {  	s9 =	smul.u32 $0xF7A, s1;
	s8 =	simm.s32 @!p0 $0x1BF5;
	p2 =	por !p2, p0  }
0x20: {  	[sflag:s8] =	ssyncset.s32 @!p0 $0xFFFFF086;
	s6 =	sadd.s32 @!p0 s3, s7;
	s7 =	simm.s32 @!p0 $0x108  }
0x21: {  	s3 =	sadd.s32 s3, s9;
	s6 =	sadd.s32 @!p0 $0x88, s6;
	s7 =	simm.s32 @p2 $0x1082  }
0x22: {  	[simem:s7], [sflag:s8] =	dma.local @!p0 [hbm:s6], $0xF7A  }
0x23: {  	s9 =	sor.u32 $0xD0000000, s2;
	s6 =	simm.s32 $0x108;
	_ =	swait.ge @!p0 [sflag:s8], $0x0  }
0x24: {  	s3 =	sadd.s32 $0x88, s3;
	s6 =	simm.s32 @!p1 $0x1082;
	[sflag:s4] =	ssyncset.s32 $0xFFFFF086  }
0x25: {  	[simem:s6], [sflag:s4] =	dma.local [hbm:s3], $0xF7A  }
0x26: {  	[smem:$0x3F98] =	sst s1;
	(tag) =	ssettag s2;
	_ =	strace s9  }
0x27: {  	s1 =	sld [smem:$0x3FA8]  }
0x28: {  	s2 =	sld [smem:$0x3FA9]  }
0x29: {  	s4 =	sld [smem:$0x3FAB]  }
0x2a: {  	p0 =	seq.s32 s5, $0x0;
	s5 =	sld [smem:$0x3FAC]  }
0x2b: {  	s6 =	sld [smem:$0x3FAD]  }
0x2c: {  	s7 =	sld [smem:$0x3FAE]  }
0x2d: {  	s3 =	simm.s32 $0x108;
	s8 =	sld [smem:$0x3FAF]  }
0x2e: {  	s3 =	simm.s32 @!p0 $0x1082;
	s9 =	sld [smem:$0x3FB0]  }
0x2f: {  	lr =	sadd.s32 s0, s3;
	s0 =	sld [smem:$0x3FA7]  }
0x30: {  	s3 =	sld [smem:$0x3FAA]  }
0x31: {  	[smem:$0x3FB3] =	sst s10  }
0x32: {  	s10 =	sld [smem:$0x3FB1];
	_ =	sdelay $0x3  }
0x33: {  	p0 =	seq.s32 s10, $0x1;
	s10 =	sld [smem:$0x3FB3];
	_ =	sdelay $0x3  }
0x34: {  	[smem:$0x3FB3] =	sst s10  }
0x35: {  	s10 =	sld [smem:$0x3FB2];
	_ =	sdelay $0x3  }
0x36: {  	p1 =	seq.s32 s10, $0x1;
	s10 =	sld [smem:$0x3FB3];
	_ =	sdelay $0x3  }
0x37: {  	[smem:$0x3FB3] =	sst s10  }
0x38: {  	s10 =	sld [smem:$0x3FB4]  }
0x39: {  	_ = 	snop;
	(pc) =	sbr.ind lr, $3  }
0x3a: {  	_ = 	snop  }
0x3b: {  	_ = 	snop  }
0x3c: {  	p2 =	seq.s32 s10, $0x1;
	s10 =	sld [smem:$0x3FB3]  }
0x3d: {  	_ =	shalt  }
0x3e: {  	_ =	shalt  }
0x3f: {  	_ =	shalt  }
0x40: {  	_ =	shalt  }
0x41: {  	_ =	shalt  }
0x42: {  	_ =	shalt  }
0x43: {  	_ =	shalt  }
0x44: {  	_ =	shalt  }
0x45: {  	_ =	shalt  }
0x46: {  	_ =	shalt  }
0x47: {  	_ =	shalt  }
0x48: {  	_ =	shalt  }
0x49: {  	_ =	shalt  }
0x4a: {  	_ =	shalt  }
0x4b: {  	_ =	shalt  }
0x4c: {  	_ =	shalt  }
0x4d: {  	_ =	shalt  }
0x4e: {  	_ =	shalt  }
0x4f: {  	_ =	shalt  }
0x50: {  	_ =	shalt  }
0x51: {  	_ =	shalt  }
0x52: {  	_ =	shalt  }
0x53: {  	_ =	shalt  }
0x54: {  	_ =	shalt  }
0x55: {  	_ =	shalt  }
0x56: {  	_ =	shalt  }
0x57: {  	_ =	shalt  }
0x58: {  	_ =	shalt  }
0x59: {  	_ =	shalt  }
0x5a: {  	_ =	shalt  }
0x5b: {  	_ =	shalt  }
0x5c: {  	_ =	shalt  }
0x5d: {  	_ =	shalt  }
0x5e: {  	_ =	shalt  }
0x5f: {  	_ =	shalt  }
0x60: {  	_ =	shalt  }
0x61: {  	_ =	shalt  }
0x62: {  	_ =	shalt  }
0x63: {  	_ =	shalt  }
0x64: {  	_ =	shalt  }
0x65: {  	_ =	shalt  }
0x66: {  	_ =	shalt  }
0x67: {  	_ =	shalt  }
0x68: {  	_ =	shalt  }
0x69: {  	_ =	shalt  }
0x6a: {  	_ =	shalt  }
0x6b: {  	_ =	shalt  }
0x6c: {  	_ =	shalt  }
0x6d: {  	_ =	shalt  }
0x6e: {  	_ =	shalt  }
0x6f: {  	_ =	shalt  }
0x70: {  	_ =	shalt  }
0x71: {  	_ =	shalt  }
0x72: {  	_ =	shalt  }
0x73: {  	_ =	shalt  }
0x74: {  	_ =	shalt  }
0x75: {  	_ =	shalt  }
0x76: {  	_ =	shalt  }
0x77: {  	_ =	shalt  }
0x78: {  	_ =	shalt  }
0x79: {  	_ =	shalt  }
0x7a: {  	_ =	shalt  }
0x7b: {  	_ =	shalt  }
0x7c: {  	_ =	shalt  }
0x7d: {  	_ =	shalt  }
0x7e: {  	_ =	shalt  }
0x7f: {  	_ =	shalt  }
0x80: {  	_ =	shalt  }
0x81: {  	_ =	shalt  }
0x82: {  	_ =	shalt  }
0x83: {  	_ =	shalt  }
0x84: {  	_ =	shalt  }
0x85: {  	_ =	shalt  }
0x86: {  	_ =	shalt  }
0x87: {  	_ =	shalt  }
.Lfunc_end0:
.L_simem_size_0:
called_computation.2_lowered:
.L_overlay_start_0:
0x88: {  	s2 =	sld [smem:$0x3FD9]  }
0x89: {  	s3 =	sld [smem:$0x3FFE];
	_ =	sdelay $0x1  }
0x8a: {  	s1 =	srdreg.scid  }
0x8b: {  	s0 =	sand.u32 $0x1, s1  }
0x8c: {  	s15 =	sshll.u32 s0, $0xA;
	s2 =	sadd.s32 s3, s2  }
0x8d: {  	s2 =	sadd.s32 s2, s15  }
0x8e: {  	[smem:$0x3FBF] =	sst s2  }
0x8f: {  	_ = 	snop  }
0x90: {  	s2 =	sld [smem:$0x3FD0];
	_ =	sdelay $0x2  }
0x91: {  	s4 =	simm.s32 $0xB;
	s16 =	simm.s32 $0x10  }
0x92: {  	[smem:s16], [sflag:s4] =	dma.local [hbm:s2], $0x1  }
0x93: {  	_ =	swait.eq [sflag:s4], $0x1  }
0x94: {  	[sflag:s4] =	ssyncset.done $0x0  }
0x95: {  	s17 =	sld [smem:$0x10];
	[sflag:s4] =	ssyncadd.s32 $0xFFFFFFFF  }
0x96: {  	s18 =	sld [smem:$0x11];
	(tm) =	ssettm $0x1  }
0x97: {  	s19 =	sld [smem:$0x3FFB];
	_ =	sdelay $0x3  }
0x98: {  	_ =	strace s19  }
0x99: {  	s2 =	sld [smem:$0x3FFC];
	_ =	sdelay $0x3  }
0x9a: {  	_ =	strace s2  }
0x9b: {  	s2 =	sld [smem:$0x3FFD];
	_ =	sdelay $0x3  }
0x9c: {  	_ =	strace s2  }
0x9d: {  	_ =	strace $0x8FFFFFFF  }
0x9e: {  	s20 =	sld [smem:$0x3FDB];
	_ =	sdelay $0x1  }
0x9f: {  	s5 =	simm.s32 $_scs_section_size  }
0xa0: {  	s6 =	simm.s32 $_size__tile_overlayer_lowered;
	s7 =	simm.s32 $_tile_overlayer_lowered  }
0xa1: {  	s8 =	simm.s32 $0x1BFF;
	s21 =	sshll.u32 s7, $0x1;
	s5 =	sadd.s32 s5, s20  }
0xa2: {  	s22 =	simm.s32 $0x0;
	s6 =	sshll.u32 s6, $0x1;
	s7 =	sadd.s32 s21, s5  }
0xa3: {  	[timem:s22], [sflag:s8] =	dma.local [hbm:s7], s6  }
0xa4: {  	_ =	swait.ge [sflag:s8], s6  }
0xa5: {  	s6 =	ssub.s32 $0x0, s6;
	[sflag:s8] =	ssyncset.done $0x0  }
0xa6: {  	[sflag:s8] =	ssyncadd.s32 s6;
	_ =	sdelay $0x1  }
0xa7: {  	s23 =	simm.s32 $0x1B8B  }
0xa8: {  	_ =	swait.ge [sflag:s23], $0x1  }
0xa9: {  	[sflag:s23] =	ssyncset.done $0x0  }
0xaa: {  	[sflag:s23] =	ssyncadd.s32 $0xFFFFFFFF  }
0xab: {  	s6 =	sld [smem:$0x0]  }
0xac: {  	s7 =	sand.u32 $0xFFFFFFFE, s1  }
0xad: {  	p0 =	sne.s32 s1, s7  }
0xae: {  	s7 =	sshll.u32 @p0 s7, $0xE  }
0xaf: {  	s7 =	sadd.s32 @p0 $0x11B8D, s7;
	s8 =	sshll.u32 @p0 s6, $0x11  }
0xb0: {  	s7 =	sor.u32 @p0 s8, s7  }
0xb1: {  	[sflag:s7] =	ssyncadd.remote.s32 @p0 $0x1;
	_ =	sdelay $0x1  }
0xb2: {  	s7 =	simm.s32 @p0 $0x1B8D  }
0xb3: {  	_ =	swait.eq @p0 [sflag:s7], $0x1  }
0xb4: {  	[sflag:s7] =	ssyncadd.s32 @p0 $0xFFFFFFFF  }
0xb5: {  	s8 =	sshll.u32 @!p0 s1, $0xE  }
0xb6: {  	s8 =	sor.u32 @!p0 $0x4000, s8;
	s7 =	simm.s32 @!p0 $0x1B8D  }
0xb7: {  	s6 =	sshll.u32 @!p0 s6, $0x11;
	s8 =	sadd.s32 @!p0 $0x11B8D, s8;
	_ =	swait.eq @!p0 [sflag:s7], $0x1  }
0xb8: {  	s6 =	sor.u32 @!p0 s6, s8;
	[sflag:s7] =	ssyncadd.s32 @!p0 $0xFFFFFFFF  }
0xb9: {  	s25 =	simm.s32 $0x1B8E;
	s24 =	sld [smem:$0x3FFE];
	[sflag:s6] =	ssyncadd.remote.s32 @!p0 $0x1  }
0xba: {  	s26 =	simm.s32 $execute0_lowered;
	[smem:$0x3FD2] =	sst s25  }
0xbb: {  	s7 =	sshll.u32 s26, $0x1;
	_ =	strace $0x8000004F;
	[dreg:$0x1] =	wrdreg $0xFFFFFFFF  }
0xbc: {  	s28 =	simm.s32 $_size_execute0_lowered;
	s5 =	sadd.s32 s5, s7;
	[dreg:$0x0] =	wrdreg $0x0  }
0xbd: {  	s7 =	sshll.u32 s28, $0x1;
	[dreg:$0x2] =	wrdreg s5  }
0xbe: {  	[dreg:$0x3] =	wrdreg s7  }
0xbf: {  	[dreg:$0x4] =	wrdreg $0xC0  }
0xc0: {  	_ =	task [dreg:s22], $0x5FFFF  }
0xc1: {  	[dreg:$0x1] =	wrdreg $0xFFFFFFFF  }
0xc2: {  	[dreg:$0x0] =	wrdreg $0x60  }
0xc3: {  	[dreg:$0x2] =	wrdreg s24  }
0xc4: {  	[dreg:$0x3] =	wrdreg s17  }
0xc5: {  	[dreg:$0x4] =	wrdreg s18  }
0xc6: {  	[dreg:$0x5] =	wrdreg $0x9  }
0xc7: {  	_ =	task.clear_ibuf [dreg:s22], $0x6FFFF;
	_ =	strace $0x9000004F  }
0xc8: {  	s29 =	simm.s32 $0x9;
	_ =	strace $0x80000051  }
0xc9: {  	_ =	swait.ge [sflag:s29], $0x1  }
0xca: {  	[sflag:s29] =	ssyncadd.s32 $0xFFFFFFFF  }
0xcb: {  	_ =	strace $0x90000051  }
0xcc: {  	_ =	sfence  }
0xcd: {  	s30 =	sld [smem:$0x0];
	_ =	sdelay $0x2  }
0xce: {  	s31 =	sshll.u32 s1, $0xD;
	s1 =	sshrl.u32 s1, $0x2  }
0xcf: {  	s4 =	sand.u32 $0x4000, s31;
	s1 =	sadd.s32 s1, s30  }
0xd0: {  	s0 =	sor.u32 s4, s0;
	s1 =	sshll.u32 s1, $0x11  }
0xd1: {  	s0 =	sor.u32 s1, s0  }
0xd2: {  	s0 =	sadd.s32 $0x8F2B, s0  }
0xd3: {  	[sflag:s0] =	ssyncadd.remote.s32 $0x1  }
0xd4: {  	_ =	sfence.sel $0xFFFF  }
0xd5: {  	[dreg:$0x0] =	wrdreg $0xFFFFFFFF;
	(pc) =	sbr.abs _section_cstart, $3  }
0xd6: {  	[dreg:$0x1] =	wrdreg $0xFFFFFFFF  }
0xd7: {  	_ =	task.clear_ibuf [dreg:s22], $0x2FFFF;
	_ =	strace $0x9FFFFFFF  }
0xd8: {  	(tm) =	ssettm $0x7FFFFFFF  }
0xd9: {  	_ =	shalt  }
tec
execute0_lowered:
.L_overlay_start_1:
0x0: {  	(tag) =	ssettag $0x1  }
0x1: {  	s5 =	rddreg [dreg:$0x0]  }
0x2: {  	s0 =	srdreg.scid;
	s2 =	rddreg [dreg:$0x1]  }
0x3: {  	s3 =	rddreg [dreg:$0x2];
	s1 =	stileid.u32  }
0x4: {  	s9 =	simm.s32 $0xA000;
	s10 =	simm.s32 $0x14000;
	s6 =	sand.u32 $0x1, s0  }
0x5: {  	s11 =	simm.s32 $0x15400;
	s12 =	simm.s32 $0x1;
	s4 =	sshll.u32 s6, $0x4  }
0x6: {  	s13 =	simm.s32 $0x16800;
	s14 =	simm.s32 $0x17C00;
	s7 =	sor.u32 s1, s4  }
0x7: {  	s15 =	simm.s32 $0x2;
	s16 =	simm.s32 $0x0;
	s7 =	smul.u32 $0x1400, s7  }
0x8: {  	s0 =	rddreg [dreg:$0x3];
	s6 =	ssub.s32 $0x2, s6;
	s4 =	simm.s32 $0x0  }
0x9: {  	s8 =	sshrl.u32 s6, $0x1;
	[smem:$0x7FF] =	sst s4;
	s7 =	sadd.s32 s7, s5  }
0xa: {  	s8 =	ssub.s32 s6, s8;
	_ =	strace $0x80000050;
	s5 =	sadd.s32 $0x1A00, s7  }
0xb: {  	s6 =	sadd.s32 $0x79A00, s7;
	s7 =	smax.u32 s8, $0x1;
	s8 =	simm.s32 $0x3  }
.LBB2_1:
0xc: {  	[tilespmem:s4], [sflag:$0x3] =	stream.linear.gather [hbm4b:s5+s4], $0xA000, $0x38;
	[tilespmem:$0x19000] =	vst v63  }
0xd: {  	_ =	swait.ge [sflag:s8], $0xA000  }
0xe: {  	[sflag:s8] =	ssyncset.done $0x0  }
0xf: {  	[sflag:s8] =	ssyncadd.s32 $0xFFFF6000  }
0x10: {  	[tilespmem:s9], [sflag:$0x3] =	stream.linear.gather [hbm4b:s5+s4], $0xA000, $0x38;
	[tilespmem:$0x19000] =	vst v63  }
0x11: {  	_ =	swait.ge [sflag:s8], $0xA000  }
0x12: {  	[sflag:s8] =	ssyncset.done $0x0  }
0x13: {  	[sflag:s8] =	ssyncadd.s32 $0xFFFF6000  }
0x14: {  	[tilespmem:s10], [sflag:$0x1] =	stream.linear.gather [hbm4b:s2+s4], $0x1400, $0x38;
	[tilespmem:$0x19000] =	vst v63  }
0x15: {  	s17 =	simm.s32 $0x0  }
0x16: {  	[tilespmem:s11], [sflag:$0x1] =	stream.linear.gather [hbm4b:s3+s4], $0x1400, $0x38;
	[tilespmem:$0x19000] =	vst v63  }
.LBB2_2:
0x17: {  	_ =	swait.ge [sflag:s12], $0x1400  }
0x18: {  	s18 =	smul.u32 $0x2800, s17;
	[sflag:s12] =	ssyncset.done $0x0  }
0x19: {  	[sflag:s12] =	ssyncadd.s32 $0xFFFFEC00  }
0x1a: {  	s18 =	sshrl.u32 s18, $0x3;
	_ =	swait.ge [sflag:s12], $0x1400  }
0x1b: {  	s18 =	sadd.s32 $0x280, s18;
	[sflag:s12] =	ssyncset.done $0x0  }
0x1c: {  	s19 =	sadd.s32 s2, s18;
	[sflag:s12] =	ssyncadd.s32 $0xFFFFEC00  }
0x1d: {  	[tilespmem:s13], [sflag:$0x2] =	stream.linear.gather [hbm4b:s19+s4], $0x1400, $0x38;
	[tilespmem:$0x19000] =	vst v63  }
0x1e: {  	s31 =	simm.s32 $0x14040;
	s18 =	sadd.s32 s3, s18  }
0x1f: {  	[tilespmem:s14], [sflag:$0x2] =	stream.linear.gather [hbm4b:s18+s4], $0x1400, $0x38;
	[tilespmem:$0x19000] =	vst v63  }
0x20: {  	v0 =	vld [tilespmem:s31+$0x30]  }
0x21: {  	v1 =	vld [tilespmem:s31+$0xFFFFFFD0]  }
0x22: {  	v2 =	vld [tilespmem:s31+$0xFFFFFFE0]  }
0x23: {  	v3 =	vld [tilespmem:s31+$0xFFFFFFF0]  }
0x24: {  	v4 =	vld [tilespmem:s31+$0x0]  }
0x25: {  	s18 =	simm.s32 $0x15440;
	v5 =	vld [tilespmem:s31+$0x10]  }
0x26: {  	v6 =	vld [tilespmem:s18+$0x30]  }
0x27: {  	v7 =	vld [tilespmem:s31+$0x20]  }
0x28: {  	v9 =	vld [tilespmem:s31+$0xFFFFFFC0]  }
0x29: {  	v19 =	vld [tilespmem:s18+$0xFFFFFFC0]  }
0x2a: {  	v20 =	vld [tilespmem:s18+$0xFFFFFFD0]  }
0x2b: {  	v62 =	vld [tilespmem:s18+$0xFFFFFFE0]  }
0x2c: {  	v21 =	vld [tilespmem:s18+$0xFFFFFFF0]  }
0x2d: {  	v22 =	vld [tilespmem:s18+$0x0]  }
0x2e: {  	v23 =	vld [tilespmem:s18+$0x10]  }
0x2f: {  	v24 =	vld [tilespmem:s18+$0x20]  }
0x30: {  	v8 =	vld.idx.msk [tilespmem:v0+s4+$0x0], $0xffff  }
0x31: {  	v10 =	vld.idx.msk [tilespmem:v1+s4+$0x0], $0xffff  }
0x32: {  	v12 =	vld.idx.msk [tilespmem:v2+s4+$0x0], $0xffff  }
0x33: {  	v13 =	vld.idx.msk [tilespmem:v3+s4+$0x0], $0xffff  }
0x34: {  	v16 =	vld.idx.msk [tilespmem:v9+s4+$0x0], $0xffff  }
0x35: {  	v14 =	vld.idx.msk [tilespmem:v4+s4+$0x0], $0xffff  }
0x36: {  	v61 =	vld.idx.msk [tilespmem:v5+s4+$0x0], $0xffff  }
0x37: {  	v18 =	vld.idx.msk [tilespmem:v7+s4+$0x0], $0xffff  }
0x38: {  	[tilespmem:v6+s9+$0x0] =	vst.idx.add.f32.msk $0xffff, v8  }
0x39: {  	[tilespmem:v19+s9+$0x0] =	vst.idx.add.f32.msk $0xffff, v16  }
0x3a: {  	[tilespmem:v20+s9+$0x0] =	vst.idx.add.f32.msk $0xffff, v10  }
0x3b: {  	v11 =	vadd.s32 $0x2800, v0;
	[tilespmem:v62+s9+$0x0] =	vst.idx.add.f32.msk $0xffff, v12  }
0x3c: {  	v25 =	vadd.s32 $0x2800, v1;
	[tilespmem:v21+s9+$0x0] =	vst.idx.add.f32.msk $0xffff, v13  }
0x3d: {  	v26 =	vadd.s32 $0x2800, v2;
	[tilespmem:v22+s9+$0x0] =	vst.idx.add.f32.msk $0xffff, v14  }
0x3e: {  	v29 =	vadd.s32 $0x2800, v5;
	[tilespmem:v23+s9+$0x0] =	vst.idx.add.f32.msk $0xffff, v61  }
0x3f: {  	v30 =	vadd.s32 $0x2800, v7;
	[tilespmem:v24+s9+$0x0] =	vst.idx.add.f32.msk $0xffff, v18  }
0x40: {  	v15 =	vadd.s32 $0x2800, v6;
	v8 =	vld.idx.msk [tilespmem:v11+s4+$0x0], $0xffff  }
0x41: {  	v17 =	vadd.s32 $0x5000, v0;
	v10 =	vld.idx.msk [tilespmem:v25+s4+$0x0], $0xffff  }
0x42: {  	v32 =	vadd.s32 $0x2800, v20;
	v12 =	vld.idx.msk [tilespmem:v26+s4+$0x0], $0xffff  }
0x43: {  	v33 =	vadd.s32 $0x2800, v62;
	v11 =	vld.idx.msk [tilespmem:v29+s4+$0x0], $0xffff  }
0x44: {  	v13 =	vld.idx.msk [tilespmem:v30+s4+$0x0], $0xffff;
	v26 =	vadd.s32 $0x2800, v23  }
0x45: {  	v37 =	vadd.s32 $0x5000, v1;
	[tilespmem:v15+s9+$0x0] =	vst.idx.add.f32.msk $0xffff, v8  }
0x46: {  	v63 =	vadd.s32 $0x5000, v6;
	v8 =	vld.idx.msk [tilespmem:v17+s4+$0x0], $0xffff  }
0x47: {  	[tilespmem:v32+s9+$0x0] =	vst.idx.add.f32.msk $0xffff, v10;
	v17 =	vadd.s32 $0x2800, v9  }
0x48: {  	v35 =	vadd.s32 $0x2800, v24;
	[tilespmem:v33+s9+$0x0] =	vst.idx.add.f32.msk $0xffff, v12  }
0x49: {  	v0 =	vadd.s32 $0x7800, v0;
	[tilespmem:v26+s9+$0x0] =	vst.idx.add.f32.msk $0xffff, v11  }
0x4a: {  	v42 =	vadd.s32 $0x5000, v7;
	v12 =	vld.idx.msk [tilespmem:v37+s4+$0x0], $0xffff  }
0x4b: {  	v44 =	vadd.s32 $0x5000, v20;
	[tilespmem:v63+s9+$0x0] =	vst.idx.add.f32.msk $0xffff, v8  }
0x4c: {  	v31 =	vadd.s32 $0x2800, v19;
	v8 =	vld.idx.msk [tilespmem:v17+s4+$0x0], $0xffff  }
0x4d: {  	v41 =	vadd.s32 $0x5000, v5;
	[tilespmem:v35+s9+$0x0] =	vst.idx.add.f32.msk $0xffff, v13  }
0x4e: {  	v6 =	vadd.s32 $0x7800, v6;
	v0 =	vld.idx.msk [tilespmem:v0+s4+$0x0], $0xffff  }
0x4f: {  	v27 =	vadd.s32 $0x2800, v3;
	v13 =	vld.idx.msk [tilespmem:v42+s4+$0x0], $0xffff  }
0x50: {  	v28 =	vadd.s32 $0x2800, v4;
	[tilespmem:v44+s9+$0x0] =	vst.idx.add.f32.msk $0xffff, v12  }
0x51: {  	v49 =	vadd.s32 $0x5000, v24;
	[tilespmem:v31+s9+$0x0] =	vst.idx.add.f32.msk $0xffff, v8  }
0x52: {  	v36 =	vadd.s32 $0x5000, v9;
	v8 =	vld.idx.msk [tilespmem:v41+s4+$0x0], $0xffff  }
0x53: {  	v48 =	vadd.s32 $0x5000, v23;
	[tilespmem:v6+s9+$0x0] =	vst.idx.add.f32.msk $0xffff, v0  }
0x54: {  	v34 =	vadd.s32 $0x2800, v21;
	v0 =	vld.idx.msk [tilespmem:v27+s4+$0x0], $0xffff  }
0x55: {  	v25 =	vadd.s32 $0x2800, v22;
	v6 =	vld.idx.msk [tilespmem:v28+s4+$0x0], $0xffff  }
0x56: {  	v38 =	vadd.s32 $0x5000, v2;
	[tilespmem:v49+s9+$0x0] =	vst.idx.add.f32.msk $0xffff, v13  }
0x57: {  	v43 =	vadd.s32 $0x5000, v19;
	v10 =	vld.idx.msk [tilespmem:v36+s4+$0x0], $0xffff  }
0x58: {  	v54 =	vadd.s32 $0x7800, v5;
	[tilespmem:v48+s9+$0x0] =	vst.idx.add.f32.msk $0xffff, v8  }
0x59: {  	v39 =	vadd.s32 $0x5000, v3;
	[tilespmem:v34+s9+$0x0] =	vst.idx.add.f32.msk $0xffff, v0  }
0x5a: {  	v40 =	vadd.s32 $0x5000, v4;
	[tilespmem:v25+s9+$0x0] =	vst.idx.add.f32.msk $0xffff, v6  }
0x5b: {  	v9 =	vadd.s32 $0x7800, v9;
	v0 =	vld.idx.msk [tilespmem:v38+s4+$0x0], $0xffff  }
0x5c: {  	v45 =	vadd.s32 $0x5000, v62;
	[tilespmem:v43+s9+$0x0] =	vst.idx.add.f32.msk $0xffff, v10  }
0x5d: {  	v50 =	vadd.s32 $0x7800, v1;
	v53 =	vadd.s32 $0x7800, v4;
	v4 =	vld.idx.msk [tilespmem:v54+s4+$0x0], $0xffff  }
0x5e: {  	v59 =	vadd.s32 $0x7800, v62;
	v62 =	vadd.s32 $0x7800, v23;
	v6 =	vld.idx.msk [tilespmem:v39+s4+$0x0], $0xffff  }
0x5f: {  	v46 =	vadd.s32 $0x5000, v21;
	v11 =	vld.idx.msk [tilespmem:v40+s4+$0x0], $0xffff  }
0x60: {  	v47 =	vadd.s32 $0x5000, v22;
	v55 =	vld.idx.msk [tilespmem:v9+s4+$0x0], $0xffff  }
0x61: {  	v51 =	vadd.s32 $0x7800, v2;
	[tilespmem:v45+s9+$0x0] =	vst.idx.add.f32.msk $0xffff, v0  }
0x62: {  	v56 =	vadd.s32 $0x7800, v7;
	v0 =	vld.idx.msk [tilespmem:v50+s4+$0x0], $0xffff  }
0x63: {  	v57 =	vadd.s32 $0x7800, v19;
	[tilespmem:v62+s9+$0x0] =	vst.idx.add.f32.msk $0xffff, v4  }
0x64: {  	v52 =	vadd.s32 $0x7800, v3;
	[tilespmem:v46+s9+$0x0] =	vst.idx.add.f32.msk $0xffff, v6  }
0x65: {  	[tilespmem:v47+s9+$0x0] =	vst.idx.add.f32.msk $0xffff, v11  }
0x66: {  	v58 =	vadd.s32 $0x7800, v20;
	v1 =	vld.idx.msk [tilespmem:v51+s4+$0x0], $0xffff  }
0x67: {  	v6 =	vld.idx.msk [tilespmem:v56+s4+$0x0], $0xffff  }
0x68: {  	v63 =	vadd.s32 $0x7800, v24;
	[tilespmem:v57+s9+$0x0] =	vst.idx.add.f32.msk $0xffff, v55  }
0x69: {  	v60 =	vadd.s32 $0x7800, v21;
	v2 =	vld.idx.msk [tilespmem:v52+s4+$0x0], $0xffff  }
0x6a: {  	v61 =	vadd.s32 $0x7800, v22;
	v3 =	vld.idx.msk [tilespmem:v53+s4+$0x0], $0xffff  }
0x6b: {  	[tilespmem:v58+s9+$0x0] =	vst.idx.add.f32.msk $0xffff, v0  }
0x6c: {  	[tilespmem:v59+s9+$0x0] =	vst.idx.add.f32.msk $0xffff, v1  }
0x6d: {  	[tilespmem:v63+s9+$0x0] =	vst.idx.add.f32.msk $0xffff, v6  }
0x6e: {  	[tilespmem:v60+s9+$0x0] =	vst.idx.add.f32.msk $0xffff, v2  }
0x6f: {  	s20 =	simm.s32 $0x140C0;
	s19 =	simm.s32 $0x0;
	[tilespmem:v61+s9+$0x0] =	vst.idx.add.f32.msk $0xffff, v3  }
.LBB2_3:
0x70: {  	v11 =	vld [tilespmem:s20+$0x30];
	s19 =	sadd.s32 $0x8, s19  }
0x71: {  	v4 =	vld [tilespmem:s20+$0xFFFFFFD0];
	p0 =	slt.u32 s19, $0x138  }
0x72: {  	v5 =	vld [tilespmem:s20+$0xFFFFFFE0]  }
0x73: {  	v9 =	vld [tilespmem:s20+$0xFFFFFFF0]  }
0x74: {  	v12 =	vld [tilespmem:s20+$0x0]  }
0x75: {  	s18 =	sadd.s32 $0x80, s18;
	v13 =	vld [tilespmem:s20+$0x10]  }
0x76: {  	v14 =	vadd.s32 $0x2800, v4;
	v6 =	vadd.s32 $0x5000, v4;
	v0 =	vadd.s32 $0x7800, v4;
	v15 =	vld [tilespmem:s18+$0x30]  }
0x77: {  	v16 =	vadd.s32 $0x2800, v5;
	v7 =	vadd.s32 $0x5000, v5;
	v1 =	vadd.s32 $0x7800, v5;
	v17 =	vld [tilespmem:s20+$0x20]  }
0x78: {  	v18 =	vadd.s32 $0x2800, v9;
	v8 =	vadd.s32 $0x5000, v9;
	v2 =	vadd.s32 $0x7800, v9;
	v19 =	vld.idx.msk [tilespmem:v11+s4+$0x0], $0xffff  }
0x79: {  	v20 =	vld [tilespmem:s20+$0xFFFFFFC0];
	v21 =	vadd.s32 $0x2800, v12;
	v10 =	vadd.s32 $0x5000, v12;
	v3 =	vadd.s32 $0x7800, v12  }
0x7a: {  	v25 =	vadd.s32 $0x2800, v11;
	v22 =	vld.idx.msk [tilespmem:v4+s4+$0x0], $0xffff;
	v23 =	vadd.s32 $0x2800, v13;
	v24 =	vadd.s32 $0x5000, v13  }
0x7b: {  	v4 =	vadd.s32 $0x7800, v13;
	v26 =	vld.idx.msk [tilespmem:v5+s4+$0x0], $0xffff  }
0x7c: {  	v27 =	vld.idx.msk [tilespmem:v9+s4+$0x0], $0xffff;
	v28 =	vadd.s32 $0x2800, v17;
	v29 =	vadd.s32 $0x5000, v17;
	v5 =	vadd.s32 $0x7800, v17  }
0x7d: {  	v12 =	vld.idx.msk [tilespmem:v12+s4+$0x0], $0xffff  }
0x7e: {  	v30 =	vadd.s32 $0x2800, v20;
	v31 =	vadd.s32 $0x5000, v20;
	v9 =	vadd.s32 $0x7800, v20;
	[tilespmem:v15+s9+$0x0] =	vst.idx.add.f32.msk $0xffff, v19  }
0x7f: {  	v19 =	vld.idx.msk [tilespmem:v25+s4+$0x0], $0xffff  }
0x80: {  	v25 =	vadd.s32 $0x2800, v15;
	v13 =	vld.idx.msk [tilespmem:v13+s4+$0x0], $0xffff  }
0x81: {  	v32 =	vadd.s32 $0x5000, v11;
	v20 =	vld.idx.msk [tilespmem:v20+s4+$0x0], $0xffff  }
0x82: {  	v17 =	vld.idx.msk [tilespmem:v17+s4+$0x0], $0xffff  }
0x83: {  	v33 =	vld [tilespmem:s18+$0xFFFFFFC0]  }
0x84: {  	v34 =	vld [tilespmem:s18+$0xFFFFFFD0]  }
0x85: {  	[tilespmem:v25+s9+$0x0] =	vst.idx.add.f32.msk $0xffff, v19  }
0x86: {  	v19 =	vld.idx.msk [tilespmem:v32+s4+$0x0], $0xffff  }
0x87: {  	v32 =	vadd.s32 $0x5000, v15;
	v25 =	vld [tilespmem:s18+$0xFFFFFFE0]  }
0x88: {  	v11 =	vadd.s32 $0x7800, v11;
	v35 =	vadd.s32 $0x2800, v33;
	v36 =	vadd.s32 $0x5000, v33;
	v37 =	vld [tilespmem:s18+$0xFFFFFFF0]  }
0x89: {  	v38 =	vadd.s32 $0x7800, v33;
	v39 =	vadd.s32 $0x2800, v34;
	v40 =	vadd.s32 $0x5000, v34;
	v41 =	vld [tilespmem:s18+$0x0]  }
0x8a: {  	v42 =	vadd.s32 $0x7800, v34;
	v43 =	vld [tilespmem:s18+$0x10]  }
0x8b: {  	v44 =	vld [tilespmem:s18+$0x20]  }
0x8c: {  	v45 =	vadd.s32 $0x2800, v25;
	v46 =	vadd.s32 $0x5000, v25;
	v47 =	vadd.s32 $0x7800, v25;
	[tilespmem:v32+s9+$0x0] =	vst.idx.add.f32.msk $0xffff, v19  }
0x8d: {  	v19 =	vadd.s32 $0x2800, v37;
	v32 =	vadd.s32 $0x5000, v37;
	v48 =	vadd.s32 $0x7800, v37;
	v11 =	vld.idx.msk [tilespmem:v11+s4+$0x0], $0xffff  }
0x8e: {  	v15 =	vadd.s32 $0x7800, v15;
	[tilespmem:v33+s9+$0x0] =	vst.idx.add.f32.msk $0xffff, v20;
	v20 =	vadd.s32 $0x2800, v41;
	v33 =	vadd.s32 $0x5000, v41  }
0x8f: {  	[tilespmem:v34+s9+$0x0] =	vst.idx.add.f32.msk $0xffff, v22;
	v22 =	vadd.s32 $0x7800, v41;
	v34 =	vadd.s32 $0x2800, v43;
	v49 =	vadd.s32 $0x5000, v43  }
0x90: {  	[tilespmem:v25+s9+$0x0] =	vst.idx.add.f32.msk $0xffff, v26;
	v25 =	vadd.s32 $0x7800, v43;
	v26 =	vadd.s32 $0x2800, v44;
	v50 =	vadd.s32 $0x5000, v44  }
0x91: {  	[tilespmem:v37+s9+$0x0] =	vst.idx.add.f32.msk $0xffff, v27;
	v27 =	vadd.s32 $0x7800, v44  }
0x92: {  	[tilespmem:v41+s9+$0x0] =	vst.idx.add.f32.msk $0xffff, v12  }
0x93: {  	[tilespmem:v15+s9+$0x0] =	vst.idx.add.f32.msk $0xffff, v11  }
0x94: {  	[tilespmem:v43+s9+$0x0] =	vst.idx.add.f32.msk $0xffff, v13  }
0x95: {  	[tilespmem:v44+s9+$0x0] =	vst.idx.add.f32.msk $0xffff, v17  }
0x96: {  	v11 =	vld.idx.msk [tilespmem:v30+s4+$0x0], $0xffff  }
0x97: {  	v12 =	vld.idx.msk [tilespmem:v14+s4+$0x0], $0xffff  }
0x98: {  	v13 =	vld.idx.msk [tilespmem:v16+s4+$0x0], $0xffff  }
0x99: {  	v14 =	vld.idx.msk [tilespmem:v18+s4+$0x0], $0xffff  }
0x9a: {  	v15 =	vld.idx.msk [tilespmem:v21+s4+$0x0], $0xffff  }
0x9b: {  	v16 =	vld.idx.msk [tilespmem:v23+s4+$0x0], $0xffff  }
0x9c: {  	v17 =	vld.idx.msk [tilespmem:v28+s4+$0x0], $0xffff  }
0x9d: {  	[tilespmem:v35+s9+$0x0] =	vst.idx.add.f32.msk $0xffff, v11  }
0x9e: {  	[tilespmem:v39+s9+$0x0] =	vst.idx.add.f32.msk $0xffff, v12  }
0x9f: {  	[tilespmem:v45+s9+$0x0] =	vst.idx.add.f32.msk $0xffff, v13  }
0xa0: {  	[tilespmem:v19+s9+$0x0] =	vst.idx.add.f32.msk $0xffff, v14  }
0xa1: {  	[tilespmem:v20+s9+$0x0] =	vst.idx.add.f32.msk $0xffff, v15  }
0xa2: {  	[tilespmem:v34+s9+$0x0] =	vst.idx.add.f32.msk $0xffff, v16  }
0xa3: {  	[tilespmem:v26+s9+$0x0] =	vst.idx.add.f32.msk $0xffff, v17  }
0xa4: {  	v11 =	vld.idx.msk [tilespmem:v31+s4+$0x0], $0xffff  }
0xa5: {  	v6 =	vld.idx.msk [tilespmem:v6+s4+$0x0], $0xffff  }
0xa6: {  	v7 =	vld.idx.msk [tilespmem:v7+s4+$0x0], $0xffff  }
0xa7: {  	v8 =	vld.idx.msk [tilespmem:v8+s4+$0x0], $0xffff  }
0xa8: {  	v10 =	vld.idx.msk [tilespmem:v10+s4+$0x0], $0xffff  }
0xa9: {  	v12 =	vld.idx.msk [tilespmem:v24+s4+$0x0], $0xffff  }
0xaa: {  	v13 =	vld.idx.msk [tilespmem:v29+s4+$0x0], $0xffff  }
0xab: {  	[tilespmem:v36+s9+$0x0] =	vst.idx.add.f32.msk $0xffff, v11  }
0xac: {  	[tilespmem:v40+s9+$0x0] =	vst.idx.add.f32.msk $0xffff, v6  }
0xad: {  	[tilespmem:v46+s9+$0x0] =	vst.idx.add.f32.msk $0xffff, v7  }
0xae: {  	[tilespmem:v32+s9+$0x0] =	vst.idx.add.f32.msk $0xffff, v8  }
0xaf: {  	[tilespmem:v33+s9+$0x0] =	vst.idx.add.f32.msk $0xffff, v10  }
0xb0: {  	[tilespmem:v49+s9+$0x0] =	vst.idx.add.f32.msk $0xffff, v12  }
0xb1: {  	[tilespmem:v50+s9+$0x0] =	vst.idx.add.f32.msk $0xffff, v13  }
0xb2: {  	v6 =	vld.idx.msk [tilespmem:v9+s4+$0x0], $0xffff  }
0xb3: {  	v0 =	vld.idx.msk [tilespmem:v0+s4+$0x0], $0xffff  }
0xb4: {  	v1 =	vld.idx.msk [tilespmem:v1+s4+$0x0], $0xffff  }
0xb5: {  	v2 =	vld.idx.msk [tilespmem:v2+s4+$0x0], $0xffff  }
0xb6: {  	v3 =	vld.idx.msk [tilespmem:v3+s4+$0x0], $0xffff  }
0xb7: {  	v4 =	vld.idx.msk [tilespmem:v4+s4+$0x0], $0xffff  }
0xb8: {  	v5 =	vld.idx.msk [tilespmem:v5+s4+$0x0], $0xffff  }
0xb9: {  	[tilespmem:v38+s9+$0x0] =	vst.idx.add.f32.msk $0xffff, v6  }
0xba: {  	[tilespmem:v42+s9+$0x0] =	vst.idx.add.f32.msk $0xffff, v0  }
.Ltmp0:
0xbb: {  	[tilespmem:v47+s9+$0x0] =	vst.idx.add.f32.msk $0xffff, v1;
	(pc) =	sbr.rel @p0 .LBB2_3-.Ltmp0, $4  }
0xbc: {  	[tilespmem:v48+s9+$0x0] =	vst.idx.add.f32.msk $0xffff, v2  }
0xbd: {  	[tilespmem:v22+s9+$0x0] =	vst.idx.add.f32.msk $0xffff, v3  }
0xbe: {  	[tilespmem:v25+s9+$0x0] =	vst.idx.add.f32.msk $0xffff, v4  }
0xbf: {  	s20 =	sadd.s32 $0x80, s20;
	[tilespmem:v27+s9+$0x0] =	vst.idx.add.f32.msk $0xffff, v5  }
0xc0: {  	s18 =	sshll.u32 s17, $0x1;
	_ =	swait.ge [sflag:s15], $0x1400  }
0xc1: {  	[sflag:s15] =	ssyncset.done $0x0;
	s18 =	sadd.s32 $0x2, s18  }
0xc2: {  	[sflag:s15] =	ssyncadd.s32 $0xFFFFEC00;
	s18 =	sand.u32 $0x3E, s18  }
0xc3: {  	_ =	swait.ge [sflag:s15], $0x1400;
	s18 =	smul.u32 $0x280, s18  }
0xc4: {  	[sflag:s15] =	ssyncset.done $0x0  }
0xc5: {  	[sflag:s15] =	ssyncadd.s32 $0xFFFFEC00;
	s19 =	sadd.s32 s2, s18  }
0xc6: {  	[tilespmem:s10], [sflag:$0x1] =	stream.linear.gather [hbm4b:s19+s4], $0x1400, $0x38;
	[tilespmem:$0x19000] =	vst v63  }
0xc7: {  	s31 =	simm.s32 $0x16840;
	s18 =	sadd.s32 s3, s18  }
0xc8: {  	[tilespmem:s11], [sflag:$0x1] =	stream.linear.gather [hbm4b:s18+s4], $0x1400, $0x38;
	[tilespmem:$0x19000] =	vst v63  }
0xc9: {  	v0 =	vld [tilespmem:s31+$0x30]  }
0xca: {  	v1 =	vld [tilespmem:s31+$0xFFFFFFD0]  }
0xcb: {  	v2 =	vld [tilespmem:s31+$0xFFFFFFE0]  }
0xcc: {  	v3 =	vld [tilespmem:s31+$0xFFFFFFF0]  }
0xcd: {  	v4 =	vld [tilespmem:s31+$0x0]  }
0xce: {  	s18 =	simm.s32 $0x17C40;
	v5 =	vld [tilespmem:s31+$0x10]  }
0xcf: {  	v6 =	vld [tilespmem:s18+$0x30]  }
0xd0: {  	v7 =	vld [tilespmem:s31+$0x20]  }
0xd1: {  	v9 =	vld [tilespmem:s31+$0xFFFFFFC0]  }
0xd2: {  	v19 =	vld [tilespmem:s18+$0xFFFFFFC0]  }
0xd3: {  	v20 =	vld [tilespmem:s18+$0xFFFFFFD0]  }
0xd4: {  	v62 =	vld [tilespmem:s18+$0xFFFFFFE0]  }
0xd5: {  	v21 =	vld [tilespmem:s18+$0xFFFFFFF0]  }
0xd6: {  	v22 =	vld [tilespmem:s18+$0x0]  }
0xd7: {  	v23 =	vld [tilespmem:s18+$0x10]  }
0xd8: {  	v24 =	vld [tilespmem:s18+$0x20]  }
0xd9: {  	v8 =	vld.idx.msk [tilespmem:v0+s4+$0x0], $0xffff  }
0xda: {  	v10 =	vld.idx.msk [tilespmem:v1+s4+$0x0], $0xffff  }
0xdb: {  	v12 =	vld.idx.msk [tilespmem:v2+s4+$0x0], $0xffff  }
0xdc: {  	v13 =	vld.idx.msk [tilespmem:v3+s4+$0x0], $0xffff  }
0xdd: {  	v16 =	vld.idx.msk [tilespmem:v9+s4+$0x0], $0xffff  }
0xde: {  	v14 =	vld.idx.msk [tilespmem:v4+s4+$0x0], $0xffff  }
0xdf: {  	v61 =	vld.idx.msk [tilespmem:v5+s4+$0x0], $0xffff  }
0xe0: {  	v18 =	vld.idx.msk [tilespmem:v7+s4+$0x0], $0xffff  }
0xe1: {  	[tilespmem:v6+s9+$0x0] =	vst.idx.add.f32.msk $0xffff, v8  }
0xe2: {  	[tilespmem:v19+s9+$0x0] =	vst.idx.add.f32.msk $0xffff, v16  }
0xe3: {  	[tilespmem:v20+s9+$0x0] =	vst.idx.add.f32.msk $0xffff, v10  }
0xe4: {  	v11 =	vadd.s32 $0x2800, v0;
	[tilespmem:v62+s9+$0x0] =	vst.idx.add.f32.msk $0xffff, v12  }
0xe5: {  	v25 =	vadd.s32 $0x2800, v1;
	[tilespmem:v21+s9+$0x0] =	vst.idx.add.f32.msk $0xffff, v13  }
0xe6: {  	v26 =	vadd.s32 $0x2800, v2;
	[tilespmem:v22+s9+$0x0] =	vst.idx.add.f32.msk $0xffff, v14  }
0xe7: {  	v29 =	vadd.s32 $0x2800, v5;
	[tilespmem:v23+s9+$0x0] =	vst.idx.add.f32.msk $0xffff, v61  }
0xe8: {  	v30 =	vadd.s32 $0x2800, v7;
	[tilespmem:v24+s9+$0x0] =	vst.idx.add.f32.msk $0xffff, v18  }
0xe9: {  	v15 =	vadd.s32 $0x2800, v6;
	v8 =	vld.idx.msk [tilespmem:v11+s4+$0x0], $0xffff  }
0xea: {  	v17 =	vadd.s32 $0x5000, v0;
	v10 =	vld.idx.msk [tilespmem:v25+s4+$0x0], $0xffff  }
0xeb: {  	v32 =	vadd.s32 $0x2800, v20;
	v12 =	vld.idx.msk [tilespmem:v26+s4+$0x0], $0xffff  }
0xec: {  	v33 =	vadd.s32 $0x2800, v62;
	v11 =	vld.idx.msk [tilespmem:v29+s4+$0x0], $0xffff  }
0xed: {  	v13 =	vld.idx.msk [tilespmem:v30+s4+$0x0], $0xffff;
	v26 =	vadd.s32 $0x2800, v23  }
0xee: {  	v37 =	vadd.s32 $0x5000, v1;
	[tilespmem:v15+s9+$0x0] =	vst.idx.add.f32.msk $0xffff, v8  }
0xef: {  	v63 =	vadd.s32 $0x5000, v6;
	v8 =	vld.idx.msk [tilespmem:v17+s4+$0x0], $0xffff  }
0xf0: {  	[tilespmem:v32+s9+$0x0] =	vst.idx.add.f32.msk $0xffff, v10;
	v17 =	vadd.s32 $0x2800, v9  }
0xf1: {  	v35 =	vadd.s32 $0x2800, v24;
	[tilespmem:v33+s9+$0x0] =	vst.idx.add.f32.msk $0xffff, v12  }
0xf2: {  	v0 =	vadd.s32 $0x7800, v0;
	[tilespmem:v26+s9+$0x0] =	vst.idx.add.f32.msk $0xffff, v11  }
0xf3: {  	v42 =	vadd.s32 $0x5000, v7;
	v12 =	vld.idx.msk [tilespmem:v37+s4+$0x0], $0xffff  }
0xf4: {  	v44 =	vadd.s32 $0x5000, v20;
	[tilespmem:v63+s9+$0x0] =	vst.idx.add.f32.msk $0xffff, v8  }
0xf5: {  	v31 =	vadd.s32 $0x2800, v19;
	v8 =	vld.idx.msk [tilespmem:v17+s4+$0x0], $0xffff  }
0xf6: {  	v41 =	vadd.s32 $0x5000, v5;
	[tilespmem:v35+s9+$0x0] =	vst.idx.add.f32.msk $0xffff, v13  }
0xf7: {  	v6 =	vadd.s32 $0x7800, v6;
	v0 =	vld.idx.msk [tilespmem:v0+s4+$0x0], $0xffff  }
0xf8: {  	v27 =	vadd.s32 $0x2800, v3;
	v13 =	vld.idx.msk [tilespmem:v42+s4+$0x0], $0xffff  }
0xf9: {  	v28 =	vadd.s32 $0x2800, v4;
	[tilespmem:v44+s9+$0x0] =	vst.idx.add.f32.msk $0xffff, v12  }
0xfa: {  	v49 =	vadd.s32 $0x5000, v24;
	[tilespmem:v31+s9+$0x0] =	vst.idx.add.f32.msk $0xffff, v8  }
0xfb: {  	v36 =	vadd.s32 $0x5000, v9;
	v8 =	vld.idx.msk [tilespmem:v41+s4+$0x0], $0xffff  }
0xfc: {  	v48 =	vadd.s32 $0x5000, v23;
	[tilespmem:v6+s9+$0x0] =	vst.idx.add.f32.msk $0xffff, v0  }
0xfd: {  	v34 =	vadd.s32 $0x2800, v21;
	v0 =	vld.idx.msk [tilespmem:v27+s4+$0x0], $0xffff  }
0xfe: {  	v25 =	vadd.s32 $0x2800, v22;
	v6 =	vld.idx.msk [tilespmem:v28+s4+$0x0], $0xffff  }
0xff: {  	v38 =	vadd.s32 $0x5000, v2;
	[tilespmem:v49+s9+$0x0] =	vst.idx.add.f32.msk $0xffff, v13  }
0x100: {  	v43 =	vadd.s32 $0x5000, v19;
	v10 =	vld.idx.msk [tilespmem:v36+s4+$0x0], $0xffff  }
0x101: {  	v54 =	vadd.s32 $0x7800, v5;
	[tilespmem:v48+s9+$0x0] =	vst.idx.add.f32.msk $0xffff, v8  }
0x102: {  	v39 =	vadd.s32 $0x5000, v3;
	[tilespmem:v34+s9+$0x0] =	vst.idx.add.f32.msk $0xffff, v0  }
0x103: {  	v40 =	vadd.s32 $0x5000, v4;
	[tilespmem:v25+s9+$0x0] =	vst.idx.add.f32.msk $0xffff, v6  }
0x104: {  	v9 =	vadd.s32 $0x7800, v9;
	v0 =	vld.idx.msk [tilespmem:v38+s4+$0x0], $0xffff  }
0x105: {  	v45 =	vadd.s32 $0x5000, v62;
	[tilespmem:v43+s9+$0x0] =	vst.idx.add.f32.msk $0xffff, v10  }
0x106: {  	v50 =	vadd.s32 $0x7800, v1;
	v53 =	vadd.s32 $0x7800, v4;
	v4 =	vld.idx.msk [tilespmem:v54+s4+$0x0], $0xffff  }
0x107: {  	v59 =	vadd.s32 $0x7800, v62;
	v62 =	vadd.s32 $0x7800, v23;
	v6 =	vld.idx.msk [tilespmem:v39+s4+$0x0], $0xffff  }
0x108: {  	v46 =	vadd.s32 $0x5000, v21;
	v11 =	vld.idx.msk [tilespmem:v40+s4+$0x0], $0xffff  }
0x109: {  	v47 =	vadd.s32 $0x5000, v22;
	v55 =	vld.idx.msk [tilespmem:v9+s4+$0x0], $0xffff  }
0x10a: {  	v51 =	vadd.s32 $0x7800, v2;
	[tilespmem:v45+s9+$0x0] =	vst.idx.add.f32.msk $0xffff, v0  }
0x10b: {  	v56 =	vadd.s32 $0x7800, v7;
	v0 =	vld.idx.msk [tilespmem:v50+s4+$0x0], $0xffff  }
0x10c: {  	v57 =	vadd.s32 $0x7800, v19;
	[tilespmem:v62+s9+$0x0] =	vst.idx.add.f32.msk $0xffff, v4  }
0x10d: {  	v52 =	vadd.s32 $0x7800, v3;
	[tilespmem:v46+s9+$0x0] =	vst.idx.add.f32.msk $0xffff, v6  }
0x10e: {  	[tilespmem:v47+s9+$0x0] =	vst.idx.add.f32.msk $0xffff, v11  }
0x10f: {  	v58 =	vadd.s32 $0x7800, v20;
	v1 =	vld.idx.msk [tilespmem:v51+s4+$0x0], $0xffff  }
0x110: {  	v6 =	vld.idx.msk [tilespmem:v56+s4+$0x0], $0xffff  }
0x111: {  	v63 =	vadd.s32 $0x7800, v24;
	[tilespmem:v57+s9+$0x0] =	vst.idx.add.f32.msk $0xffff, v55  }
0x112: {  	v60 =	vadd.s32 $0x7800, v21;
	v2 =	vld.idx.msk [tilespmem:v52+s4+$0x0], $0xffff  }
0x113: {  	v61 =	vadd.s32 $0x7800, v22;
	v3 =	vld.idx.msk [tilespmem:v53+s4+$0x0], $0xffff  }
0x114: {  	[tilespmem:v58+s9+$0x0] =	vst.idx.add.f32.msk $0xffff, v0  }
0x115: {  	[tilespmem:v59+s9+$0x0] =	vst.idx.add.f32.msk $0xffff, v1  }
0x116: {  	[tilespmem:v63+s9+$0x0] =	vst.idx.add.f32.msk $0xffff, v6  }
0x117: {  	[tilespmem:v60+s9+$0x0] =	vst.idx.add.f32.msk $0xffff, v2  }
0x118: {  	s20 =	simm.s32 $0x168C0;
	s19 =	simm.s32 $0x0;
	[tilespmem:v61+s9+$0x0] =	vst.idx.add.f32.msk $0xffff, v3  }
.LBB2_5:
0x119: {  	v11 =	vld [tilespmem:s20+$0x30];
	s19 =	sadd.s32 $0x8, s19  }
0x11a: {  	v4 =	vld [tilespmem:s20+$0xFFFFFFD0];
	p0 =	slt.u32 s19, $0x138  }
0x11b: {  	v5 =	vld [tilespmem:s20+$0xFFFFFFE0]  }
0x11c: {  	v9 =	vld [tilespmem:s20+$0xFFFFFFF0]  }
0x11d: {  	v12 =	vld [tilespmem:s20+$0x0]  }
0x11e: {  	s18 =	sadd.s32 $0x80, s18;
	v13 =	vld [tilespmem:s20+$0x10]  }
0x11f: {  	v14 =	vadd.s32 $0x2800, v4;
	v6 =	vadd.s32 $0x5000, v4;
	v0 =	vadd.s32 $0x7800, v4;
	v15 =	vld [tilespmem:s18+$0x30]  }
0x120: {  	v16 =	vadd.s32 $0x2800, v5;
	v7 =	vadd.s32 $0x5000, v5;
	v1 =	vadd.s32 $0x7800, v5;
	v17 =	vld [tilespmem:s20+$0x20]  }
0x121: {  	v18 =	vadd.s32 $0x2800, v9;
	v8 =	vadd.s32 $0x5000, v9;
	v2 =	vadd.s32 $0x7800, v9;
	v19 =	vld.idx.msk [tilespmem:v11+s4+$0x0], $0xffff  }
0x122: {  	v20 =	vld [tilespmem:s20+$0xFFFFFFC0];
	v21 =	vadd.s32 $0x2800, v12;
	v10 =	vadd.s32 $0x5000, v12;
	v3 =	vadd.s32 $0x7800, v12  }
0x123: {  	v25 =	vadd.s32 $0x2800, v11;
	v22 =	vld.idx.msk [tilespmem:v4+s4+$0x0], $0xffff;
	v23 =	vadd.s32 $0x2800, v13;
	v24 =	vadd.s32 $0x5000, v13  }
0x124: {  	v4 =	vadd.s32 $0x7800, v13;
	v26 =	vld.idx.msk [tilespmem:v5+s4+$0x0], $0xffff  }
0x125: {  	v27 =	vld.idx.msk [tilespmem:v9+s4+$0x0], $0xffff;
	v28 =	vadd.s32 $0x2800, v17;
	v29 =	vadd.s32 $0x5000, v17;
	v5 =	vadd.s32 $0x7800, v17  }
0x126: {  	v12 =	vld.idx.msk [tilespmem:v12+s4+$0x0], $0xffff  }
0x127: {  	v30 =	vadd.s32 $0x2800, v20;
	v31 =	vadd.s32 $0x5000, v20;
	v9 =	vadd.s32 $0x7800, v20;
	[tilespmem:v15+s9+$0x0] =	vst.idx.add.f32.msk $0xffff, v19  }
0x128: {  	v19 =	vld.idx.msk [tilespmem:v25+s4+$0x0], $0xffff  }
0x129: {  	v25 =	vadd.s32 $0x2800, v15;
	v13 =	vld.idx.msk [tilespmem:v13+s4+$0x0], $0xffff  }
0x12a: {  	v32 =	vadd.s32 $0x5000, v11;
	v20 =	vld.idx.msk [tilespmem:v20+s4+$0x0], $0xffff  }
0x12b: {  	v17 =	vld.idx.msk [tilespmem:v17+s4+$0x0], $0xffff  }
0x12c: {  	v33 =	vld [tilespmem:s18+$0xFFFFFFC0]  }
0x12d: {  	v34 =	vld [tilespmem:s18+$0xFFFFFFD0]  }
0x12e: {  	[tilespmem:v25+s9+$0x0] =	vst.idx.add.f32.msk $0xffff, v19  }
0x12f: {  	v19 =	vld.idx.msk [tilespmem:v32+s4+$0x0], $0xffff  }
0x130: {  	v32 =	vadd.s32 $0x5000, v15;
	v25 =	vld [tilespmem:s18+$0xFFFFFFE0]  }
0x131: {  	v11 =	vadd.s32 $0x7800, v11;
	v35 =	vadd.s32 $0x2800, v33;
	v36 =	vadd.s32 $0x5000, v33;
	v37 =	vld [tilespmem:s18+$0xFFFFFFF0]  }
0x132: {  	v38 =	vadd.s32 $0x7800, v33;
	v39 =	vadd.s32 $0x2800, v34;
	v40 =	vadd.s32 $0x5000, v34;
	v41 =	vld [tilespmem:s18+$0x0]  }
0x133: {  	v42 =	vadd.s32 $0x7800, v34;
	v43 =	vld [tilespmem:s18+$0x10]  }
0x134: {  	v44 =	vld [tilespmem:s18+$0x20]  }
0x135: {  	v45 =	vadd.s32 $0x2800, v25;
	v46 =	vadd.s32 $0x5000, v25;
	v47 =	vadd.s32 $0x7800, v25;
	[tilespmem:v32+s9+$0x0] =	vst.idx.add.f32.msk $0xffff, v19  }
0x136: {  	v19 =	vadd.s32 $0x2800, v37;
	v32 =	vadd.s32 $0x5000, v37;
	v48 =	vadd.s32 $0x7800, v37;
	v11 =	vld.idx.msk [tilespmem:v11+s4+$0x0], $0xffff  }
0x137: {  	v15 =	vadd.s32 $0x7800, v15;
	[tilespmem:v33+s9+$0x0] =	vst.idx.add.f32.msk $0xffff, v20;
	v20 =	vadd.s32 $0x2800, v41;
	v33 =	vadd.s32 $0x5000, v41  }
0x138: {  	[tilespmem:v34+s9+$0x0] =	vst.idx.add.f32.msk $0xffff, v22;
	v22 =	vadd.s32 $0x7800, v41;
	v34 =	vadd.s32 $0x2800, v43;
	v49 =	vadd.s32 $0x5000, v43  }
0x139: {  	[tilespmem:v25+s9+$0x0] =	vst.idx.add.f32.msk $0xffff, v26;
	v25 =	vadd.s32 $0x7800, v43;
	v26 =	vadd.s32 $0x2800, v44;
	v50 =	vadd.s32 $0x5000, v44  }
0x13a: {  	[tilespmem:v37+s9+$0x0] =	vst.idx.add.f32.msk $0xffff, v27;
	v27 =	vadd.s32 $0x7800, v44  }
0x13b: {  	[tilespmem:v41+s9+$0x0] =	vst.idx.add.f32.msk $0xffff, v12  }
0x13c: {  	[tilespmem:v15+s9+$0x0] =	vst.idx.add.f32.msk $0xffff, v11  }
0x13d: {  	[tilespmem:v43+s9+$0x0] =	vst.idx.add.f32.msk $0xffff, v13  }
0x13e: {  	[tilespmem:v44+s9+$0x0] =	vst.idx.add.f32.msk $0xffff, v17  }
0x13f: {  	v11 =	vld.idx.msk [tilespmem:v30+s4+$0x0], $0xffff  }
0x140: {  	v12 =	vld.idx.msk [tilespmem:v14+s4+$0x0], $0xffff  }
0x141: {  	v13 =	vld.idx.msk [tilespmem:v16+s4+$0x0], $0xffff  }
0x142: {  	v14 =	vld.idx.msk [tilespmem:v18+s4+$0x0], $0xffff  }
0x143: {  	v15 =	vld.idx.msk [tilespmem:v21+s4+$0x0], $0xffff  }
0x144: {  	v16 =	vld.idx.msk [tilespmem:v23+s4+$0x0], $0xffff  }
0x145: {  	v17 =	vld.idx.msk [tilespmem:v28+s4+$0x0], $0xffff  }
0x146: {  	[tilespmem:v35+s9+$0x0] =	vst.idx.add.f32.msk $0xffff, v11  }
0x147: {  	[tilespmem:v39+s9+$0x0] =	vst.idx.add.f32.msk $0xffff, v12  }
0x148: {  	[tilespmem:v45+s9+$0x0] =	vst.idx.add.f32.msk $0xffff, v13  }
0x149: {  	[tilespmem:v19+s9+$0x0] =	vst.idx.add.f32.msk $0xffff, v14  }
0x14a: {  	[tilespmem:v20+s9+$0x0] =	vst.idx.add.f32.msk $0xffff, v15  }
0x14b: {  	[tilespmem:v34+s9+$0x0] =	vst.idx.add.f32.msk $0xffff, v16  }
0x14c: {  	[tilespmem:v26+s9+$0x0] =	vst.idx.add.f32.msk $0xffff, v17  }
0x14d: {  	v11 =	vld.idx.msk [tilespmem:v31+s4+$0x0], $0xffff  }
0x14e: {  	v6 =	vld.idx.msk [tilespmem:v6+s4+$0x0], $0xffff  }
0x14f: {  	v7 =	vld.idx.msk [tilespmem:v7+s4+$0x0], $0xffff  }
0x150: {  	v8 =	vld.idx.msk [tilespmem:v8+s4+$0x0], $0xffff  }
0x151: {  	v10 =	vld.idx.msk [tilespmem:v10+s4+$0x0], $0xffff  }
0x152: {  	v12 =	vld.idx.msk [tilespmem:v24+s4+$0x0], $0xffff  }
0x153: {  	v13 =	vld.idx.msk [tilespmem:v29+s4+$0x0], $0xffff  }
0x154: {  	[tilespmem:v36+s9+$0x0] =	vst.idx.add.f32.msk $0xffff, v11  }
0x155: {  	[tilespmem:v40+s9+$0x0] =	vst.idx.add.f32.msk $0xffff, v6  }
0x156: {  	[tilespmem:v46+s9+$0x0] =	vst.idx.add.f32.msk $0xffff, v7  }
0x157: {  	[tilespmem:v32+s9+$0x0] =	vst.idx.add.f32.msk $0xffff, v8  }
0x158: {  	[tilespmem:v33+s9+$0x0] =	vst.idx.add.f32.msk $0xffff, v10  }
0x159: {  	[tilespmem:v49+s9+$0x0] =	vst.idx.add.f32.msk $0xffff, v12  }
0x15a: {  	[tilespmem:v50+s9+$0x0] =	vst.idx.add.f32.msk $0xffff, v13  }
0x15b: {  	v6 =	vld.idx.msk [tilespmem:v9+s4+$0x0], $0xffff  }
0x15c: {  	v0 =	vld.idx.msk [tilespmem:v0+s4+$0x0], $0xffff  }
0x15d: {  	v1 =	vld.idx.msk [tilespmem:v1+s4+$0x0], $0xffff  }
0x15e: {  	v2 =	vld.idx.msk [tilespmem:v2+s4+$0x0], $0xffff  }
0x15f: {  	v3 =	vld.idx.msk [tilespmem:v3+s4+$0x0], $0xffff  }
0x160: {  	v4 =	vld.idx.msk [tilespmem:v4+s4+$0x0], $0xffff  }
0x161: {  	v5 =	vld.idx.msk [tilespmem:v5+s4+$0x0], $0xffff  }
0x162: {  	[tilespmem:v38+s9+$0x0] =	vst.idx.add.f32.msk $0xffff, v6  }
0x163: {  	[tilespmem:v42+s9+$0x0] =	vst.idx.add.f32.msk $0xffff, v0  }
.Ltmp1:
0x164: {  	[tilespmem:v47+s9+$0x0] =	vst.idx.add.f32.msk $0xffff, v1;
	(pc) =	sbr.rel @p0 .LBB2_5-.Ltmp1, $4  }
0x165: {  	[tilespmem:v48+s9+$0x0] =	vst.idx.add.f32.msk $0xffff, v2  }
0x166: {  	[tilespmem:v22+s9+$0x0] =	vst.idx.add.f32.msk $0xffff, v3  }
0x167: {  	[tilespmem:v25+s9+$0x0] =	vst.idx.add.f32.msk $0xffff, v4  }
0x168: {  	s20 =	sadd.s32 $0x80, s20;
	[tilespmem:v27+s9+$0x0] =	vst.idx.add.f32.msk $0xffff, v5  }
0x169: {  	s17 =	sadd.s32 $0x1, s17  }
0x16a: {  	p0 =	sne.s32 s17, $0x20  }
.Ltmp2:
0x16b: {  	_ = 	snop;
	(pc) =	sbr.rel @p0 .LBB2_2-.Ltmp2, $1  }
0x16c: {  	_ =	sdelay $0x3  }
0x16d: {  	_ =	swait.ge [sflag:s12], $0x1400  }
0x16e: {  	[sflag:s12] =	ssyncset.done $0x0  }
0x16f: {  	[sflag:s12] =	ssyncadd.s32 $0xFFFFEC00  }
0x170: {  	s16 =	sadd.s32 $0x1, s16;
	_ =	swait.ge [sflag:s12], $0x1400  }
0x171: {  	p0 =	sne.s32 s16, s7;
	[sflag:s12] =	ssyncset.done $0x0  }
.Ltmp3:
0x172: {  	[sflag:s12] =	ssyncadd.s32 $0xFFFFEC00;
	(pc) =	sbr.rel @p0 .LBB2_1-.Ltmp3, $4  }
0x173: {  	[hbm4b:s6+s4] =	stream.linear.scatter [tilespmem:s9], [sflag:$0x3], $0xA000, $0x38;
	[tilespmem:$0x19000] =	vst v63  }
0x174: {  	_ =	swait.ge [sflag:s8], $0xA000  }
0x175: {  	[sflag:s8] =	ssyncset.done $0x0  }
0x176: {  	[sflag:s8] =	ssyncadd.s32 $0xFFFF6000  }
0x177: {  	_ =	sfence.sel $0x180000  }
0x178: {  	[bflag:$0x0] =	sbarrier.arrive $0xFFFF  }
0x179: {  	p0 =	sne.s32 s1, $0x0;
	_ =	strace $0x90000050  }
0x17a: {  	s0 =	sadd.s32 @!p0 $0x100000, s0;
	[bflag:$0x2] =	sbarrier.arrive $0xFFFF  }
0x17b: {  	[sflag:s0] =	ssyncadd.tile.s32 @!p0 $0x1;
	_ =	shalt  }
.Lfunc_end2:
_tile_overlayer_lowered:
.L_overlay_start_2:
0x17c: {  	(tag) =	ssettag $0x2  }
0x17d: {  	s0 =	rddreg [dreg:$0x0];
	s2 =	stileid.u32  }
0x17e: {  	s1 =	rddreg [dreg:$0x1];
	p0 =	sne.s32 s2, $0x0  }
0x17f: {  	s3 =	rddreg [dreg:$0x2];
	[bflag:$0x3] =	sbarrier.arrive $0xFFFF;
	s2 =	simm.s32 @!p0 $0x1C03  }
0x180: {  	[timem:s3], [sflag:s2] =	dma.local @!p0 [hbm:s0], s1  }
0x181: {  	s0 =	simm.s32 @!p0 $0x3  }
0x182: {  	_ =	swait.ge @!p0 [sflag:s0], s1  }
0x183: {  	s1 =	ssub.s32 @!p0 $0x0, s1;
	[sflag:s0] =	ssyncset.done @!p0 $0x0  }
0x184: {  	[sflag:s0] =	ssyncadd.s32 @!p0 s1  }
0x185: {  	[bflag:$0x3] =	sbarrier.arrive $0xFFFF  }
0x186: {  	_ =	shalt  }

// kernel: kernel.18.cloned.1.call-start
scs
__scs_entry_jumppad:
0x0: {  	(pc) =	sbr.rel $0x88, $3  }
0x1: {  	(tag) =	ssettag $0x0;
	lr =	simm.s32 $0x1  }
0x2: {  	[smem:$0x3F98] =	sst lr;
	_ =	strace $0xD0000000  }
0x3: {  	_ = 	snop  }
0x4: {  	_ = 	snop  }
0x5: {  	_ = 	snop  }
0x6: {  	_ = 	snop  }
0x7: {  	_ = 	snop  }
__scs_overlays_trampoline_lowered:
0x8: {  	[smem:$0x3FA7] =	sst s0  }
0x9: {  	[smem:$0x3FA8] =	sst s1  }
0xa: {  	[smem:$0x3FA9] =	sst s2  }
0xb: {  	[smem:$0x3FAA] =	sst s3  }
0xc: {  	[smem:$0x3FAB] =	sst s4  }
0xd: {  	[smem:$0x3FAC] =	sst s5  }
0xe: {  	[smem:$0x3FAD] =	sst s6  }
0xf: {  	[smem:$0x3FAE] =	sst s7  }
0x10: {  	[smem:$0x3FAF] =	sst s8  }
0x11: {  	[smem:$0x3FB0] =	sst s9;
	s0 =	simm.s32 @!p0 $0x0  }
0x12: {  	s1 =	sld [smem:$0x3F96];
	s0 =	simm.s32 @p0 $0x1  }
0x13: {  	[smem:$0x3FB1] =	sst s0;
	s0 =	simm.s32 @!p1 $0x0  }
0x14: {  	s2 =	sld [smem:$0x3F95];
	s0 =	simm.s32 @p1 $0x1  }
0x15: {  	[smem:$0x3FB2] =	sst s0;
	s0 =	simm.s32 @!p2 $0x0  }
0x16: {  	s3 =	sld [smem:$0x3FDB];
	s0 =	simm.s32 @p2 $0x1  }
0x17: {  	s4 =	simm.s32 $0x1BF5;
	[smem:$0x3FB4] =	sst s0  }
0x18: {  	s0 =	sld [smem:$0x3F97];
	_ =	swait.ge [sflag:s4], $0x0  }
0x19: {  	s7 =	sld [smem:$0x3F98]  }
0x1a: {  	s8 =	sadd.s32 $0xFFFFE003, lr  }
0x1b: {  	s9 =	sadd.s32 $0xFFFFFEF7, lr;
	s5 =	simm.s32 $0xFFFFFFFF;
	p2 =	slt.u32 s8, $0xFFFFF086  }
0x1c: {  	p1 =	slt.u32 s9, $0xF7A;
	s5 =	simm.s32 @!p2 $0x0  }
0x1d: {  	s5 =	simm.s32 @p1 $0x1;
	p0 =	seq.s32 s7, s2  }
0x1e: {  	s7 =	smul.u32 @!p0 $0xF7A, s2;
	p2 =	seq.s32 @!p0 s5, $0x0  }
0x1f: {  	s9 =	smul.u32 $0xF7A, s1;
	s8 =	simm.s32 @!p0 $0x1BF5;
	p2 =	por !p2, p0  }
0x20: {  	[sflag:s8] =	ssyncset.s32 @!p0 $0xFFFFF086;
	s6 =	sadd.s32 @!p0 s3, s7;
	s7 =	simm.s32 @!p0 $0x108  }
0x21: {  	s3 =	sadd.s32 s3, s9;
	s6 =	sadd.s32 @!p0 $0x88, s6;
	s7 =	simm.s32 @p2 $0x1082  }
0x22: {  	[simem:s7], [sflag:s8] =	dma.local @!p0 [hbm:s6], $0xF7A  }
0x23: {  	s9 =	sor.u32 $0xD0000000, s2;
	s6 =	simm.s32 $0x108;
	_ =	swait.ge @!p0 [sflag:s8], $0x0  }
0x24: {  	s3 =	sadd.s32 $0x88, s3;
	s6 =	simm.s32 @!p1 $0x1082;
	[sflag:s4] =	ssyncset.s32 $0xFFFFF086  }
0x25: {  	[simem:s6], [sflag:s4] =	dma.local [hbm:s3], $0xF7A  }
0x26: {  	[smem:$0x3F98] =	sst s1;
	(tag) =	ssettag s2;
	_ =	strace s9  }
0x27: {  	s1 =	sld [smem:$0x3FA8]  }
0x28: {  	s2 =	sld [smem:$0x3FA9]  }
0x29: {  	s4 =	sld [smem:$0x3FAB]  }
0x2a: {  	p0 =	seq.s32 s5, $0x0;
	s5 =	sld [smem:$0x3FAC]  }
0x2b: {  	s6 =	sld [smem:$0x3FAD]  }
0x2c: {  	s7 =	sld [smem:$0x3FAE]  }
0x2d: {  	s3 =	simm.s32 $0x108;
	s8 =	sld [smem:$0x3FAF]  }
0x2e: {  	s3 =	simm.s32 @!p0 $0x1082;
	s9 =	sld [smem:$0x3FB0]  }
0x2f: {  	lr =	sadd.s32 s0, s3;
	s0 =	sld [smem:$0x3FA7]  }
0x30: {  	s3 =	sld [smem:$0x3FAA]  }
0x31: {  	[smem:$0x3FB3] =	sst s10  }
0x32: {  	s10 =	sld [smem:$0x3FB1];
	_ =	sdelay $0x3  }
0x33: {  	p0 =	seq.s32 s10, $0x1;
	s10 =	sld [smem:$0x3FB3];
	_ =	sdelay $0x3  }
0x34: {  	[smem:$0x3FB3] =	sst s10  }
0x35: {  	s10 =	sld [smem:$0x3FB2];
	_ =	sdelay $0x3  }
0x36: {  	p1 =	seq.s32 s10, $0x1;
	s10 =	sld [smem:$0x3FB3];
	_ =	sdelay $0x3  }
0x37: {  	[smem:$0x3FB3] =	sst s10  }
0x38: {  	s10 =	sld [smem:$0x3FB4]  }
0x39: {  	_ = 	snop;
	(pc) =	sbr.ind lr, $3  }
0x3a: {  	_ = 	snop  }
0x3b: {  	_ = 	snop  }
0x3c: {  	p2 =	seq.s32 s10, $0x1;
	s10 =	sld [smem:$0x3FB3]  }
0x3d: {  	_ =	shalt  }
0x3e: {  	_ =	shalt  }
0x3f: {  	_ =	shalt  }
0x40: {  	_ =	shalt  }
0x41: {  	_ =	shalt  }
0x42: {  	_ =	shalt  }
0x43: {  	_ =	shalt  }
0x44: {  	_ =	shalt  }
0x45: {  	_ =	shalt  }
0x46: {  	_ =	shalt  }
0x47: {  	_ =	shalt  }
0x48: {  	_ =	shalt  }
0x49: {  	_ =	shalt  }
0x4a: {  	_ =	shalt  }
0x4b: {  	_ =	shalt  }
0x4c: {  	_ =	shalt  }
0x4d: {  	_ =	shalt  }
0x4e: {  	_ =	shalt  }
0x4f: {  	_ =	shalt  }
0x50: {  	_ =	shalt  }
0x51: {  	_ =	shalt  }
0x52: {  	_ =	shalt  }
0x53: {  	_ =	shalt  }
0x54: {  	_ =	shalt  }
0x55: {  	_ =	shalt  }
0x56: {  	_ =	shalt  }
0x57: {  	_ =	shalt  }
0x58: {  	_ =	shalt  }
0x59: {  	_ =	shalt  }
0x5a: {  	_ =	shalt  }
0x5b: {  	_ =	shalt  }
0x5c: {  	_ =	shalt  }
0x5d: {  	_ =	shalt  }
0x5e: {  	_ =	shalt  }
0x5f: {  	_ =	shalt  }
0x60: {  	_ =	shalt  }
0x61: {  	_ =	shalt  }
0x62: {  	_ =	shalt  }
0x63: {  	_ =	shalt  }
0x64: {  	_ =	shalt  }
0x65: {  	_ =	shalt  }
0x66: {  	_ =	shalt  }
0x67: {  	_ =	shalt  }
0x68: {  	_ =	shalt  }
0x69: {  	_ =	shalt  }
0x6a: {  	_ =	shalt  }
0x6b: {  	_ =	shalt  }
0x6c: {  	_ =	shalt  }
0x6d: {  	_ =	shalt  }
0x6e: {  	_ =	shalt  }
0x6f: {  	_ =	shalt  }
0x70: {  	_ =	shalt  }
0x71: {  	_ =	shalt  }
0x72: {  	_ =	shalt  }
0x73: {  	_ =	shalt  }
0x74: {  	_ =	shalt  }
0x75: {  	_ =	shalt  }
0x76: {  	_ =	shalt  }
0x77: {  	_ =	shalt  }
0x78: {  	_ =	shalt  }
0x79: {  	_ =	shalt  }
0x7a: {  	_ =	shalt  }
0x7b: {  	_ =	shalt  }
0x7c: {  	_ =	shalt  }
0x7d: {  	_ =	shalt  }
0x7e: {  	_ =	shalt  }
0x7f: {  	_ =	shalt  }
0x80: {  	_ =	shalt  }
0x81: {  	_ =	shalt  }
0x82: {  	_ =	shalt  }
0x83: {  	_ =	shalt  }
0x84: {  	_ =	shalt  }
0x85: {  	_ =	shalt  }
0x86: {  	_ =	shalt  }
0x87: {  	_ =	shalt  }
.Lfunc_end0:
.L_simem_size_0:
called_computation.3_lowered:
.L_overlay_start_0:
0x88: {  	s2 =	sld [smem:$0x3FD9]  }
0x89: {  	s3 =	sld [smem:$0x3FFE];
	_ =	sdelay $0x1  }
0x8a: {  	s1 =	srdreg.scid  }
0x8b: {  	s0 =	sand.u32 $0x1, s1  }
0x8c: {  	s14 =	sshll.u32 s0, $0xA;
	s2 =	sadd.s32 s3, s2  }
0x8d: {  	s2 =	sadd.s32 s2, s14  }
0x8e: {  	[smem:$0x3FBF] =	sst s2  }
0x8f: {  	_ = 	snop  }
0x90: {  	s2 =	sld [smem:$0x3FD0];
	_ =	sdelay $0x2  }
0x91: {  	s15 =	simm.s32 $0xB;
	s4 =	simm.s32 $0x10  }
0x92: {  	[smem:s4], [sflag:s15] =	dma.local [hbm:s2], $0x1  }
0x93: {  	_ =	swait.eq [sflag:s15], $0x1  }
0x94: {  	[sflag:s15] =	ssyncset.done $0x0  }
0x95: {  	s16 =	sld [smem:$0x10];
	[sflag:s15] =	ssyncadd.s32 $0xFFFFFFFF  }
0x96: {  	s17 =	sld [smem:$0x11];
	(tm) =	ssettm $0x1  }
0x97: {  	s18 =	sld [smem:$0x3FFB];
	_ =	sdelay $0x3  }
0x98: {  	_ =	strace s18  }
0x99: {  	s4 =	sld [smem:$0x3FFC];
	_ =	sdelay $0x3  }
0x9a: {  	_ =	strace s4  }
0x9b: {  	s4 =	sld [smem:$0x3FFD];
	_ =	sdelay $0x3  }
0x9c: {  	_ =	strace s4  }
0x9d: {  	_ =	strace $0x8FFFFFFF  }
0x9e: {  	s19 =	sld [smem:$0x3FDB];
	_ =	sdelay $0x1  }
0x9f: {  	s5 =	simm.s32 $_scs_section_size  }
0xa0: {  	s6 =	simm.s32 $_size__tile_overlayer_lowered;
	s7 =	simm.s32 $_tile_overlayer_lowered  }
0xa1: {  	s22 =	simm.s32 $0x1BFF;
	s21 =	sshll.u32 s7, $0x1;
	s4 =	sadd.s32 s5, s19  }
0xa2: {  	s8 =	simm.s32 $0x0;
	s20 =	sshll.u32 s6, $0x1;
	s6 =	sadd.s32 s21, s4  }
0xa3: {  	[timem:s8], [sflag:s22] =	dma.local [hbm:s6], s20  }
0xa4: {  	_ =	swait.ge [sflag:s22], s20  }
0xa5: {  	s5 =	ssub.s32 $0x0, s20;
	[sflag:s22] =	ssyncset.done $0x0  }
0xa6: {  	[sflag:s22] =	ssyncadd.s32 s5;
	_ =	sdelay $0x1  }
0xa7: {  	s23 =	simm.s32 $0x1B8B  }
0xa8: {  	_ =	swait.ge [sflag:s23], $0x1  }
0xa9: {  	[sflag:s23] =	ssyncset.done $0x0  }
0xaa: {  	s25 =	simm.s32 $0x1B8E;
	s24 =	sld [smem:$0x3FFE];
	[sflag:s23] =	ssyncadd.s32 $0xFFFFFFFF  }
0xab: {  	s26 =	simm.s32 $execute0_lowered;
	[smem:$0x3FD2] =	sst s25  }
0xac: {  	s6 =	sshll.u32 s26, $0x1;
	_ =	strace $0x8000004C;
	[dreg:$0x1] =	wrdreg $0xFFFFFFFF  }
0xad: {  	s28 =	simm.s32 $_size_execute0_lowered;
	s4 =	sadd.s32 s4, s6;
	[dreg:$0x0] =	wrdreg $0x0  }
0xae: {  	s6 =	sshll.u32 s28, $0x1;
	[dreg:$0x2] =	wrdreg s4  }
0xaf: {  	[dreg:$0x3] =	wrdreg s6  }
0xb0: {  	[dreg:$0x4] =	wrdreg $0xC0  }
0xb1: {  	_ =	task [dreg:s8], $0x5FFFF  }
0xb2: {  	[dreg:$0x1] =	wrdreg $0xFFFFFFFF  }
0xb3: {  	[dreg:$0x0] =	wrdreg $0x60  }
0xb4: {  	[dreg:$0x2] =	wrdreg s24  }
0xb5: {  	[dreg:$0x3] =	wrdreg s16  }
0xb6: {  	[dreg:$0x4] =	wrdreg s17  }
0xb7: {  	[dreg:$0x5] =	wrdreg $0xA  }
0xb8: {  	_ =	task.clear_ibuf [dreg:s8], $0x6FFFF;
	_ =	strace $0x9000004C  }
0xb9: {  	s29 =	simm.s32 $0xA;
	_ =	strace $0x8000004E  }
0xba: {  	_ =	swait.ge [sflag:s29], $0x1  }
0xbb: {  	[sflag:s29] =	ssyncadd.s32 $0xFFFFFFFF  }
0xbc: {  	_ =	strace $0x9000004E  }
0xbd: {  	_ =	sfence  }
0xbe: {  	s30 =	sld [smem:$0x0];
	_ =	sdelay $0x2  }
0xbf: {  	s31 =	sshll.u32 s1, $0xD;
	s1 =	sshrl.u32 s1, $0x2  }
0xc0: {  	s3 =	sand.u32 $0x4000, s31;
	s1 =	sadd.s32 s1, s30  }
0xc1: {  	s0 =	sor.u32 s3, s0;
	s1 =	sshll.u32 s1, $0x11  }
0xc2: {  	s0 =	sor.u32 s1, s0  }
0xc3: {  	s0 =	sadd.s32 $0x8F2B, s0  }
0xc4: {  	[sflag:s0] =	ssyncadd.remote.s32 $0x1  }
0xc5: {  	_ =	sfence.sel $0xFFFF  }
0xc6: {  	[dreg:$0x0] =	wrdreg $0xFFFFFFFF;
	(pc) =	sbr.abs _section_cstart, $3  }
0xc7: {  	[dreg:$0x1] =	wrdreg $0xFFFFFFFF  }
0xc8: {  	_ =	task.clear_ibuf [dreg:s8], $0x2FFFF;
	_ =	strace $0x9FFFFFFF  }
0xc9: {  	(tm) =	ssettm $0x7FFFFFFF  }
tec
execute0_lowered:
.L_overlay_start_1:
0x0: {  	(tag) =	ssettag $0x1  }
0x1: {  	s5 =	rddreg [dreg:$0x0]  }
0x2: {  	s2 =	rddreg [dreg:$0x1]  }
0x3: {  	s0 =	srdreg.scid;
	s3 =	rddreg [dreg:$0x2];
	s4 =	simm.s32 $0x0  }
0x4: {  	s10 =	simm.s32 $0x14000;
	s11 =	simm.s32 $0x15400;
	s6 =	sand.u32 $0x1, s0  }
0x5: {  	s12 =	simm.s32 $0x1;
	s0 =	stileid.u32;
	s1 =	sshll.u32 s6, $0x4  }
0x6: {  	s13 =	simm.s32 $0x16800;
	s14 =	simm.s32 $0x17C00;
	s7 =	sor.u32 s0, s1  }
0x7: {  	s15 =	simm.s32 $0x2;
	s16 =	simm.s32 $0x0;
	s8 =	smul.u32 $0xA000, s7  }
0x8: {  	[smem:$0x7FF] =	sst s4;
	s6 =	ssub.s32 $0x2, s6;
	s7 =	smul.u32 $0x1400, s7  }
0x9: {  	s1 =	rddreg [dreg:$0x3];
	_ =	strace $0x8000004D;
	s9 =	sshrl.u32 s6, $0x1  }
0xa: {  	s9 =	ssub.s32 s6, s9;
	s8 =	sshrl.u32 s8, $0x3;
	s7 =	sadd.s32 s7, s5  }
0xb: {  	s5 =	sadd.s32 s5, s8;
	s6 =	sadd.s32 $0x51A00, s7;
	s7 =	smax.u32 s9, $0x1  }
0xc: {  	s8 =	simm.s32 $0x3;
	s9 =	simm.s32 $0xA000;
	s5 =	sadd.s32 $0x29A00, s5  }
.LBB2_1:
0xd: {  	[tilespmem:s4], [sflag:$0x3] =	stream.linear.gather [hbm4b:s5+s4], $0xA000, $0x38;
	[tilespmem:$0x19000] =	vst v63  }
0xe: {  	_ =	swait.ge [sflag:s8], $0xA000  }
0xf: {  	[sflag:s8] =	ssyncset.done $0x0  }
0x10: {  	[sflag:s8] =	ssyncadd.s32 $0xFFFF6000  }
0x11: {  	[tilespmem:s9], [sflag:$0x3] =	stream.linear.gather [hbm4b:s5+s4], $0xA000, $0x38;
	[tilespmem:$0x19000] =	vst v63  }
0x12: {  	_ =	swait.ge [sflag:s8], $0xA000  }
0x13: {  	[sflag:s8] =	ssyncset.done $0x0  }
0x14: {  	[sflag:s8] =	ssyncadd.s32 $0xFFFF6000  }
0x15: {  	[tilespmem:s10], [sflag:$0x1] =	stream.linear.gather [hbm4b:s2+s4], $0x1400, $0x38;
	[tilespmem:$0x19000] =	vst v63  }
0x16: {  	s17 =	simm.s32 $0x0  }
0x17: {  	[tilespmem:s11], [sflag:$0x1] =	stream.linear.gather [hbm4b:s3+s4], $0x1400, $0x38;
	[tilespmem:$0x19000] =	vst v63  }
.LBB2_2:
0x18: {  	_ =	swait.ge [sflag:s12], $0x1400  }
0x19: {  	s18 =	smul.u32 $0x2800, s17;
	[sflag:s12] =	ssyncset.done $0x0  }
0x1a: {  	[sflag:s12] =	ssyncadd.s32 $0xFFFFEC00  }
0x1b: {  	s18 =	sshrl.u32 s18, $0x3;
	_ =	swait.ge [sflag:s12], $0x1400  }
0x1c: {  	s18 =	sadd.s32 $0x280, s18;
	[sflag:s12] =	ssyncset.done $0x0  }
0x1d: {  	s19 =	sadd.s32 s2, s18;
	[sflag:s12] =	ssyncadd.s32 $0xFFFFEC00  }
0x1e: {  	[tilespmem:s13], [sflag:$0x2] =	stream.linear.gather [hbm4b:s19+s4], $0x1400, $0x38;
	[tilespmem:$0x19000] =	vst v63  }
0x1f: {  	s31 =	simm.s32 $0x14040;
	s18 =	sadd.s32 s3, s18  }
0x20: {  	[tilespmem:s14], [sflag:$0x2] =	stream.linear.gather [hbm4b:s18+s4], $0x1400, $0x38;
	[tilespmem:$0x19000] =	vst v63  }
0x21: {  	v0 =	vld [tilespmem:s31+$0x30]  }
0x22: {  	v1 =	vld [tilespmem:s31+$0xFFFFFFD0]  }
0x23: {  	v2 =	vld [tilespmem:s31+$0xFFFFFFE0]  }
0x24: {  	v3 =	vld [tilespmem:s31+$0xFFFFFFF0]  }
0x25: {  	v4 =	vld [tilespmem:s31+$0x0]  }
0x26: {  	s18 =	simm.s32 $0x15440;
	v5 =	vld [tilespmem:s31+$0x10]  }
0x27: {  	v6 =	vld [tilespmem:s18+$0x30]  }
0x28: {  	v7 =	vld [tilespmem:s31+$0x20]  }
0x29: {  	v9 =	vld [tilespmem:s31+$0xFFFFFFC0]  }
0x2a: {  	v19 =	vld [tilespmem:s18+$0xFFFFFFC0]  }
0x2b: {  	v20 =	vld [tilespmem:s18+$0xFFFFFFD0]  }
0x2c: {  	v62 =	vld [tilespmem:s18+$0xFFFFFFE0]  }
0x2d: {  	v21 =	vld [tilespmem:s18+$0xFFFFFFF0]  }
0x2e: {  	v22 =	vld [tilespmem:s18+$0x0]  }
0x2f: {  	v23 =	vld [tilespmem:s18+$0x10]  }
0x30: {  	v24 =	vld [tilespmem:s18+$0x20]  }
0x31: {  	v8 =	vld.idx.msk [tilespmem:v0+s4+$0x0], $0xffff  }
0x32: {  	v10 =	vld.idx.msk [tilespmem:v1+s4+$0x0], $0xffff  }
0x33: {  	v12 =	vld.idx.msk [tilespmem:v2+s4+$0x0], $0xffff  }
0x34: {  	v13 =	vld.idx.msk [tilespmem:v3+s4+$0x0], $0xffff  }
0x35: {  	v16 =	vld.idx.msk [tilespmem:v9+s4+$0x0], $0xffff  }
0x36: {  	v14 =	vld.idx.msk [tilespmem:v4+s4+$0x0], $0xffff  }
0x37: {  	v61 =	vld.idx.msk [tilespmem:v5+s4+$0x0], $0xffff  }
0x38: {  	v18 =	vld.idx.msk [tilespmem:v7+s4+$0x0], $0xffff  }
0x39: {  	[tilespmem:v6+s9+$0x0] =	vst.idx.add.f32.msk $0xffff, v8  }
0x3a: {  	[tilespmem:v19+s9+$0x0] =	vst.idx.add.f32.msk $0xffff, v16  }
0x3b: {  	[tilespmem:v20+s9+$0x0] =	vst.idx.add.f32.msk $0xffff, v10  }
0x3c: {  	v11 =	vadd.s32 $0x2800, v0;
	[tilespmem:v62+s9+$0x0] =	vst.idx.add.f32.msk $0xffff, v12  }
0x3d: {  	v25 =	vadd.s32 $0x2800, v1;
	[tilespmem:v21+s9+$0x0] =	vst.idx.add.f32.msk $0xffff, v13  }
0x3e: {  	v26 =	vadd.s32 $0x2800, v2;
	[tilespmem:v22+s9+$0x0] =	vst.idx.add.f32.msk $0xffff, v14  }
0x3f: {  	v29 =	vadd.s32 $0x2800, v5;
	[tilespmem:v23+s9+$0x0] =	vst.idx.add.f32.msk $0xffff, v61  }
0x40: {  	v30 =	vadd.s32 $0x2800, v7;
	[tilespmem:v24+s9+$0x0] =	vst.idx.add.f32.msk $0xffff, v18  }
0x41: {  	v15 =	vadd.s32 $0x2800, v6;
	v8 =	vld.idx.msk [tilespmem:v11+s4+$0x0], $0xffff  }
0x42: {  	v17 =	vadd.s32 $0x5000, v0;
	v10 =	vld.idx.msk [tilespmem:v25+s4+$0x0], $0xffff  }
0x43: {  	v32 =	vadd.s32 $0x2800, v20;
	v12 =	vld.idx.msk [tilespmem:v26+s4+$0x0], $0xffff  }
0x44: {  	v33 =	vadd.s32 $0x2800, v62;
	v11 =	vld.idx.msk [tilespmem:v29+s4+$0x0], $0xffff  }
0x45: {  	v13 =	vld.idx.msk [tilespmem:v30+s4+$0x0], $0xffff;
	v26 =	vadd.s32 $0x2800, v23  }
0x46: {  	v37 =	vadd.s32 $0x5000, v1;
	[tilespmem:v15+s9+$0x0] =	vst.idx.add.f32.msk $0xffff, v8  }
0x47: {  	v63 =	vadd.s32 $0x5000, v6;
	v8 =	vld.idx.msk [tilespmem:v17+s4+$0x0], $0xffff  }
0x48: {  	[tilespmem:v32+s9+$0x0] =	vst.idx.add.f32.msk $0xffff, v10;
	v17 =	vadd.s32 $0x2800, v9  }
0x49: {  	v35 =	vadd.s32 $0x2800, v24;
	[tilespmem:v33+s9+$0x0] =	vst.idx.add.f32.msk $0xffff, v12  }
0x4a: {  	v0 =	vadd.s32 $0x7800, v0;
	[tilespmem:v26+s9+$0x0] =	vst.idx.add.f32.msk $0xffff, v11  }
0x4b: {  	v42 =	vadd.s32 $0x5000, v7;
	v12 =	vld.idx.msk [tilespmem:v37+s4+$0x0], $0xffff  }
0x4c: {  	v44 =	vadd.s32 $0x5000, v20;
	[tilespmem:v63+s9+$0x0] =	vst.idx.add.f32.msk $0xffff, v8  }
0x4d: {  	v31 =	vadd.s32 $0x2800, v19;
	v8 =	vld.idx.msk [tilespmem:v17+s4+$0x0], $0xffff  }
0x4e: {  	v41 =	vadd.s32 $0x5000, v5;
	[tilespmem:v35+s9+$0x0] =	vst.idx.add.f32.msk $0xffff, v13  }
0x4f: {  	v6 =	vadd.s32 $0x7800, v6;
	v0 =	vld.idx.msk [tilespmem:v0+s4+$0x0], $0xffff  }
0x50: {  	v27 =	vadd.s32 $0x2800, v3;
	v13 =	vld.idx.msk [tilespmem:v42+s4+$0x0], $0xffff  }
0x51: {  	v28 =	vadd.s32 $0x2800, v4;
	[tilespmem:v44+s9+$0x0] =	vst.idx.add.f32.msk $0xffff, v12  }
0x52: {  	v49 =	vadd.s32 $0x5000, v24;
	[tilespmem:v31+s9+$0x0] =	vst.idx.add.f32.msk $0xffff, v8  }
0x53: {  	v36 =	vadd.s32 $0x5000, v9;
	v8 =	vld.idx.msk [tilespmem:v41+s4+$0x0], $0xffff  }
0x54: {  	v48 =	vadd.s32 $0x5000, v23;
	[tilespmem:v6+s9+$0x0] =	vst.idx.add.f32.msk $0xffff, v0  }
0x55: {  	v34 =	vadd.s32 $0x2800, v21;
	v0 =	vld.idx.msk [tilespmem:v27+s4+$0x0], $0xffff  }
0x56: {  	v25 =	vadd.s32 $0x2800, v22;
	v6 =	vld.idx.msk [tilespmem:v28+s4+$0x0], $0xffff  }
0x57: {  	v38 =	vadd.s32 $0x5000, v2;
	[tilespmem:v49+s9+$0x0] =	vst.idx.add.f32.msk $0xffff, v13  }
0x58: {  	v43 =	vadd.s32 $0x5000, v19;
	v10 =	vld.idx.msk [tilespmem:v36+s4+$0x0], $0xffff  }
0x59: {  	v54 =	vadd.s32 $0x7800, v5;
	[tilespmem:v48+s9+$0x0] =	vst.idx.add.f32.msk $0xffff, v8  }
0x5a: {  	v39 =	vadd.s32 $0x5000, v3;
	[tilespmem:v34+s9+$0x0] =	vst.idx.add.f32.msk $0xffff, v0  }
0x5b: {  	v40 =	vadd.s32 $0x5000, v4;
	[tilespmem:v25+s9+$0x0] =	vst.idx.add.f32.msk $0xffff, v6  }
0x5c: {  	v9 =	vadd.s32 $0x7800, v9;
	v0 =	vld.idx.msk [tilespmem:v38+s4+$0x0], $0xffff  }
0x5d: {  	v45 =	vadd.s32 $0x5000, v62;
	[tilespmem:v43+s9+$0x0] =	vst.idx.add.f32.msk $0xffff, v10  }
0x5e: {  	v50 =	vadd.s32 $0x7800, v1;
	v53 =	vadd.s32 $0x7800, v4;
	v4 =	vld.idx.msk [tilespmem:v54+s4+$0x0], $0xffff  }
0x5f: {  	v59 =	vadd.s32 $0x7800, v62;
	v62 =	vadd.s32 $0x7800, v23;
	v6 =	vld.idx.msk [tilespmem:v39+s4+$0x0], $0xffff  }
0x60: {  	v46 =	vadd.s32 $0x5000, v21;
	v11 =	vld.idx.msk [tilespmem:v40+s4+$0x0], $0xffff  }
0x61: {  	v47 =	vadd.s32 $0x5000, v22;
	v55 =	vld.idx.msk [tilespmem:v9+s4+$0x0], $0xffff  }
0x62: {  	v51 =	vadd.s32 $0x7800, v2;
	[tilespmem:v45+s9+$0x0] =	vst.idx.add.f32.msk $0xffff, v0  }
0x63: {  	v56 =	vadd.s32 $0x7800, v7;
	v0 =	vld.idx.msk [tilespmem:v50+s4+$0x0], $0xffff  }
0x64: {  	v57 =	vadd.s32 $0x7800, v19;
	[tilespmem:v62+s9+$0x0] =	vst.idx.add.f32.msk $0xffff, v4  }
0x65: {  	v52 =	vadd.s32 $0x7800, v3;
	[tilespmem:v46+s9+$0x0] =	vst.idx.add.f32.msk $0xffff, v6  }
0x66: {  	[tilespmem:v47+s9+$0x0] =	vst.idx.add.f32.msk $0xffff, v11  }
0x67: {  	v58 =	vadd.s32 $0x7800, v20;
	v1 =	vld.idx.msk [tilespmem:v51+s4+$0x0], $0xffff  }
0x68: {  	v6 =	vld.idx.msk [tilespmem:v56+s4+$0x0], $0xffff  }
0x69: {  	v63 =	vadd.s32 $0x7800, v24;
	[tilespmem:v57+s9+$0x0] =	vst.idx.add.f32.msk $0xffff, v55  }
0x6a: {  	v60 =	vadd.s32 $0x7800, v21;
	v2 =	vld.idx.msk [tilespmem:v52+s4+$0x0], $0xffff  }
0x6b: {  	v61 =	vadd.s32 $0x7800, v22;
	v3 =	vld.idx.msk [tilespmem:v53+s4+$0x0], $0xffff  }
0x6c: {  	[tilespmem:v58+s9+$0x0] =	vst.idx.add.f32.msk $0xffff, v0  }
0x6d: {  	[tilespmem:v59+s9+$0x0] =	vst.idx.add.f32.msk $0xffff, v1  }
0x6e: {  	[tilespmem:v63+s9+$0x0] =	vst.idx.add.f32.msk $0xffff, v6  }
0x6f: {  	[tilespmem:v60+s9+$0x0] =	vst.idx.add.f32.msk $0xffff, v2  }
0x70: {  	s20 =	simm.s32 $0x140C0;
	s19 =	simm.s32 $0x0;
	[tilespmem:v61+s9+$0x0] =	vst.idx.add.f32.msk $0xffff, v3  }
.LBB2_3:
0x71: {  	v11 =	vld [tilespmem:s20+$0x30];
	s19 =	sadd.s32 $0x8, s19  }
0x72: {  	v4 =	vld [tilespmem:s20+$0xFFFFFFD0];
	p0 =	slt.u32 s19, $0x138  }
0x73: {  	v5 =	vld [tilespmem:s20+$0xFFFFFFE0]  }
0x74: {  	v9 =	vld [tilespmem:s20+$0xFFFFFFF0]  }
0x75: {  	v12 =	vld [tilespmem:s20+$0x0]  }
0x76: {  	s18 =	sadd.s32 $0x80, s18;
	v13 =	vld [tilespmem:s20+$0x10]  }
0x77: {  	v14 =	vadd.s32 $0x2800, v4;
	v6 =	vadd.s32 $0x5000, v4;
	v0 =	vadd.s32 $0x7800, v4;
	v15 =	vld [tilespmem:s18+$0x30]  }
0x78: {  	v16 =	vadd.s32 $0x2800, v5;
	v7 =	vadd.s32 $0x5000, v5;
	v1 =	vadd.s32 $0x7800, v5;
	v17 =	vld [tilespmem:s20+$0x20]  }
0x79: {  	v18 =	vadd.s32 $0x2800, v9;
	v8 =	vadd.s32 $0x5000, v9;
	v2 =	vadd.s32 $0x7800, v9;
	v19 =	vld.idx.msk [tilespmem:v11+s4+$0x0], $0xffff  }
0x7a: {  	v20 =	vld [tilespmem:s20+$0xFFFFFFC0];
	v21 =	vadd.s32 $0x2800, v12;
	v10 =	vadd.s32 $0x5000, v12;
	v3 =	vadd.s32 $0x7800, v12  }
0x7b: {  	v25 =	vadd.s32 $0x2800, v11;
	v22 =	vld.idx.msk [tilespmem:v4+s4+$0x0], $0xffff;
	v23 =	vadd.s32 $0x2800, v13;
	v24 =	vadd.s32 $0x5000, v13  }
0x7c: {  	v4 =	vadd.s32 $0x7800, v13;
	v26 =	vld.idx.msk [tilespmem:v5+s4+$0x0], $0xffff  }
0x7d: {  	v27 =	vld.idx.msk [tilespmem:v9+s4+$0x0], $0xffff;
	v28 =	vadd.s32 $0x2800, v17;
	v29 =	vadd.s32 $0x5000, v17;
	v5 =	vadd.s32 $0x7800, v17  }
0x7e: {  	v12 =	vld.idx.msk [tilespmem:v12+s4+$0x0], $0xffff  }
0x7f: {  	v30 =	vadd.s32 $0x2800, v20;
	v31 =	vadd.s32 $0x5000, v20;
	v9 =	vadd.s32 $0x7800, v20;
	[tilespmem:v15+s9+$0x0] =	vst.idx.add.f32.msk $0xffff, v19  }
0x80: {  	v19 =	vld.idx.msk [tilespmem:v25+s4+$0x0], $0xffff  }
0x81: {  	v25 =	vadd.s32 $0x2800, v15;
	v13 =	vld.idx.msk [tilespmem:v13+s4+$0x0], $0xffff  }
0x82: {  	v32 =	vadd.s32 $0x5000, v11;
	v20 =	vld.idx.msk [tilespmem:v20+s4+$0x0], $0xffff  }
0x83: {  	v17 =	vld.idx.msk [tilespmem:v17+s4+$0x0], $0xffff  }
0x84: {  	v33 =	vld [tilespmem:s18+$0xFFFFFFC0]  }
0x85: {  	v34 =	vld [tilespmem:s18+$0xFFFFFFD0]  }
0x86: {  	[tilespmem:v25+s9+$0x0] =	vst.idx.add.f32.msk $0xffff, v19  }
0x87: {  	v19 =	vld.idx.msk [tilespmem:v32+s4+$0x0], $0xffff  }
0x88: {  	v32 =	vadd.s32 $0x5000, v15;
	v25 =	vld [tilespmem:s18+$0xFFFFFFE0]  }
0x89: {  	v11 =	vadd.s32 $0x7800, v11;
	v35 =	vadd.s32 $0x2800, v33;
	v36 =	vadd.s32 $0x5000, v33;
	v37 =	vld [tilespmem:s18+$0xFFFFFFF0]  }
0x8a: {  	v38 =	vadd.s32 $0x7800, v33;
	v39 =	vadd.s32 $0x2800, v34;
	v40 =	vadd.s32 $0x5000, v34;
	v41 =	vld [tilespmem:s18+$0x0]  }
0x8b: {  	v42 =	vadd.s32 $0x7800, v34;
	v43 =	vld [tilespmem:s18+$0x10]  }
0x8c: {  	v44 =	vld [tilespmem:s18+$0x20]  }
0x8d: {  	v45 =	vadd.s32 $0x2800, v25;
	v46 =	vadd.s32 $0x5000, v25;
	v47 =	vadd.s32 $0x7800, v25;
	[tilespmem:v32+s9+$0x0] =	vst.idx.add.f32.msk $0xffff, v19  }
0x8e: {  	v19 =	vadd.s32 $0x2800, v37;
	v32 =	vadd.s32 $0x5000, v37;
	v48 =	vadd.s32 $0x7800, v37;
	v11 =	vld.idx.msk [tilespmem:v11+s4+$0x0], $0xffff  }
0x8f: {  	v15 =	vadd.s32 $0x7800, v15;
	[tilespmem:v33+s9+$0x0] =	vst.idx.add.f32.msk $0xffff, v20;
	v20 =	vadd.s32 $0x2800, v41;
	v33 =	vadd.s32 $0x5000, v41  }
0x90: {  	[tilespmem:v34+s9+$0x0] =	vst.idx.add.f32.msk $0xffff, v22;
	v22 =	vadd.s32 $0x7800, v41;
	v34 =	vadd.s32 $0x2800, v43;
	v49 =	vadd.s32 $0x5000, v43  }
0x91: {  	[tilespmem:v25+s9+$0x0] =	vst.idx.add.f32.msk $0xffff, v26;
	v25 =	vadd.s32 $0x7800, v43;
	v26 =	vadd.s32 $0x2800, v44;
	v50 =	vadd.s32 $0x5000, v44  }
0x92: {  	[tilespmem:v37+s9+$0x0] =	vst.idx.add.f32.msk $0xffff, v27;
	v27 =	vadd.s32 $0x7800, v44  }
0x93: {  	[tilespmem:v41+s9+$0x0] =	vst.idx.add.f32.msk $0xffff, v12  }
0x94: {  	[tilespmem:v15+s9+$0x0] =	vst.idx.add.f32.msk $0xffff, v11  }
0x95: {  	[tilespmem:v43+s9+$0x0] =	vst.idx.add.f32.msk $0xffff, v13  }
0x96: {  	[tilespmem:v44+s9+$0x0] =	vst.idx.add.f32.msk $0xffff, v17  }
0x97: {  	v11 =	vld.idx.msk [tilespmem:v30+s4+$0x0], $0xffff  }
0x98: {  	v12 =	vld.idx.msk [tilespmem:v14+s4+$0x0], $0xffff  }
0x99: {  	v13 =	vld.idx.msk [tilespmem:v16+s4+$0x0], $0xffff  }
0x9a: {  	v14 =	vld.idx.msk [tilespmem:v18+s4+$0x0], $0xffff  }
0x9b: {  	v15 =	vld.idx.msk [tilespmem:v21+s4+$0x0], $0xffff  }
0x9c: {  	v16 =	vld.idx.msk [tilespmem:v23+s4+$0x0], $0xffff  }
0x9d: {  	v17 =	vld.idx.msk [tilespmem:v28+s4+$0x0], $0xffff  }
0x9e: {  	[tilespmem:v35+s9+$0x0] =	vst.idx.add.f32.msk $0xffff, v11  }
0x9f: {  	[tilespmem:v39+s9+$0x0] =	vst.idx.add.f32.msk $0xffff, v12  }
0xa0: {  	[tilespmem:v45+s9+$0x0] =	vst.idx.add.f32.msk $0xffff, v13  }
0xa1: {  	[tilespmem:v19+s9+$0x0] =	vst.idx.add.f32.msk $0xffff, v14  }
0xa2: {  	[tilespmem:v20+s9+$0x0] =	vst.idx.add.f32.msk $0xffff, v15  }
0xa3: {  	[tilespmem:v34+s9+$0x0] =	vst.idx.add.f32.msk $0xffff, v16  }
0xa4: {  	[tilespmem:v26+s9+$0x0] =	vst.idx.add.f32.msk $0xffff, v17  }
0xa5: {  	v11 =	vld.idx.msk [tilespmem:v31+s4+$0x0], $0xffff  }
0xa6: {  	v6 =	vld.idx.msk [tilespmem:v6+s4+$0x0], $0xffff  }
0xa7: {  	v7 =	vld.idx.msk [tilespmem:v7+s4+$0x0], $0xffff  }
0xa8: {  	v8 =	vld.idx.msk [tilespmem:v8+s4+$0x0], $0xffff  }
0xa9: {  	v10 =	vld.idx.msk [tilespmem:v10+s4+$0x0], $0xffff  }
0xaa: {  	v12 =	vld.idx.msk [tilespmem:v24+s4+$0x0], $0xffff  }
0xab: {  	v13 =	vld.idx.msk [tilespmem:v29+s4+$0x0], $0xffff  }
0xac: {  	[tilespmem:v36+s9+$0x0] =	vst.idx.add.f32.msk $0xffff, v11  }
0xad: {  	[tilespmem:v40+s9+$0x0] =	vst.idx.add.f32.msk $0xffff, v6  }
0xae: {  	[tilespmem:v46+s9+$0x0] =	vst.idx.add.f32.msk $0xffff, v7  }
0xaf: {  	[tilespmem:v32+s9+$0x0] =	vst.idx.add.f32.msk $0xffff, v8  }
0xb0: {  	[tilespmem:v33+s9+$0x0] =	vst.idx.add.f32.msk $0xffff, v10  }
0xb1: {  	[tilespmem:v49+s9+$0x0] =	vst.idx.add.f32.msk $0xffff, v12  }
0xb2: {  	[tilespmem:v50+s9+$0x0] =	vst.idx.add.f32.msk $0xffff, v13  }
0xb3: {  	v6 =	vld.idx.msk [tilespmem:v9+s4+$0x0], $0xffff  }
0xb4: {  	v0 =	vld.idx.msk [tilespmem:v0+s4+$0x0], $0xffff  }
0xb5: {  	v1 =	vld.idx.msk [tilespmem:v1+s4+$0x0], $0xffff  }
0xb6: {  	v2 =	vld.idx.msk [tilespmem:v2+s4+$0x0], $0xffff  }
0xb7: {  	v3 =	vld.idx.msk [tilespmem:v3+s4+$0x0], $0xffff  }
0xb8: {  	v4 =	vld.idx.msk [tilespmem:v4+s4+$0x0], $0xffff  }
0xb9: {  	v5 =	vld.idx.msk [tilespmem:v5+s4+$0x0], $0xffff  }
0xba: {  	[tilespmem:v38+s9+$0x0] =	vst.idx.add.f32.msk $0xffff, v6  }
0xbb: {  	[tilespmem:v42+s9+$0x0] =	vst.idx.add.f32.msk $0xffff, v0  }
.Ltmp0:
0xbc: {  	[tilespmem:v47+s9+$0x0] =	vst.idx.add.f32.msk $0xffff, v1;
	(pc) =	sbr.rel @p0 .LBB2_3-.Ltmp0, $4  }
0xbd: {  	[tilespmem:v48+s9+$0x0] =	vst.idx.add.f32.msk $0xffff, v2  }
0xbe: {  	[tilespmem:v22+s9+$0x0] =	vst.idx.add.f32.msk $0xffff, v3  }
0xbf: {  	[tilespmem:v25+s9+$0x0] =	vst.idx.add.f32.msk $0xffff, v4  }
0xc0: {  	s20 =	sadd.s32 $0x80, s20;
	[tilespmem:v27+s9+$0x0] =	vst.idx.add.f32.msk $0xffff, v5  }
0xc1: {  	s18 =	sshll.u32 s17, $0x1;
	_ =	swait.ge [sflag:s15], $0x1400  }
0xc2: {  	[sflag:s15] =	ssyncset.done $0x0;
	s18 =	sadd.s32 $0x2, s18  }
0xc3: {  	[sflag:s15] =	ssyncadd.s32 $0xFFFFEC00;
	s18 =	sand.u32 $0x3E, s18  }
0xc4: {  	_ =	swait.ge [sflag:s15], $0x1400;
	s18 =	smul.u32 $0x280, s18  }
0xc5: {  	[sflag:s15] =	ssyncset.done $0x0  }
0xc6: {  	[sflag:s15] =	ssyncadd.s32 $0xFFFFEC00;
	s19 =	sadd.s32 s2, s18  }
0xc7: {  	[tilespmem:s10], [sflag:$0x1] =	stream.linear.gather [hbm4b:s19+s4], $0x1400, $0x38;
	[tilespmem:$0x19000] =	vst v63  }
0xc8: {  	s31 =	simm.s32 $0x16840;
	s18 =	sadd.s32 s3, s18  }
0xc9: {  	[tilespmem:s11], [sflag:$0x1] =	stream.linear.gather [hbm4b:s18+s4], $0x1400, $0x38;
	[tilespmem:$0x19000] =	vst v63  }
0xca: {  	v0 =	vld [tilespmem:s31+$0x30]  }
0xcb: {  	v1 =	vld [tilespmem:s31+$0xFFFFFFD0]  }
0xcc: {  	v2 =	vld [tilespmem:s31+$0xFFFFFFE0]  }
0xcd: {  	v3 =	vld [tilespmem:s31+$0xFFFFFFF0]  }
0xce: {  	v4 =	vld [tilespmem:s31+$0x0]  }
0xcf: {  	s18 =	simm.s32 $0x17C40;
	v5 =	vld [tilespmem:s31+$0x10]  }
0xd0: {  	v6 =	vld [tilespmem:s18+$0x30]  }
0xd1: {  	v7 =	vld [tilespmem:s31+$0x20]  }
0xd2: {  	v9 =	vld [tilespmem:s31+$0xFFFFFFC0]  }
0xd3: {  	v19 =	vld [tilespmem:s18+$0xFFFFFFC0]  }
0xd4: {  	v20 =	vld [tilespmem:s18+$0xFFFFFFD0]  }
0xd5: {  	v62 =	vld [tilespmem:s18+$0xFFFFFFE0]  }
0xd6: {  	v21 =	vld [tilespmem:s18+$0xFFFFFFF0]  }
0xd7: {  	v22 =	vld [tilespmem:s18+$0x0]  }
0xd8: {  	v23 =	vld [tilespmem:s18+$0x10]  }
0xd9: {  	v24 =	vld [tilespmem:s18+$0x20]  }
0xda: {  	v8 =	vld.idx.msk [tilespmem:v0+s4+$0x0], $0xffff  }
0xdb: {  	v10 =	vld.idx.msk [tilespmem:v1+s4+$0x0], $0xffff  }
0xdc: {  	v12 =	vld.idx.msk [tilespmem:v2+s4+$0x0], $0xffff  }
0xdd: {  	v13 =	vld.idx.msk [tilespmem:v3+s4+$0x0], $0xffff  }
0xde: {  	v16 =	vld.idx.msk [tilespmem:v9+s4+$0x0], $0xffff  }
0xdf: {  	v14 =	vld.idx.msk [tilespmem:v4+s4+$0x0], $0xffff  }
0xe0: {  	v61 =	vld.idx.msk [tilespmem:v5+s4+$0x0], $0xffff  }
0xe1: {  	v18 =	vld.idx.msk [tilespmem:v7+s4+$0x0], $0xffff  }
0xe2: {  	[tilespmem:v6+s9+$0x0] =	vst.idx.add.f32.msk $0xffff, v8  }
0xe3: {  	[tilespmem:v19+s9+$0x0] =	vst.idx.add.f32.msk $0xffff, v16  }
0xe4: {  	[tilespmem:v20+s9+$0x0] =	vst.idx.add.f32.msk $0xffff, v10  }
0xe5: {  	v11 =	vadd.s32 $0x2800, v0;
	[tilespmem:v62+s9+$0x0] =	vst.idx.add.f32.msk $0xffff, v12  }
0xe6: {  	v25 =	vadd.s32 $0x2800, v1;
	[tilespmem:v21+s9+$0x0] =	vst.idx.add.f32.msk $0xffff, v13  }
0xe7: {  	v26 =	vadd.s32 $0x2800, v2;
	[tilespmem:v22+s9+$0x0] =	vst.idx.add.f32.msk $0xffff, v14  }
0xe8: {  	v29 =	vadd.s32 $0x2800, v5;
	[tilespmem:v23+s9+$0x0] =	vst.idx.add.f32.msk $0xffff, v61  }
0xe9: {  	v30 =	vadd.s32 $0x2800, v7;
	[tilespmem:v24+s9+$0x0] =	vst.idx.add.f32.msk $0xffff, v18  }
0xea: {  	v15 =	vadd.s32 $0x2800, v6;
	v8 =	vld.idx.msk [tilespmem:v11+s4+$0x0], $0xffff  }
0xeb: {  	v17 =	vadd.s32 $0x5000, v0;
	v10 =	vld.idx.msk [tilespmem:v25+s4+$0x0], $0xffff  }
0xec: {  	v32 =	vadd.s32 $0x2800, v20;
	v12 =	vld.idx.msk [tilespmem:v26+s4+$0x0], $0xffff  }
0xed: {  	v33 =	vadd.s32 $0x2800, v62;
	v11 =	vld.idx.msk [tilespmem:v29+s4+$0x0], $0xffff  }
0xee: {  	v13 =	vld.idx.msk [tilespmem:v30+s4+$0x0], $0xffff;
	v26 =	vadd.s32 $0x2800, v23  }
0xef: {  	v37 =	vadd.s32 $0x5000, v1;
	[tilespmem:v15+s9+$0x0] =	vst.idx.add.f32.msk $0xffff, v8  }
0xf0: {  	v63 =	vadd.s32 $0x5000, v6;
	v8 =	vld.idx.msk [tilespmem:v17+s4+$0x0], $0xffff  }
0xf1: {  	[tilespmem:v32+s9+$0x0] =	vst.idx.add.f32.msk $0xffff, v10;
	v17 =	vadd.s32 $0x2800, v9  }
0xf2: {  	v35 =	vadd.s32 $0x2800, v24;
	[tilespmem:v33+s9+$0x0] =	vst.idx.add.f32.msk $0xffff, v12  }
0xf3: {  	v0 =	vadd.s32 $0x7800, v0;
	[tilespmem:v26+s9+$0x0] =	vst.idx.add.f32.msk $0xffff, v11  }
0xf4: {  	v42 =	vadd.s32 $0x5000, v7;
	v12 =	vld.idx.msk [tilespmem:v37+s4+$0x0], $0xffff  }
0xf5: {  	v44 =	vadd.s32 $0x5000, v20;
	[tilespmem:v63+s9+$0x0] =	vst.idx.add.f32.msk $0xffff, v8  }
0xf6: {  	v31 =	vadd.s32 $0x2800, v19;
	v8 =	vld.idx.msk [tilespmem:v17+s4+$0x0], $0xffff  }
0xf7: {  	v41 =	vadd.s32 $0x5000, v5;
	[tilespmem:v35+s9+$0x0] =	vst.idx.add.f32.msk $0xffff, v13  }
0xf8: {  	v6 =	vadd.s32 $0x7800, v6;
	v0 =	vld.idx.msk [tilespmem:v0+s4+$0x0], $0xffff  }
0xf9: {  	v27 =	vadd.s32 $0x2800, v3;
	v13 =	vld.idx.msk [tilespmem:v42+s4+$0x0], $0xffff  }
0xfa: {  	v28 =	vadd.s32 $0x2800, v4;
	[tilespmem:v44+s9+$0x0] =	vst.idx.add.f32.msk $0xffff, v12  }
0xfb: {  	v49 =	vadd.s32 $0x5000, v24;
	[tilespmem:v31+s9+$0x0] =	vst.idx.add.f32.msk $0xffff, v8  }
0xfc: {  	v36 =	vadd.s32 $0x5000, v9;
	v8 =	vld.idx.msk [tilespmem:v41+s4+$0x0], $0xffff  }
0xfd: {  	v48 =	vadd.s32 $0x5000, v23;
	[tilespmem:v6+s9+$0x0] =	vst.idx.add.f32.msk $0xffff, v0  }
0xfe: {  	v34 =	vadd.s32 $0x2800, v21;
	v0 =	vld.idx.msk [tilespmem:v27+s4+$0x0], $0xffff  }
0xff: {  	v25 =	vadd.s32 $0x2800, v22;
	v6 =	vld.idx.msk [tilespmem:v28+s4+$0x0], $0xffff  }
0x100: {  	v38 =	vadd.s32 $0x5000, v2;
	[tilespmem:v49+s9+$0x0] =	vst.idx.add.f32.msk $0xffff, v13  }
0x101: {  	v43 =	vadd.s32 $0x5000, v19;
	v10 =	vld.idx.msk [tilespmem:v36+s4+$0x0], $0xffff  }
0x102: {  	v54 =	vadd.s32 $0x7800, v5;
	[tilespmem:v48+s9+$0x0] =	vst.idx.add.f32.msk $0xffff, v8  }
0x103: {  	v39 =	vadd.s32 $0x5000, v3;
	[tilespmem:v34+s9+$0x0] =	vst.idx.add.f32.msk $0xffff, v0  }
0x104: {  	v40 =	vadd.s32 $0x5000, v4;
	[tilespmem:v25+s9+$0x0] =	vst.idx.add.f32.msk $0xffff, v6  }
0x105: {  	v9 =	vadd.s32 $0x7800, v9;
	v0 =	vld.idx.msk [tilespmem:v38+s4+$0x0], $0xffff  }
0x106: {  	v45 =	vadd.s32 $0x5000, v62;
	[tilespmem:v43+s9+$0x0] =	vst.idx.add.f32.msk $0xffff, v10  }
0x107: {  	v50 =	vadd.s32 $0x7800, v1;
	v53 =	vadd.s32 $0x7800, v4;
	v4 =	vld.idx.msk [tilespmem:v54+s4+$0x0], $0xffff  }
0x108: {  	v59 =	vadd.s32 $0x7800, v62;
	v62 =	vadd.s32 $0x7800, v23;
	v6 =	vld.idx.msk [tilespmem:v39+s4+$0x0], $0xffff  }
0x109: {  	v46 =	vadd.s32 $0x5000, v21;
	v11 =	vld.idx.msk [tilespmem:v40+s4+$0x0], $0xffff  }
0x10a: {  	v47 =	vadd.s32 $0x5000, v22;
	v55 =	vld.idx.msk [tilespmem:v9+s4+$0x0], $0xffff  }
0x10b: {  	v51 =	vadd.s32 $0x7800, v2;
	[tilespmem:v45+s9+$0x0] =	vst.idx.add.f32.msk $0xffff, v0  }
0x10c: {  	v56 =	vadd.s32 $0x7800, v7;
	v0 =	vld.idx.msk [tilespmem:v50+s4+$0x0], $0xffff  }
0x10d: {  	v57 =	vadd.s32 $0x7800, v19;
	[tilespmem:v62+s9+$0x0] =	vst.idx.add.f32.msk $0xffff, v4  }
0x10e: {  	v52 =	vadd.s32 $0x7800, v3;
	[tilespmem:v46+s9+$0x0] =	vst.idx.add.f32.msk $0xffff, v6  }
0x10f: {  	[tilespmem:v47+s9+$0x0] =	vst.idx.add.f32.msk $0xffff, v11  }
0x110: {  	v58 =	vadd.s32 $0x7800, v20;
	v1 =	vld.idx.msk [tilespmem:v51+s4+$0x0], $0xffff  }
0x111: {  	v6 =	vld.idx.msk [tilespmem:v56+s4+$0x0], $0xffff  }
0x112: {  	v63 =	vadd.s32 $0x7800, v24;
	[tilespmem:v57+s9+$0x0] =	vst.idx.add.f32.msk $0xffff, v55  }
0x113: {  	v60 =	vadd.s32 $0x7800, v21;
	v2 =	vld.idx.msk [tilespmem:v52+s4+$0x0], $0xffff  }
0x114: {  	v61 =	vadd.s32 $0x7800, v22;
	v3 =	vld.idx.msk [tilespmem:v53+s4+$0x0], $0xffff  }
0x115: {  	[tilespmem:v58+s9+$0x0] =	vst.idx.add.f32.msk $0xffff, v0  }
0x116: {  	[tilespmem:v59+s9+$0x0] =	vst.idx.add.f32.msk $0xffff, v1  }
0x117: {  	[tilespmem:v63+s9+$0x0] =	vst.idx.add.f32.msk $0xffff, v6  }
0x118: {  	[tilespmem:v60+s9+$0x0] =	vst.idx.add.f32.msk $0xffff, v2  }
0x119: {  	s20 =	simm.s32 $0x168C0;
	s19 =	simm.s32 $0x0;
	[tilespmem:v61+s9+$0x0] =	vst.idx.add.f32.msk $0xffff, v3  }
.LBB2_5:
0x11a: {  	v11 =	vld [tilespmem:s20+$0x30];
	s19 =	sadd.s32 $0x8, s19  }
0x11b: {  	v4 =	vld [tilespmem:s20+$0xFFFFFFD0];
	p0 =	slt.u32 s19, $0x138  }
0x11c: {  	v5 =	vld [tilespmem:s20+$0xFFFFFFE0]  }
0x11d: {  	v9 =	vld [tilespmem:s20+$0xFFFFFFF0]  }
0x11e: {  	v12 =	vld [tilespmem:s20+$0x0]  }
0x11f: {  	s18 =	sadd.s32 $0x80, s18;
	v13 =	vld [tilespmem:s20+$0x10]  }
0x120: {  	v14 =	vadd.s32 $0x2800, v4;
	v6 =	vadd.s32 $0x5000, v4;
	v0 =	vadd.s32 $0x7800, v4;
	v15 =	vld [tilespmem:s18+$0x30]  }
0x121: {  	v16 =	vadd.s32 $0x2800, v5;
	v7 =	vadd.s32 $0x5000, v5;
	v1 =	vadd.s32 $0x7800, v5;
	v17 =	vld [tilespmem:s20+$0x20]  }
0x122: {  	v18 =	vadd.s32 $0x2800, v9;
	v8 =	vadd.s32 $0x5000, v9;
	v2 =	vadd.s32 $0x7800, v9;
	v19 =	vld.idx.msk [tilespmem:v11+s4+$0x0], $0xffff  }
0x123: {  	v20 =	vld [tilespmem:s20+$0xFFFFFFC0];
	v21 =	vadd.s32 $0x2800, v12;
	v10 =	vadd.s32 $0x5000, v12;
	v3 =	vadd.s32 $0x7800, v12  }
0x124: {  	v25 =	vadd.s32 $0x2800, v11;
	v22 =	vld.idx.msk [tilespmem:v4+s4+$0x0], $0xffff;
	v23 =	vadd.s32 $0x2800, v13;
	v24 =	vadd.s32 $0x5000, v13  }
0x125: {  	v4 =	vadd.s32 $0x7800, v13;
	v26 =	vld.idx.msk [tilespmem:v5+s4+$0x0], $0xffff  }
0x126: {  	v27 =	vld.idx.msk [tilespmem:v9+s4+$0x0], $0xffff;
	v28 =	vadd.s32 $0x2800, v17;
	v29 =	vadd.s32 $0x5000, v17;
	v5 =	vadd.s32 $0x7800, v17  }
0x127: {  	v12 =	vld.idx.msk [tilespmem:v12+s4+$0x0], $0xffff  }
0x128: {  	v30 =	vadd.s32 $0x2800, v20;
	v31 =	vadd.s32 $0x5000, v20;
	v9 =	vadd.s32 $0x7800, v20;
	[tilespmem:v15+s9+$0x0] =	vst.idx.add.f32.msk $0xffff, v19  }
0x129: {  	v19 =	vld.idx.msk [tilespmem:v25+s4+$0x0], $0xffff  }
0x12a: {  	v25 =	vadd.s32 $0x2800, v15;
	v13 =	vld.idx.msk [tilespmem:v13+s4+$0x0], $0xffff  }
0x12b: {  	v32 =	vadd.s32 $0x5000, v11;
	v20 =	vld.idx.msk [tilespmem:v20+s4+$0x0], $0xffff  }
0x12c: {  	v17 =	vld.idx.msk [tilespmem:v17+s4+$0x0], $0xffff  }
0x12d: {  	v33 =	vld [tilespmem:s18+$0xFFFFFFC0]  }
0x12e: {  	v34 =	vld [tilespmem:s18+$0xFFFFFFD0]  }
0x12f: {  	[tilespmem:v25+s9+$0x0] =	vst.idx.add.f32.msk $0xffff, v19  }
0x130: {  	v19 =	vld.idx.msk [tilespmem:v32+s4+$0x0], $0xffff  }
0x131: {  	v32 =	vadd.s32 $0x5000, v15;
	v25 =	vld [tilespmem:s18+$0xFFFFFFE0]  }
0x132: {  	v11 =	vadd.s32 $0x7800, v11;
	v35 =	vadd.s32 $0x2800, v33;
	v36 =	vadd.s32 $0x5000, v33;
	v37 =	vld [tilespmem:s18+$0xFFFFFFF0]  }
0x133: {  	v38 =	vadd.s32 $0x7800, v33;
	v39 =	vadd.s32 $0x2800, v34;
	v40 =	vadd.s32 $0x5000, v34;
	v41 =	vld [tilespmem:s18+$0x0]  }
0x134: {  	v42 =	vadd.s32 $0x7800, v34;
	v43 =	vld [tilespmem:s18+$0x10]  }
0x135: {  	v44 =	vld [tilespmem:s18+$0x20]  }
0x136: {  	v45 =	vadd.s32 $0x2800, v25;
	v46 =	vadd.s32 $0x5000, v25;
	v47 =	vadd.s32 $0x7800, v25;
	[tilespmem:v32+s9+$0x0] =	vst.idx.add.f32.msk $0xffff, v19  }
0x137: {  	v19 =	vadd.s32 $0x2800, v37;
	v32 =	vadd.s32 $0x5000, v37;
	v48 =	vadd.s32 $0x7800, v37;
	v11 =	vld.idx.msk [tilespmem:v11+s4+$0x0], $0xffff  }
0x138: {  	v15 =	vadd.s32 $0x7800, v15;
	[tilespmem:v33+s9+$0x0] =	vst.idx.add.f32.msk $0xffff, v20;
	v20 =	vadd.s32 $0x2800, v41;
	v33 =	vadd.s32 $0x5000, v41  }
0x139: {  	[tilespmem:v34+s9+$0x0] =	vst.idx.add.f32.msk $0xffff, v22;
	v22 =	vadd.s32 $0x7800, v41;
	v34 =	vadd.s32 $0x2800, v43;
	v49 =	vadd.s32 $0x5000, v43  }
0x13a: {  	[tilespmem:v25+s9+$0x0] =	vst.idx.add.f32.msk $0xffff, v26;
	v25 =	vadd.s32 $0x7800, v43;
	v26 =	vadd.s32 $0x2800, v44;
	v50 =	vadd.s32 $0x5000, v44  }
0x13b: {  	[tilespmem:v37+s9+$0x0] =	vst.idx.add.f32.msk $0xffff, v27;
	v27 =	vadd.s32 $0x7800, v44  }
0x13c: {  	[tilespmem:v41+s9+$0x0] =	vst.idx.add.f32.msk $0xffff, v12  }
0x13d: {  	[tilespmem:v15+s9+$0x0] =	vst.idx.add.f32.msk $0xffff, v11  }
0x13e: {  	[tilespmem:v43+s9+$0x0] =	vst.idx.add.f32.msk $0xffff, v13  }
0x13f: {  	[tilespmem:v44+s9+$0x0] =	vst.idx.add.f32.msk $0xffff, v17  }
0x140: {  	v11 =	vld.idx.msk [tilespmem:v30+s4+$0x0], $0xffff  }
0x141: {  	v12 =	vld.idx.msk [tilespmem:v14+s4+$0x0], $0xffff  }
0x142: {  	v13 =	vld.idx.msk [tilespmem:v16+s4+$0x0], $0xffff  }
0x143: {  	v14 =	vld.idx.msk [tilespmem:v18+s4+$0x0], $0xffff  }
0x144: {  	v15 =	vld.idx.msk [tilespmem:v21+s4+$0x0], $0xffff  }
0x145: {  	v16 =	vld.idx.msk [tilespmem:v23+s4+$0x0], $0xffff  }
0x146: {  	v17 =	vld.idx.msk [tilespmem:v28+s4+$0x0], $0xffff  }
0x147: {  	[tilespmem:v35+s9+$0x0] =	vst.idx.add.f32.msk $0xffff, v11  }
0x148: {  	[tilespmem:v39+s9+$0x0] =	vst.idx.add.f32.msk $0xffff, v12  }
0x149: {  	[tilespmem:v45+s9+$0x0] =	vst.idx.add.f32.msk $0xffff, v13  }
0x14a: {  	[tilespmem:v19+s9+$0x0] =	vst.idx.add.f32.msk $0xffff, v14  }
0x14b: {  	[tilespmem:v20+s9+$0x0] =	vst.idx.add.f32.msk $0xffff, v15  }
0x14c: {  	[tilespmem:v34+s9+$0x0] =	vst.idx.add.f32.msk $0xffff, v16  }
0x14d: {  	[tilespmem:v26+s9+$0x0] =	vst.idx.add.f32.msk $0xffff, v17  }
0x14e: {  	v11 =	vld.idx.msk [tilespmem:v31+s4+$0x0], $0xffff  }
0x14f: {  	v6 =	vld.idx.msk [tilespmem:v6+s4+$0x0], $0xffff  }
0x150: {  	v7 =	vld.idx.msk [tilespmem:v7+s4+$0x0], $0xffff  }
0x151: {  	v8 =	vld.idx.msk [tilespmem:v8+s4+$0x0], $0xffff  }
0x152: {  	v10 =	vld.idx.msk [tilespmem:v10+s4+$0x0], $0xffff  }
0x153: {  	v12 =	vld.idx.msk [tilespmem:v24+s4+$0x0], $0xffff  }
0x154: {  	v13 =	vld.idx.msk [tilespmem:v29+s4+$0x0], $0xffff  }
0x155: {  	[tilespmem:v36+s9+$0x0] =	vst.idx.add.f32.msk $0xffff, v11  }
0x156: {  	[tilespmem:v40+s9+$0x0] =	vst.idx.add.f32.msk $0xffff, v6  }
0x157: {  	[tilespmem:v46+s9+$0x0] =	vst.idx.add.f32.msk $0xffff, v7  }
0x158: {  	[tilespmem:v32+s9+$0x0] =	vst.idx.add.f32.msk $0xffff, v8  }
0x159: {  	[tilespmem:v33+s9+$0x0] =	vst.idx.add.f32.msk $0xffff, v10  }
0x15a: {  	[tilespmem:v49+s9+$0x0] =	vst.idx.add.f32.msk $0xffff, v12  }
0x15b: {  	[tilespmem:v50+s9+$0x0] =	vst.idx.add.f32.msk $0xffff, v13  }
0x15c: {  	v6 =	vld.idx.msk [tilespmem:v9+s4+$0x0], $0xffff  }
0x15d: {  	v0 =	vld.idx.msk [tilespmem:v0+s4+$0x0], $0xffff  }
0x15e: {  	v1 =	vld.idx.msk [tilespmem:v1+s4+$0x0], $0xffff  }
0x15f: {  	v2 =	vld.idx.msk [tilespmem:v2+s4+$0x0], $0xffff  }
0x160: {  	v3 =	vld.idx.msk [tilespmem:v3+s4+$0x0], $0xffff  }
0x161: {  	v4 =	vld.idx.msk [tilespmem:v4+s4+$0x0], $0xffff  }
0x162: {  	v5 =	vld.idx.msk [tilespmem:v5+s4+$0x0], $0xffff  }
0x163: {  	[tilespmem:v38+s9+$0x0] =	vst.idx.add.f32.msk $0xffff, v6  }
0x164: {  	[tilespmem:v42+s9+$0x0] =	vst.idx.add.f32.msk $0xffff, v0  }
.Ltmp1:
0x165: {  	[tilespmem:v47+s9+$0x0] =	vst.idx.add.f32.msk $0xffff, v1;
	(pc) =	sbr.rel @p0 .LBB2_5-.Ltmp1, $4  }
0x166: {  	[tilespmem:v48+s9+$0x0] =	vst.idx.add.f32.msk $0xffff, v2  }
0x167: {  	[tilespmem:v22+s9+$0x0] =	vst.idx.add.f32.msk $0xffff, v3  }
0x168: {  	[tilespmem:v25+s9+$0x0] =	vst.idx.add.f32.msk $0xffff, v4  }
0x169: {  	s20 =	sadd.s32 $0x80, s20;
	[tilespmem:v27+s9+$0x0] =	vst.idx.add.f32.msk $0xffff, v5  }
0x16a: {  	s17 =	sadd.s32 $0x1, s17  }
0x16b: {  	p0 =	sne.s32 s17, $0x20  }
.Ltmp2:
0x16c: {  	_ = 	snop;
	(pc) =	sbr.rel @p0 .LBB2_2-.Ltmp2, $1  }
0x16d: {  	_ =	sdelay $0x3  }
0x16e: {  	_ =	swait.ge [sflag:s12], $0x1400  }
0x16f: {  	[sflag:s12] =	ssyncset.done $0x0  }
0x170: {  	[sflag:s12] =	ssyncadd.s32 $0xFFFFEC00  }
0x171: {  	s16 =	sadd.s32 $0x1, s16;
	_ =	swait.ge [sflag:s12], $0x1400  }
0x172: {  	p0 =	sne.s32 s16, s7;
	[sflag:s12] =	ssyncset.done $0x0  }
.Ltmp3:
0x173: {  	[sflag:s12] =	ssyncadd.s32 $0xFFFFEC00;
	(pc) =	sbr.rel @p0 .LBB2_1-.Ltmp3, $4  }
0x174: {  	[hbm4b:s6+s4] =	stream.linear.scatter [tilespmem:s9], [sflag:$0x3], $0xA000, $0x38;
	[tilespmem:$0x19000] =	vst v63  }
0x175: {  	_ =	swait.ge [sflag:s8], $0xA000  }
0x176: {  	[sflag:s8] =	ssyncset.done $0x0  }
0x177: {  	[sflag:s8] =	ssyncadd.s32 $0xFFFF6000  }
0x178: {  	_ =	sfence.sel $0x180000  }
0x179: {  	[bflag:$0x0] =	sbarrier.arrive $0xFFFF  }
0x17a: {  	p0 =	sne.s32 s0, $0x0;
	_ =	strace $0x9000004D  }
0x17b: {  	s0 =	sadd.s32 @!p0 $0x100000, s1;
	[bflag:$0x2] =	sbarrier.arrive $0xFFFF  }
0x17c: {  	[sflag:s0] =	ssyncadd.tile.s32 @!p0 $0x1;
	_ =	shalt  }
.Lfunc_end2:
_tile_overlayer_lowered:
.L_overlay_start_2:
0x17d: {  	(tag) =	ssettag $0x2  }
0x17e: {  	s0 =	rddreg [dreg:$0x0];
	s2 =	stileid.u32  }
0x17f: {  	s1 =	rddreg [dreg:$0x1];
	p0 =	sne.s32 s2, $0x0  }
0x180: {  	s3 =	rddreg [dreg:$0x2];
	[bflag:$0x3] =	sbarrier.arrive $0xFFFF;
	s2 =	simm.s32 @!p0 $0x1C03  }
0x181: {  	[timem:s3], [sflag:s2] =	dma.local @!p0 [hbm:s0], s1  }
0x182: {  	s0 =	simm.s32 @!p0 $0x3  }
0x183: {  	_ =	swait.ge @!p0 [sflag:s0], s1  }
0x184: {  	s1 =	ssub.s32 @!p0 $0x0, s1;
	[sflag:s0] =	ssyncset.done @!p0 $0x0  }
0x185: {  	[sflag:s0] =	ssyncadd.s32 @!p0 s1  }
0x186: {  	[bflag:$0x3] =	sbarrier.arrive $0xFFFF  }
0x187: {  	_ =	shalt  }

// kernel: kernel.9.cloned.1.call-start
scs
__scs_entry_jumppad:
0x0: {  	(pc) =	sbr.rel $0x88, $3  }
0x1: {  	(tag) =	ssettag $0x0;
	lr =	simm.s32 $0x1  }
0x2: {  	[smem:$0x3F98] =	sst lr;
	_ =	strace $0xD0000000  }
0x3: {  	_ = 	snop  }
0x4: {  	_ = 	snop  }
0x5: {  	_ = 	snop  }
0x6: {  	_ = 	snop  }
0x7: {  	_ = 	snop  }
__scs_overlays_trampoline_lowered:
0x8: {  	[smem:$0x3FA7] =	sst s0  }
0x9: {  	[smem:$0x3FA8] =	sst s1  }
0xa: {  	[smem:$0x3FA9] =	sst s2  }
0xb: {  	[smem:$0x3FAA] =	sst s3  }
0xc: {  	[smem:$0x3FAB] =	sst s4  }
0xd: {  	[smem:$0x3FAC] =	sst s5  }
0xe: {  	[smem:$0x3FAD] =	sst s6  }
0xf: {  	[smem:$0x3FAE] =	sst s7  }
0x10: {  	[smem:$0x3FAF] =	sst s8  }
0x11: {  	[smem:$0x3FB0] =	sst s9;
	s0 =	simm.s32 @!p0 $0x0  }
0x12: {  	s1 =	sld [smem:$0x3F96];
	s0 =	simm.s32 @p0 $0x1  }
0x13: {  	[smem:$0x3FB1] =	sst s0;
	s0 =	simm.s32 @!p1 $0x0  }
0x14: {  	s2 =	sld [smem:$0x3F95];
	s0 =	simm.s32 @p1 $0x1  }
0x15: {  	[smem:$0x3FB2] =	sst s0;
	s0 =	simm.s32 @!p2 $0x0  }
0x16: {  	s3 =	sld [smem:$0x3FDB];
	s0 =	simm.s32 @p2 $0x1  }
0x17: {  	s4 =	simm.s32 $0x1BF5;
	[smem:$0x3FB4] =	sst s0  }
0x18: {  	s0 =	sld [smem:$0x3F97];
	_ =	swait.ge [sflag:s4], $0x0  }
0x19: {  	s7 =	sld [smem:$0x3F98]  }
0x1a: {  	s8 =	sadd.s32 $0xFFFFE003, lr  }
0x1b: {  	s9 =	sadd.s32 $0xFFFFFEF7, lr;
	s5 =	simm.s32 $0xFFFFFFFF;
	p2 =	slt.u32 s8, $0xFFFFF086  }
0x1c: {  	p1 =	slt.u32 s9, $0xF7A;
	s5 =	simm.s32 @!p2 $0x0  }
0x1d: {  	s5 =	simm.s32 @p1 $0x1;
	p0 =	seq.s32 s7, s2  }
0x1e: {  	s7 =	smul.u32 @!p0 $0xF7A, s2;
	p2 =	seq.s32 @!p0 s5, $0x0  }
0x1f: {  	s9 =	smul.u32 $0xF7A, s1;
	s8 =	simm.s32 @!p0 $0x1BF5;
	p2 =	por !p2, p0  }
0x20: {  	[sflag:s8] =	ssyncset.s32 @!p0 $0xFFFFF086;
	s6 =	sadd.s32 @!p0 s3, s7;
	s7 =	simm.s32 @!p0 $0x108  }
0x21: {  	s3 =	sadd.s32 s3, s9;
	s6 =	sadd.s32 @!p0 $0x88, s6;
	s7 =	simm.s32 @p2 $0x1082  }
0x22: {  	[simem:s7], [sflag:s8] =	dma.local @!p0 [hbm:s6], $0xF7A  }
0x23: {  	s9 =	sor.u32 $0xD0000000, s2;
	s6 =	simm.s32 $0x108;
	_ =	swait.ge @!p0 [sflag:s8], $0x0  }
0x24: {  	s3 =	sadd.s32 $0x88, s3;
	s6 =	simm.s32 @!p1 $0x1082;
	[sflag:s4] =	ssyncset.s32 $0xFFFFF086  }
0x25: {  	[simem:s6], [sflag:s4] =	dma.local [hbm:s3], $0xF7A  }
0x26: {  	[smem:$0x3F98] =	sst s1;
	(tag) =	ssettag s2;
	_ =	strace s9  }
0x27: {  	s1 =	sld [smem:$0x3FA8]  }
0x28: {  	s2 =	sld [smem:$0x3FA9]  }
0x29: {  	s4 =	sld [smem:$0x3FAB]  }
0x2a: {  	p0 =	seq.s32 s5, $0x0;
	s5 =	sld [smem:$0x3FAC]  }
0x2b: {  	s6 =	sld [smem:$0x3FAD]  }
0x2c: {  	s7 =	sld [smem:$0x3FAE]  }
0x2d: {  	s3 =	simm.s32 $0x108;
	s8 =	sld [smem:$0x3FAF]  }
0x2e: {  	s3 =	simm.s32 @!p0 $0x1082;
	s9 =	sld [smem:$0x3FB0]  }
0x2f: {  	lr =	sadd.s32 s0, s3;
	s0 =	sld [smem:$0x3FA7]  }
0x30: {  	s3 =	sld [smem:$0x3FAA]  }
0x31: {  	[smem:$0x3FB3] =	sst s10  }
0x32: {  	s10 =	sld [smem:$0x3FB1];
	_ =	sdelay $0x3  }
0x33: {  	p0 =	seq.s32 s10, $0x1;
	s10 =	sld [smem:$0x3FB3];
	_ =	sdelay $0x3  }
0x34: {  	[smem:$0x3FB3] =	sst s10  }
0x35: {  	s10 =	sld [smem:$0x3FB2];
	_ =	sdelay $0x3  }
0x36: {  	p1 =	seq.s32 s10, $0x1;
	s10 =	sld [smem:$0x3FB3];
	_ =	sdelay $0x3  }
0x37: {  	[smem:$0x3FB3] =	sst s10  }
0x38: {  	s10 =	sld [smem:$0x3FB4]  }
0x39: {  	_ = 	snop;
	(pc) =	sbr.ind lr, $3  }
0x3a: {  	_ = 	snop  }
0x3b: {  	_ = 	snop  }
0x3c: {  	p2 =	seq.s32 s10, $0x1;
	s10 =	sld [smem:$0x3FB3]  }
0x3d: {  	_ =	shalt  }
0x3e: {  	_ =	shalt  }
0x3f: {  	_ =	shalt  }
0x40: {  	_ =	shalt  }
0x41: {  	_ =	shalt  }
0x42: {  	_ =	shalt  }
0x43: {  	_ =	shalt  }
0x44: {  	_ =	shalt  }
0x45: {  	_ =	shalt  }
0x46: {  	_ =	shalt  }
0x47: {  	_ =	shalt  }
0x48: {  	_ =	shalt  }
0x49: {  	_ =	shalt  }
0x4a: {  	_ =	shalt  }
0x4b: {  	_ =	shalt  }
0x4c: {  	_ =	shalt  }
0x4d: {  	_ =	shalt  }
0x4e: {  	_ =	shalt  }
0x4f: {  	_ =	shalt  }
0x50: {  	_ =	shalt  }
0x51: {  	_ =	shalt  }
0x52: {  	_ =	shalt  }
0x53: {  	_ =	shalt  }
0x54: {  	_ =	shalt  }
0x55: {  	_ =	shalt  }
0x56: {  	_ =	shalt  }
0x57: {  	_ =	shalt  }
0x58: {  	_ =	shalt  }
0x59: {  	_ =	shalt  }
0x5a: {  	_ =	shalt  }
0x5b: {  	_ =	shalt  }
0x5c: {  	_ =	shalt  }
0x5d: {  	_ =	shalt  }
0x5e: {  	_ =	shalt  }
0x5f: {  	_ =	shalt  }
0x60: {  	_ =	shalt  }
0x61: {  	_ =	shalt  }
0x62: {  	_ =	shalt  }
0x63: {  	_ =	shalt  }
0x64: {  	_ =	shalt  }
0x65: {  	_ =	shalt  }
0x66: {  	_ =	shalt  }
0x67: {  	_ =	shalt  }
0x68: {  	_ =	shalt  }
0x69: {  	_ =	shalt  }
0x6a: {  	_ =	shalt  }
0x6b: {  	_ =	shalt  }
0x6c: {  	_ =	shalt  }
0x6d: {  	_ =	shalt  }
0x6e: {  	_ =	shalt  }
0x6f: {  	_ =	shalt  }
0x70: {  	_ =	shalt  }
0x71: {  	_ =	shalt  }
0x72: {  	_ =	shalt  }
0x73: {  	_ =	shalt  }
0x74: {  	_ =	shalt  }
0x75: {  	_ =	shalt  }
0x76: {  	_ =	shalt  }
0x77: {  	_ =	shalt  }
0x78: {  	_ =	shalt  }
0x79: {  	_ =	shalt  }
0x7a: {  	_ =	shalt  }
0x7b: {  	_ =	shalt  }
0x7c: {  	_ =	shalt  }
0x7d: {  	_ =	shalt  }
0x7e: {  	_ =	shalt  }
0x7f: {  	_ =	shalt  }
0x80: {  	_ =	shalt  }
0x81: {  	_ =	shalt  }
0x82: {  	_ =	shalt  }
0x83: {  	_ =	shalt  }
0x84: {  	_ =	shalt  }
0x85: {  	_ =	shalt  }
0x86: {  	_ =	shalt  }
0x87: {  	_ =	shalt  }
.Lfunc_end0:
.L_simem_size_0:
called_computation_lowered:
.L_overlay_start_0:
0x88: {  	s2 =	sld [smem:$0x3FD9]  }
0x89: {  	s3 =	sld [smem:$0x3FFE];
	_ =	sdelay $0x1  }
0x8a: {  	s1 =	srdreg.scid  }
0x8b: {  	s0 =	sand.u32 $0x1, s1  }
0x8c: {  	s14 =	sshll.u32 s0, $0xA;
	s2 =	sadd.s32 s3, s2  }
0x8d: {  	s2 =	sadd.s32 s2, s14  }
0x8e: {  	[smem:$0x3FBF] =	sst s2  }
0x8f: {  	_ = 	snop  }
0x90: {  	s2 =	sld [smem:$0x3FD0];
	_ =	sdelay $0x2  }
0x91: {  	s15 =	simm.s32 $0xB;
	s4 =	simm.s32 $0x10  }
0x92: {  	[smem:s4], [sflag:s15] =	dma.local [hbm:s2], $0x1  }
0x93: {  	_ =	swait.eq [sflag:s15], $0x1  }
0x94: {  	[sflag:s15] =	ssyncset.done $0x0  }
0x95: {  	[sflag:s15] =	ssyncadd.s32 $0xFFFFFFFF  }
0x96: {  	s16 =	sld [smem:$0x11];
	(tm) =	ssettm $0x1  }
0x97: {  	s17 =	sld [smem:$0x3FFB];
	_ =	sdelay $0x3  }
0x98: {  	_ =	strace s17  }
0x99: {  	s3 =	sld [smem:$0x3FFC];
	_ =	sdelay $0x3  }
0x9a: {  	_ =	strace s3  }
0x9b: {  	s3 =	sld [smem:$0x3FFD];
	_ =	sdelay $0x3  }
0x9c: {  	_ =	strace s3  }
0x9d: {  	_ =	strace $0x8FFFFFFF  }
0x9e: {  	s18 =	sld [smem:$0x3FDB];
	_ =	sdelay $0x1  }
0x9f: {  	s19 =	simm.s32 $_scs_section_size  }
0xa0: {  	s5 =	simm.s32 $_size__tile_overlayer_lowered;
	s6 =	simm.s32 $_tile_overlayer_lowered  }
0xa1: {  	s22 =	simm.s32 $0x1BFF;
	s21 =	sshll.u32 s6, $0x1;
	s3 =	sadd.s32 s19, s18  }
0xa2: {  	s7 =	simm.s32 $0x0;
	s20 =	sshll.u32 s5, $0x1;
	s5 =	sadd.s32 s21, s3  }
0xa3: {  	[timem:s7], [sflag:s22] =	dma.local [hbm:s5], s20  }
0xa4: {  	_ =	swait.ge [sflag:s22], s20  }
0xa5: {  	s4 =	ssub.s32 $0x0, s20;
	[sflag:s22] =	ssyncset.done $0x0  }
0xa6: {  	[sflag:s22] =	ssyncadd.s32 s4;
	_ =	sdelay $0x1  }
0xa7: {  	s23 =	simm.s32 $0x1B8B  }
0xa8: {  	_ =	swait.ge [sflag:s23], $0x1  }
0xa9: {  	[sflag:s23] =	ssyncset.done $0x0  }
0xaa: {  	s25 =	simm.s32 $0x1B8E;
	s24 =	sld [smem:$0x3FFE];
	[sflag:s23] =	ssyncadd.s32 $0xFFFFFFFF  }
0xab: {  	s26 =	simm.s32 $execute0_lowered;
	[smem:$0x3FD2] =	sst s25  }
0xac: {  	s5 =	sshll.u32 s26, $0x1;
	_ =	strace $0x80000046;
	[dreg:$0x1] =	wrdreg $0xFFFFFFFF  }
0xad: {  	s28 =	simm.s32 $_size_execute0_lowered;
	s3 =	sadd.s32 s3, s5;
	[dreg:$0x0] =	wrdreg $0x0  }
0xae: {  	s5 =	sshll.u32 s28, $0x1;
	[dreg:$0x2] =	wrdreg s3  }
0xaf: {  	[dreg:$0x3] =	wrdreg s5  }
0xb0: {  	[dreg:$0x4] =	wrdreg $0xC0  }
0xb1: {  	_ =	task [dreg:s7], $0x5FFFF  }
0xb2: {  	[dreg:$0x1] =	wrdreg $0xFFFFFFFF  }
0xb3: {  	[dreg:$0x0] =	wrdreg $0x60  }
0xb4: {  	[dreg:$0x2] =	wrdreg s24  }
0xb5: {  	[dreg:$0x3] =	wrdreg s16  }
0xb6: {  	[dreg:$0x4] =	wrdreg $0x9  }
0xb7: {  	_ =	task.clear_ibuf [dreg:s7], $0x5FFFF;
	_ =	strace $0x90000046  }
0xb8: {  	s29 =	simm.s32 $0x9;
	_ =	strace $0x80000048  }
0xb9: {  	_ =	swait.ge [sflag:s29], $0x1  }
0xba: {  	[sflag:s29] =	ssyncadd.s32 $0xFFFFFFFF  }
0xbb: {  	_ =	strace $0x90000048  }
0xbc: {  	_ =	sfence  }
0xbd: {  	s30 =	sld [smem:$0x0];
	_ =	sdelay $0x2  }
0xbe: {  	s31 =	sshll.u32 s1, $0xD;
	s1 =	sshrl.u32 s1, $0x2  }
0xbf: {  	s3 =	sand.u32 $0x4000, s31;
	s1 =	sadd.s32 s1, s30  }
0xc0: {  	s0 =	sor.u32 s3, s0;
	s1 =	sshll.u32 s1, $0x11  }
0xc1: {  	s0 =	sor.u32 s1, s0  }
0xc2: {  	s0 =	sadd.s32 $0x8F2B, s0  }
0xc3: {  	[sflag:s0] =	ssyncadd.remote.s32 $0x1  }
0xc4: {  	_ =	sfence.sel $0xFFFF  }
0xc5: {  	[dreg:$0x0] =	wrdreg $0xFFFFFFFF;
	(pc) =	sbr.abs _section_cstart, $3  }
0xc6: {  	[dreg:$0x1] =	wrdreg $0xFFFFFFFF  }
0xc7: {  	_ =	task.clear_ibuf [dreg:s7], $0x2FFFF;
	_ =	strace $0x9FFFFFFF  }
0xc8: {  	(tm) =	ssettm $0x7FFFFFFF  }
0xc9: {  	_ =	shalt  }
tec
execute0_lowered:
.L_overlay_start_1:
0x0: {  	(tag) =	ssettag $0x1  }
0x1: {  	s0 =	srdreg.scid  }
0x2: {  	s3 =	sand.u32 $0x1, s0  }
0x3: {  	s4 =	rddreg [dreg:$0x0];
	s1 =	stileid.u32;
	s6 =	sshll.u32 s3, $0x4  }
0x4: {  	s5 =	rddreg [dreg:$0x1];
	s2 =	simm.s32 $0x0;
	s6 =	sor.u32 s1, s6  }
0x5: {  	s10 =	simm.s32 $0x0;
	s0 =	rddreg [dreg:$0x2];
	s7 =	smul.u32 $0x2800, s6  }
0x6: {  	[smem:$0x7FF] =	sst s2;
	s8 =	ssub.s32 $0x2, s3;
	s6 =	smul.u32 $0x500, s6  }
0x7: {  	_ =	strace $0x80000047;
	s3 =	sadd.s32 $0x1A00, s4;
	s9 =	sshrl.u32 s8, $0x1  }
0x8: {  	s8 =	ssub.s32 s8, s9;
	s7 =	sshrl.u32 s7, $0x3;
	s6 =	sadd.s32 s6, s4  }
0x9: {  	s9 =	simm.s32 $0x2800;
	s4 =	sadd.s32 s5, s7;
	s5 =	sadd.s32 $0x2000, s6  }
0xa: {  	s6 =	smax.u32 s8, $0x1;
	s8 =	simm.s32 $0x1;
	s7 =	sadd.s32 $0x280, s4  }
.LBB2_1:
0xb: {  	[tilespmem:s2], [sflag:$0x1] =	stream.linear.gather [hbm4b:s3+s2], $0x2800, $0x38;
	[tilespmem:$0x3C00] =	vst v63  }
0xc: {  	_ =	swait.ge [sflag:s8], $0x2800  }
0xd: {  	[sflag:s8] =	ssyncset.done $0x0  }
0xe: {  	[sflag:s8] =	ssyncadd.s32 $0xFFFFD800  }
0xf: {  	v0 =	vld [tilespmem:$0x0];
	[tilespmem:s9], [sflag:$0x1] =	stream.linear.gather [hbm4b:s4+s2], $0x1400, $0x38  }
0x10: {  	_ =	swait.ge [sflag:s8], $0x1400  }
0x11: {  	[sflag:s8] =	ssyncset.done $0x0  }
0x12: {  	s11 =	simm.s32 $0x2840;
	[sflag:s8] =	ssyncadd.s32 $0xFFFFEC00  }
0x13: {  	v2 =	vld [tilespmem:s11+$0xFFFFFFC0]  }
0x14: {  	v3 =	vld [tilespmem:s11+$0x30]  }
0x15: {  	v4 =	vld [tilespmem:s11+$0x20]  }
0x16: {  	v5 =	vld [tilespmem:s11+$0x10]  }
0x17: {  	v6 =	vld [tilespmem:s11+$0x0]  }
0x18: {  	v7 =	vld [tilespmem:s11+$0xFFFFFFF0]  }
0x19: {  	v8 =	vld [tilespmem:s11+$0xFFFFFFE0];
	v0 =	vadd.f32 $1.000000000e+00, v0  }
0x1a: {  	v1 =	vld [tilespmem:s11+$0xFFFFFFD0]  }
0x1b: {  	[tilespmem:v2+s2+$0x0] =	vst.idx.add.f32.msk $0xffff, v0  }
0x1c: {  	[tilespmem:v3+s2+$0x0] =	vst.idx.add.f32.msk $0xffff, v0  }
0x1d: {  	[tilespmem:v4+s2+$0x0] =	vst.idx.add.f32.msk $0xffff, v0  }
0x1e: {  	[tilespmem:v5+s2+$0x0] =	vst.idx.add.f32.msk $0xffff, v0  }
0x1f: {  	[tilespmem:v6+s2+$0x0] =	vst.idx.add.f32.msk $0xffff, v0  }
0x20: {  	[tilespmem:v7+s2+$0x0] =	vst.idx.add.f32.msk $0xffff, v0  }
0x21: {  	s12 =	simm.s32 $0x0;
	[tilespmem:v8+s2+$0x0] =	vst.idx.add.f32.msk $0xffff, v0  }
.LBB2_2:
0x22: {  	s12 =	sadd.s32 $0x8, s12;
	[tilespmem:v1+s2+$0x0] =	vst.idx.add.f32.msk $0xffff, v0;
	s11 =	sadd.s32 $0x80, s11  }
0x23: {  	v2 =	vld [tilespmem:s11+$0xFFFFFFC0];
	p0 =	slt.u32 s12, $0x138  }
0x24: {  	v3 =	vld [tilespmem:s11+$0x30]  }
0x25: {  	v4 =	vld [tilespmem:s11+$0x20]  }
0x26: {  	v5 =	vld [tilespmem:s11+$0x10]  }
0x27: {  	v6 =	vld [tilespmem:s11+$0x0]  }
0x28: {  	v7 =	vld [tilespmem:s11+$0xFFFFFFF0]  }
0x29: {  	v8 =	vld [tilespmem:s11+$0xFFFFFFE0]  }
0x2a: {  	v1 =	vld [tilespmem:s11+$0xFFFFFFD0]  }
0x2b: {  	[tilespmem:v2+s2+$0x0] =	vst.idx.add.f32.msk $0xffff, v0  }
0x2c: {  	[tilespmem:v3+s2+$0x0] =	vst.idx.add.f32.msk $0xffff, v0  }
.Ltmp0:
0x2d: {  	[tilespmem:v4+s2+$0x0] =	vst.idx.add.f32.msk $0xffff, v0;
	(pc) =	sbr.rel @p0 .LBB2_2-.Ltmp0, $4  }
0x2e: {  	[tilespmem:v5+s2+$0x0] =	vst.idx.add.f32.msk $0xffff, v0  }
0x2f: {  	[tilespmem:v6+s2+$0x0] =	vst.idx.add.f32.msk $0xffff, v0  }
0x30: {  	[tilespmem:v7+s2+$0x0] =	vst.idx.add.f32.msk $0xffff, v0  }
0x31: {  	[tilespmem:v8+s2+$0x0] =	vst.idx.add.f32.msk $0xffff, v0  }
0x32: {  	_ =	sdelay $0x3  }
0x33: {  	[tilespmem:v1+s2+$0x0] =	vst.idx.add.f32.msk $0xffff, v0  }
0x34: {  	[tilespmem:s9], [sflag:$0x1] =	stream.linear.gather [hbm4b:s7+s2], $0x1400, $0x38;
	[tilespmem:$0x3C00] =	vst v63  }
0x35: {  	_ =	swait.ge [sflag:s8], $0x1400  }
0x36: {  	[sflag:s8] =	ssyncset.done $0x0  }
0x37: {  	s11 =	simm.s32 $0x2840;
	[sflag:s8] =	ssyncadd.s32 $0xFFFFEC00  }
0x38: {  	v2 =	vld [tilespmem:s11+$0xFFFFFFC0]  }
0x39: {  	v3 =	vld [tilespmem:s11+$0x30]  }
0x3a: {  	v4 =	vld [tilespmem:s11+$0x20]  }
0x3b: {  	v5 =	vld [tilespmem:s11+$0x10]  }
0x3c: {  	v6 =	vld [tilespmem:s11+$0x0]  }
0x3d: {  	v7 =	vld [tilespmem:s11+$0xFFFFFFF0]  }
0x3e: {  	v8 =	vld [tilespmem:s11+$0xFFFFFFE0]  }
0x3f: {  	v1 =	vld [tilespmem:s11+$0xFFFFFFD0]  }
0x40: {  	[tilespmem:v2+s2+$0x0] =	vst.idx.add.f32.msk $0xffff, v0  }
0x41: {  	[tilespmem:v3+s2+$0x0] =	vst.idx.add.f32.msk $0xffff, v0  }
0x42: {  	[tilespmem:v4+s2+$0x0] =	vst.idx.add.f32.msk $0xffff, v0  }
0x43: {  	[tilespmem:v5+s2+$0x0] =	vst.idx.add.f32.msk $0xffff, v0  }
0x44: {  	[tilespmem:v6+s2+$0x0] =	vst.idx.add.f32.msk $0xffff, v0  }
0x45: {  	[tilespmem:v7+s2+$0x0] =	vst.idx.add.f32.msk $0xffff, v0  }
0x46: {  	s12 =	simm.s32 $0x0;
	[tilespmem:v8+s2+$0x0] =	vst.idx.add.f32.msk $0xffff, v0  }
.LBB2_4:
0x47: {  	s12 =	sadd.s32 $0x8, s12;
	[tilespmem:v1+s2+$0x0] =	vst.idx.add.f32.msk $0xffff, v0;
	s11 =	sadd.s32 $0x80, s11  }
0x48: {  	v2 =	vld [tilespmem:s11+$0xFFFFFFC0];
	p0 =	slt.u32 s12, $0x138  }
0x49: {  	v3 =	vld [tilespmem:s11+$0x30]  }
0x4a: {  	v4 =	vld [tilespmem:s11+$0x20]  }
0x4b: {  	v5 =	vld [tilespmem:s11+$0x10]  }
0x4c: {  	v6 =	vld [tilespmem:s11+$0x0]  }
0x4d: {  	v7 =	vld [tilespmem:s11+$0xFFFFFFF0]  }
0x4e: {  	v8 =	vld [tilespmem:s11+$0xFFFFFFE0]  }
0x4f: {  	v1 =	vld [tilespmem:s11+$0xFFFFFFD0]  }
0x50: {  	[tilespmem:v2+s2+$0x0] =	vst.idx.add.f32.msk $0xffff, v0  }
0x51: {  	[tilespmem:v3+s2+$0x0] =	vst.idx.add.f32.msk $0xffff, v0  }
.Ltmp1:
0x52: {  	[tilespmem:v4+s2+$0x0] =	vst.idx.add.f32.msk $0xffff, v0;
	(pc) =	sbr.rel @p0 .LBB2_4-.Ltmp1, $4  }
0x53: {  	[tilespmem:v5+s2+$0x0] =	vst.idx.add.f32.msk $0xffff, v0  }
0x54: {  	[tilespmem:v6+s2+$0x0] =	vst.idx.add.f32.msk $0xffff, v0  }
0x55: {  	[tilespmem:v7+s2+$0x0] =	vst.idx.add.f32.msk $0xffff, v0  }
0x56: {  	[tilespmem:v8+s2+$0x0] =	vst.idx.add.f32.msk $0xffff, v0  }
0x57: {  	_ =	sdelay $0x1  }
0x58: {  	s10 =	sadd.s32 $0x1, s10  }
0x59: {  	p0 =	sne.s32 s10, s6  }
.Ltmp2:
0x5a: {  	[tilespmem:v1+s2+$0x0] =	vst.idx.add.f32.msk $0xffff, v0;
	(pc) =	sbr.rel @p0 .LBB2_1-.Ltmp2, $4  }
0x5b: {  	[hbm4b:s5+s2] =	stream.linear.scatter [tilespmem:s2], [sflag:$0x1], $0x2800, $0x38;
	[tilespmem:$0x3C00] =	vst v63  }
0x5c: {  	_ =	swait.ge [sflag:s8], $0x2800  }
0x5d: {  	[sflag:s8] =	ssyncset.done $0x0  }
0x5e: {  	[sflag:s8] =	ssyncadd.s32 $0xFFFFD800  }
0x5f: {  	_ =	sfence.sel $0x180000  }
0x60: {  	[bflag:$0x0] =	sbarrier.arrive $0xFFFF  }
0x61: {  	p0 =	sne.s32 s1, $0x0;
	_ =	strace $0x90000047  }
0x62: {  	s0 =	sadd.s32 @!p0 $0x100000, s0;
	[bflag:$0x2] =	sbarrier.arrive $0xFFFF  }
0x63: {  	[sflag:s0] =	ssyncadd.tile.s32 @!p0 $0x1;
	_ =	shalt  }
.Lfunc_end2:
_tile_overlayer_lowered:
.L_overlay_start_2:
0x64: {  	(tag) =	ssettag $0x2  }
0x65: {  	s0 =	rddreg [dreg:$0x0];
	s2 =	stileid.u32  }
0x66: {  	s1 =	rddreg [dreg:$0x1];
	p0 =	sne.s32 s2, $0x0  }
0x67: {  	s3 =	rddreg [dreg:$0x2];
	[bflag:$0x3] =	sbarrier.arrive $0xFFFF;
	s2 =	simm.s32 @!p0 $0x1C01  }
0x68: {  	[timem:s3], [sflag:s2] =	dma.local @!p0 [hbm:s0], s1  }
0x69: {  	s0 =	simm.s32 @!p0 $0x1  }
0x6a: {  	_ =	swait.ge @!p0 [sflag:s0], s1  }
0x6b: {  	s1 =	ssub.s32 @!p0 $0x0, s1;
	[sflag:s0] =	ssyncset.done @!p0 $0x0  }
0x6c: {  	[sflag:s0] =	ssyncadd.s32 @!p0 s1  }
0x6d: {  	[bflag:$0x3] =	sbarrier.arrive $0xFFFF  }
0x6e: {  	_ =	shalt  }

</sc_bundles>
